<compile_context>
chip_gen: v7x
topology: tpu7x:2x2x1
jax: 0.10.2.dev20260603
libtpu: 0.0.44.dev20260713+nightly
codegen_flags: <defaults>
</compile_context>

<pallas_src>
import functools

import jax
import jax.numpy as jnp
from jax import lax
from jax.experimental import pallas as pl
from jax.experimental.pallas import tpu as pltpu
from jax.experimental.pallas import tpu_sc as plsc

_NC = 2
_NS = 16
_NW = _NC * _NS
_L = 128
_NBUF = 12
_SS = 10


def _sc_gather(tt, idxs):
    D, V = tt.shape
    B = idxs.shape[0]
    perw = B // _NW
    mesh = plsc.VectorSubcoreMesh(core_axis_name="c", subcore_axis_name="s")

    @functools.partial(
        pl.kernel,
        mesh=mesh,
        out_type=jax.ShapeDtypeStruct((_NW, D, perw), jnp.float32),
        scratch_types=[
            pltpu.VMEM((perw + 16,), jnp.int32),
            pltpu.VMEM((_NBUF, D, _L), jnp.float32),
            pltpu.VMEM((D, perw), jnp.float32),
            pltpu.SemaphoreType.DMA((_NBUF,)),
        ],
        compiler_params=pltpu.CompilerParams(needs_layout_passes=False),
    )
    def gather_kernel(tt_hbm, idx_hbm, out_hbm, idx_v, colbuf, outbuf, sems):
        wid = lax.axis_index("s") * _NC + lax.axis_index("c")
        base = wid * perw

        @pl.when(wid < _NW)
        def _active():
            pltpu.sync_copy(idx_hbm.at[pl.ds(base, perw)], idx_v.at[pl.ds(0, perw)])

            def idx_at(j):
                return idx_v[pl.ds(j, 16)][0]

            def start_fetch(j):
                q = pl.multiple_of((idx_at(j) // _L) * _L, _L)
                pltpu.make_async_copy(
                    tt_hbm.at[:, pl.ds(q, _L)], colbuf.at[j % _NBUF], sems.at[j % _NBUF]
                ).start()

            for j in range(_NBUF):
                start_fetch(j)

            iota16 = lax.iota(jnp.int32, 16)

            def body(j, carry):
                pltpu.make_async_copy(
                    tt_hbm.at[:, pl.ds(0, _L)], colbuf.at[j % _NBUF], sems.at[j % _NBUF]
                ).wait()
                rv = jnp.full((16,), idx_at(j) % _L, jnp.int32)
                jv = jnp.full((16,), j, jnp.int32)
                tile = colbuf.at[j % _NBUF]
                for c in range(D // 16):
                    dv = iota16 + 16 * c
                    vals = plsc.load_gather(tile, [dv, rv])
                    plsc.store_scatter(outbuf, [dv, jv], vals)

                @pl.when(j + _NBUF < perw)
                def _():
                    start_fetch(j + _NBUF)

                return carry

            lax.fori_loop(0, perw, body, 0, unroll=False)
            pltpu.sync_copy(outbuf, out_hbm.at[wid])

    return gather_kernel(tt, idxs)


def _make_add_body(aliased, nw, perw):
    def body(*refs):
        if aliased:
            x_ref, e3_ref, _prev, o_ref, es_ref = refs
        else:
            x_ref, e3_ref, o_ref, es_ref = refs

        @pl.when(pl.program_id(0) == 0)
        def _():
            for w in range(nw):
                es_ref[:, perw * w:perw * (w + 1)] = e3_ref[w]

        o_ref[...] = x_ref[...] + es_ref[...]

    return body


_CHUNKS = ((0, 2048), (2048, 2048))


def kernel(x, idxs, embedding_weight):
    B, S, D = x.shape
    xv = jnp.transpose(x, (1, 2, 0))
    tt = embedding_weight.T

    idxs32 = idxs.astype(jnp.int32)
    embs = [_sc_gather(tt, idxs32[off:off + bc]) for off, bc in _CHUNKS]

    out = None
    for c, (off, bc) in enumerate(_CHUNKS):
        perw = bc // _NW
        cblk = off // bc
        in_specs = [
            pl.BlockSpec((_SS, D, bc), lambda i, cblk=cblk: (i, 0, cblk)),
            pl.BlockSpec((_NW, D, perw), lambda i: (0, 0, 0)),
        ]
        args = [xv, embs[c]]
        if out is None:
            io_alias = {}
        else:
            in_specs.append(pl.BlockSpec(memory_space=pl.ANY))
            args.append(out)
            io_alias = {2: 0}
        out = pl.pallas_call(
            _make_add_body(out is not None, _NW, perw),
            grid=(S // _SS,),
            in_specs=in_specs,
            out_specs=pl.BlockSpec((_SS, D, bc), lambda i, cblk=cblk: (i, 0, cblk)),
            out_shape=jax.ShapeDtypeStruct((S, D, B), jnp.float32),
            input_output_aliases=io_alias,
            scratch_shapes=[pltpu.VMEM((D, bc), jnp.float32)],
        )(*args)
    return jnp.transpose(out, (2, 0, 1))

# --- scband reference (transcript-rebuilt; emitter-appended) ---
"""Pipeline reference for scband-tsindex-embedding-encoder-64295660421839 (READ-ONLY COPY).

The authoritative reference and input builder live on the scoring server;
editing this copy changes nothing except your own understanding.
"""

import jax, jax.numpy as jnp
import numpy as np


def setup_inputs(seed: int = 0) -> dict:
    key = jax.random.key(seed)
    k1, k2, k3 = jax.random.split(key, 3)
    x = jax.random.normal(k1, (4096, 200, 64), dtype=jnp.float32)
    idxs = jax.random.randint(k2, (4096,), 0, 1000000, dtype=jnp.int64 if jax.config.jax_enable_x64 else jnp.int32)
    # nn.Embedding(n_ts=1000000, d_model=64) weight, default init N(0,1)
    embedding_weight = jax.random.normal(k3, (1000000, 64), dtype=jnp.float32)
    return {"x": x, "idxs": idxs, "embedding_weight": embedding_weight}


def reference(x, idxs, embedding_weight):
    # x = x + self.embedding(idxs.long()).unsqueeze(1)
    emb = jnp.take(embedding_weight, idxs.astype(jnp.int32), axis=0)  # [B, d_model]
    out = x + emb[:, None, :]  # broadcast over seq dim
    return out

if __name__ == "__main__":
    import jax
    _d = setup_inputs()
    print(jax.jit(kernel)(*tuple(_d.values())))

</pallas_src>

<mosaic_0001>
#map = affine_map<(d0, d1) -> (0, 0)>
#map1 = affine_map<(d0, d1) -> (0)>
#map2 = affine_map<(d0, d1) -> (0, 0, 0)>
module attributes {stable_mosaic.version = 14 : i64} {
  func.func @gather_kernel(%arg0: i32, %arg1: i32, %arg2: memref<64x1000000xf32, #tpu.memory_space<hbm>>, %arg3: memref<2048xi32, #tpu.memory_space<hbm>>, %arg4: memref<32x64x64xf32, #tpu.memory_space<hbm>>, %arg5: memref<80xi32, #tpu.memory_space<vmem>>, %arg6: memref<12x64x128xf32, #tpu.memory_space<vmem>>, %arg7: memref<64x64xf32, #tpu.memory_space<vmem>>, %arg8: memref<12x!tpu.dma_semaphore, #tpu.memory_space<semaphore_mem>>) attributes {dimension_semantics = [#tpu.dimension_semantics<core_parallel>, #tpu.dimension_semantics<subcore_parallel>], iteration_bounds = array<i64: 2, 16>, scalar_prefetch = 0 : i64, scratch_operands = 4 : i64, tpu.core_type = #tpu.core_type<sc_vector_subcore>, window_params = [{transform_indices = #map}, {transform_indices = #map1}, {transform_indices = #map2}]} {
    %mul3A = arith.constant 2 : i32
    %mul3A_0 = arith.muli %arg1, %mul3A : i32
    %add3A = arith.addi %mul3A_0, %arg0 : i32
    %mul3A_1 = arith.constant 64 : i32
    %mul3A_2 = arith.muli %add3A, %mul3A_1 : i32
    %lt3A = arith.constant 32 : i32
    %lt3A_3 = arith.cmpi slt, %add3A, %lt3A : i32
    %convert_element_type3A = arith.extui %lt3A_3 : i1 to i32
    %cond3A = arith.constant 0 : i32
    %cond3A_4 = arith.cmpi ne, %convert_element_type3A, %cond3A : i32
    scf.if %cond3A_4 {
      "tpu.region"() ({
        %run_scoped3A = tpu.sem_alloc : memref<!tpu.dma_semaphore, #tpu.memory_space<semaphore_mem>>
        %dma_start3A_561 = arith.constant 0 : i32
        %dma_start3A_562 = tpu.memref_slice %arg5[%dma_start3A_561] : memref<80xi32, #tpu.memory_space<vmem>> -> memref<64xi32, #tpu.memory_space<vmem>>
        %dma_start3A_563 = tpu.memref_slice %arg3[%mul3A_2] : memref<2048xi32, #tpu.memory_space<hbm>> -> memref<64xi32, #tpu.memory_space<hbm>>
        %dma_start3A_564 = arith.constant 0 : i32
        %dma_start3A_565 = tpu.memref_slice %arg5[%dma_start3A_564] : memref<80xi32, #tpu.memory_space<vmem>> -> memref<64xi32, #tpu.memory_space<vmem>>
        %dma_start3A_566 = tpu.memref_slice %arg3[%mul3A_2] : memref<2048xi32, #tpu.memory_space<hbm>> -> memref<64xi32, #tpu.memory_space<hbm>>
        tpu.enqueue_dma source(%dma_start3A_566 : memref<64xi32, #tpu.memory_space<hbm>>) target(%dma_start3A_565 : memref<64xi32, #tpu.memory_space<vmem>>) target_semaphore(%run_scoped3A : memref<!tpu.dma_semaphore, #tpu.memory_space<semaphore_mem>>)
        %dma_wait3A = arith.constant 0 : i32
        %dma_wait3A_567 = tpu.memref_slice %arg5[%dma_wait3A] : memref<80xi32, #tpu.memory_space<vmem>> -> memref<64xi32, #tpu.memory_space<vmem>>
        %dma_wait3A_568 = tpu.memref_slice %arg3[%mul3A_2] : memref<2048xi32, #tpu.memory_space<hbm>> -> memref<64xi32, #tpu.memory_space<hbm>>
        %dma_wait3A_569 = arith.constant 0 : i32
        %dma_wait3A_570 = tpu.memref_slice %arg5[%dma_wait3A_569] : memref<80xi32, #tpu.memory_space<vmem>> -> memref<64xi32, #tpu.memory_space<vmem>>
        %dma_wait3A_571 = tpu.memref_slice %arg3[%mul3A_2] : memref<2048xi32, #tpu.memory_space<hbm>> -> memref<64xi32, #tpu.memory_space<hbm>>
        tpu.wait_dma2 semaphore(%run_scoped3A : memref<!tpu.dma_semaphore, #tpu.memory_space<semaphore_mem>>) src(%dma_wait3A_571 : memref<64xi32, #tpu.memory_space<hbm>>) dst(%dma_wait3A_570 : memref<64xi32, #tpu.memory_space<vmem>>)
        tpu.yield
      }) : () -> ()
      %get3A = arith.constant 0 : index
      %get3A_5 = tpu.vector_load %arg5[%get3A] {strides = array<i32>} : memref<80xi32, #tpu.memory_space<vmem>>, vector<16xi32>,
      %slice3A = vector.extract_strided_slice %get3A_5 {offsets = [0], sizes = [1], strides = [1]} : vector<16xi32> to vector<1xi32>
      %squeeze3A = vector.extract %slice3A[0] : i32 from vector<1xi32>
      %jit3A = arith.constant 128 : i32
      %div3A = arith.divsi %squeeze3A, %jit3A : i32
      %sign3A = arith.constant 0 : i32
      %sign3A_6 = arith.cmpi sgt, %squeeze3A, %sign3A : i32
      %sign3A_7 = arith.extui %sign3A_6 : i1 to i32
      %sign3A_8 = arith.constant 0 : i32
      %sign3A_9 = arith.cmpi slt, %squeeze3A, %sign3A_8 : i32
      %sign3A_10 = arith.extui %sign3A_9 : i1 to i32
      %sign3A_11 = arith.subi %sign3A_7, %sign3A_10 : i32
      %sign3A_12 = arith.constant 0 : i32
      %sign3A_13 = arith.cmpi sgt, %jit3A, %sign3A_12 : i32
      %sign3A_14 = arith.extui %sign3A_13 : i1 to i32
      %sign3A_15 = arith.constant 0 : i32
      %sign3A_16 = arith.cmpi slt, %jit3A, %sign3A_15 : i32
      %sign3A_17 = arith.extui %sign3A_16 : i1 to i32
      %sign3A_18 = arith.subi %sign3A_14, %sign3A_17 : i32
      %ne3A = arith.cmpi ne, %sign3A_11, %sign3A_18 : i32
      %rem3A = arith.remsi %squeeze3A, %jit3A : i32
      %ne3A_19 = arith.constant 0 : i32
      %ne3A_20 = arith.cmpi ne, %rem3A, %ne3A_19 : i32
      %and3A = arith.andi %ne3A, %ne3A_20 : i1
      %sub3A = arith.constant 1 : i32
      %sub3A_21 = arith.subi %div3A, %sub3A : i32
      %select_n3A = arith.select %and3A, %sub3A_21, %div3A : i32
      %mul3A_22 = arith.constant 128 : i32
      %mul3A_23 = arith.muli %select_n3A, %mul3A_22 : i32
      %multiple_of3A = tpu.assume_multiple %mul3A_23, 128 : i32
      %dma_start3A = arith.constant 0 : i32
      %dma_start3A_24 = arith.constant 0 : i32
      %dma_start3A_25 = arith.constant 0 : i32
      %dma_start3A_26 = arith.constant 0 : i32
      %dma_start3A_27 = tpu.memref_slice %arg6[%dma_start3A, %dma_start3A_25, %dma_start3A_26] : memref<12x64x128xf32, #tpu.memory_space<vmem>> -> memref<1x64x128xf32, #tpu.memory_space<vmem>>
      %dma_start3A_28 = tpu.memref_squeeze %dma_start3A_27 : memref<1x64x128xf32, #tpu.memory_space<vmem>> -> memref<64x128xf32, #tpu.memory_space<vmem>>
      %dma_start3A_29 = arith.constant 0 : i32
      %dma_start3A_30 = tpu.memref_slice %arg2[%dma_start3A_29, %multiple_of3A] : memref<64x1000000xf32, #tpu.memory_space<hbm>> -> memref<64x128xf32, #tpu.memory_space<hbm>>
      %dma_start3A_31 = tpu.memref_slice %arg8[%dma_start3A_24] : memref<12x!tpu.dma_semaphore, #tpu.memory_space<semaphore_mem>> -> memref<1x!tpu.dma_semaphore, #tpu.memory_space<semaphore_mem>>
      %dma_start3A_32 = tpu.memref_squeeze %dma_start3A_31 : memref<1x!tpu.dma_semaphore, #tpu.memory_space<semaphore_mem>> -> memref<!tpu.dma_semaphore, #tpu.memory_space<semaphore_mem>>
      %dma_start3A_33 = arith.constant 0 : i32
      %dma_start3A_34 = arith.constant 0 : i32
      %dma_start3A_35 = tpu.memref_slice %arg6[%dma_start3A, %dma_start3A_33, %dma_start3A_34] : memref<12x64x128xf32, #tpu.memory_space<vmem>> -> memref<1x64x128xf32, #tpu.memory_space<vmem>>
      %dma_start3A_36 = tpu.memref_squeeze %dma_start3A_35 : memref<1x64x128xf32, #tpu.memory_space<vmem>> -> memref<64x128xf32, #tpu.memory_space<vmem>>
      %dma_start3A_37 = arith.constant 0 : i32
      %dma_start3A_38 = tpu.memref_slice %arg2[%dma_start3A_37, %multiple_of3A] : memref<64x1000000xf32, #tpu.memory_space<hbm>> -> memref<64x128xf32, #tpu.memory_space<hbm>>
      tpu.enqueue_dma source(%dma_start3A_38 : memref<64x128xf32, #tpu.memory_space<hbm>>) target(%dma_start3A_36 : memref<64x128xf32, #tpu.memory_space<vmem>>) target_semaphore(%dma_start3A_32 : memref<!tpu.dma_semaphore, #tpu.memory_space<semaphore_mem>>)
      %get3A_39 = arith.constant 1 : index
      %get3A_40 = tpu.vector_load %arg5[%get3A_39] {strides = array<i32>} : memref<80xi32, #tpu.memory_space<vmem>>, vector<16xi32>,
      %slice3A_41 = vector.extract_strided_slice %get3A_40 {offsets = [0], sizes = [1], strides = [1]} : vector<16xi32> to vector<1xi32>
      %squeeze3A_42 = vector.extract %slice3A_41[0] : i32 from vector<1xi32>
      %jit3A_43 = arith.constant 128 : i32
      %div3A_44 = arith.divsi %squeeze3A_42, %jit3A_43 : i32
      %sign3A_45 = arith.constant 0 : i32
      %sign3A_46 = arith.cmpi sgt, %squeeze3A_42, %sign3A_45 : i32
      %sign3A_47 = arith.extui %sign3A_46 : i1 to i32
      %sign3A_48 = arith.constant 0 : i32
      %sign3A_49 = arith.cmpi slt, %squeeze3A_42, %sign3A_48 : i32
      %sign3A_50 = arith.extui %sign3A_49 : i1 to i32
      %sign3A_51 = arith.subi %sign3A_47, %sign3A_50 : i32
      %sign3A_52 = arith.constant 0 : i32
      %sign3A_53 = arith.cmpi sgt, %jit3A_43, %sign3A_52 : i32
      %sign3A_54 = arith.extui %sign3A_53 : i1 to i32
      %sign3A_55 = arith.constant 0 : i32
      %sign3A_56 = arith.cmpi slt, %jit3A_43, %sign3A_55 : i32
      %sign3A_57 = arith.extui %sign3A_56 : i1 to i32
      %sign3A_58 = arith.subi %sign3A_54, %sign3A_57 : i32
      %ne3A_59 = arith.cmpi ne, %sign3A_51, %sign3A_58 : i32
      %rem3A_60 = arith.remsi %squeeze3A_42, %jit3A_43 : i32
      %ne3A_61 = arith.constant 0 : i32
      %ne3A_62 = arith.cmpi ne, %rem3A_60, %ne3A_61 : i32
      %and3A_63 = arith.andi %ne3A_59, %ne3A_62 : i1
      %sub3A_64 = arith.constant 1 : i32
      %sub3A_65 = arith.subi %div3A_44, %sub3A_64 : i32
      %select_n3A_66 = arith.select %and3A_63, %sub3A_65, %div3A_44 : i32
      %mul3A_67 = arith.constant 128 : i32
      %mul3A_68 = arith.muli %select_n3A_66, %mul3A_67 : i32
      %multiple_of3A_69 = tpu.assume_multiple %mul3A_68, 128 : i32
      %dma_start3A_70 = arith.constant 1 : i32
      %dma_start3A_71 = arith.constant 1 : i32
      %dma_start3A_72 = arith.constant 0 : i32
      %dma_start3A_73 = arith.constant 0 : i32
      %dma_start3A_74 = tpu.memref_slice %arg6[%dma_start3A_70, %dma_start3A_72, %dma_start3A_73] : memref<12x64x128xf32, #tpu.memory_space<vmem>> -> memref<1x64x128xf32, #tpu.memory_space<vmem>>
      %dma_start3A_75 = tpu.memref_squeeze %dma_start3A_74 : memref<1x64x128xf32, #tpu.memory_space<vmem>> -> memref<64x128xf32, #tpu.memory_space<vmem>>
      %dma_start3A_76 = arith.constant 0 : i32
      %dma_start3A_77 = tpu.memref_slice %arg2[%dma_start3A_76, %multiple_of3A_69] : memref<64x1000000xf32, #tpu.memory_space<hbm>> -> memref<64x128xf32, #tpu.memory_space<hbm>>
      %dma_start3A_78 = tpu.memref_slice %arg8[%dma_start3A_71] : memref<12x!tpu.dma_semaphore, #tpu.memory_space<semaphore_mem>> -> memref<1x!tpu.dma_semaphore, #tpu.memory_space<semaphore_mem>>
      %dma_start3A_79 = tpu.memref_squeeze %dma_start3A_78 : memref<1x!tpu.dma_semaphore, #tpu.memory_space<semaphore_mem>> -> memref<!tpu.dma_semaphore, #tpu.memory_space<semaphore_mem>>
      %dma_start3A_80 = arith.constant 0 : i32
      %dma_start3A_81 = arith.constant 0 : i32
      %dma_start3A_82 = tpu.memref_slice %arg6[%dma_start3A_70, %dma_start3A_80, %dma_start3A_81] : memref<12x64x128xf32, #tpu.memory_space<vmem>> -> memref<1x64x128xf32, #tpu.memory_space<vmem>>
      %dma_start3A_83 = tpu.memref_squeeze %dma_start3A_82 : memref<1x64x128xf32, #tpu.memory_space<vmem>> -> memref<64x128xf32, #tpu.memory_space<vmem>>
      %dma_start3A_84 = arith.constant 0 : i32
      %dma_start3A_85 = tpu.memref_slice %arg2[%dma_start3A_84, %multiple_of3A_69] : memref<64x1000000xf32, #tpu.memory_space<hbm>> -> memref<64x128xf32, #tpu.memory_space<hbm>>
      tpu.enqueue_dma source(%dma_start3A_85 : memref<64x128xf32, #tpu.memory_space<hbm>>) target(%dma_start3A_83 : memref<64x128xf32, #tpu.memory_space<vmem>>) target_semaphore(%dma_start3A_79 : memref<!tpu.dma_semaphore, #tpu.memory_space<semaphore_mem>>)
      %get3A_86 = arith.constant 2 : index
      %get3A_87 = tpu.vector_load %arg5[%get3A_86] {strides = array<i32>} : memref<80xi32, #tpu.memory_space<vmem>>, vector<16xi32>,
      %slice3A_88 = vector.extract_strided_slice %get3A_87 {offsets = [0], sizes = [1], strides = [1]} : vector<16xi32> to vector<1xi32>
      %squeeze3A_89 = vector.extract %slice3A_88[0] : i32 from vector<1xi32>
      %jit3A_90 = arith.constant 128 : i32
      %div3A_91 = arith.divsi %squeeze3A_89, %jit3A_90 : i32
      %sign3A_92 = arith.constant 0 : i32
      %sign3A_93 = arith.cmpi sgt, %squeeze3A_89, %sign3A_92 : i32
      %sign3A_94 = arith.extui %sign3A_93 : i1 to i32
      %sign3A_95 = arith.constant 0 : i32
      %sign3A_96 = arith.cmpi slt, %squeeze3A_89, %sign3A_95 : i32
      %sign3A_97 = arith.extui %sign3A_96 : i1 to i32
      %sign3A_98 = arith.subi %sign3A_94, %sign3A_97 : i32
      %sign3A_99 = arith.constant 0 : i32
      %sign3A_100 = arith.cmpi sgt, %jit3A_90, %sign3A_99 : i32
      %sign3A_101 = arith.extui %sign3A_100 : i1 to i32
      %sign3A_102 = arith.constant 0 : i32
      %sign3A_103 = arith.cmpi slt, %jit3A_90, %sign3A_102 : i32
      %sign3A_104 = arith.extui %sign3A_103 : i1 to i32
      %sign3A_105 = arith.subi %sign3A_101, %sign3A_104 : i32
      %ne3A_106 = arith.cmpi ne, %sign3A_98, %sign3A_105 : i32
      %rem3A_107 = arith.remsi %squeeze3A_89, %jit3A_90 : i32
      %ne3A_108 = arith.constant 0 : i32
      %ne3A_109 = arith.cmpi ne, %rem3A_107, %ne3A_108 : i32
      %and3A_110 = arith.andi %ne3A_106, %ne3A_109 : i1
      %sub3A_111 = arith.constant 1 : i32
      %sub3A_112 = arith.subi %div3A_91, %sub3A_111 : i32
      %select_n3A_113 = arith.select %and3A_110, %sub3A_112, %div3A_91 : i32
      %mul3A_114 = arith.constant 128 : i32
      %mul3A_115 = arith.muli %select_n3A_113, %mul3A_114 : i32
      %multiple_of3A_116 = tpu.assume_multiple %mul3A_115, 128 : i32
      %dma_start3A_117 = arith.constant 2 : i32
      %dma_start3A_118 = arith.constant 2 : i32
      %dma_start3A_119 = arith.constant 0 : i32
      %dma_start3A_120 = arith.constant 0 : i32
      %dma_start3A_121 = tpu.memref_slice %arg6[%dma_start3A_117, %dma_start3A_119, %dma_start3A_120] : memref<12x64x128xf32, #tpu.memory_space<vmem>> -> memref<1x64x128xf32, #tpu.memory_space<vmem>>
      %dma_start3A_122 = tpu.memref_squeeze %dma_start3A_121 : memref<1x64x128xf32, #tpu.memory_space<vmem>> -> memref<64x128xf32, #tpu.memory_space<vmem>>
      %dma_start3A_123 = arith.constant 0 : i32
      %dma_start3A_124 = tpu.memref_slice %arg2[%dma_start3A_123, %multiple_of3A_116] : memref<64x1000000xf32, #tpu.memory_space<hbm>> -> memref<64x128xf32, #tpu.memory_space<hbm>>
      %dma_start3A_125 = tpu.memref_slice %arg8[%dma_start3A_118] : memref<12x!tpu.dma_semaphore, #tpu.memory_space<semaphore_mem>> -> memref<1x!tpu.dma_semaphore, #tpu.memory_space<semaphore_mem>>
      %dma_start3A_126 = tpu.memref_squeeze %dma_start3A_125 : memref<1x!tpu.dma_semaphore, #tpu.memory_space<semaphore_mem>> -> memref<!tpu.dma_semaphore, #tpu.memory_space<semaphore_mem>>
      %dma_start3A_127 = arith.constant 0 : i32
      %dma_start3A_128 = arith.constant 0 : i32
      %dma_start3A_129 = tpu.memref_slice %arg6[%dma_start3A_117, %dma_start3A_127, %dma_start3A_128] : memref<12x64x128xf32, #tpu.memory_space<vmem>> -> memref<1x64x128xf32, #tpu.memory_space<vmem>>
      %dma_start3A_130 = tpu.memref_squeeze %dma_start3A_129 : memref<1x64x128xf32, #tpu.memory_space<vmem>> -> memref<64x128xf32, #tpu.memory_space<vmem>>
      %dma_start3A_131 = arith.constant 0 : i32
      %dma_start3A_132 = tpu.memref_slice %arg2[%dma_start3A_131, %multiple_of3A_116] : memref<64x1000000xf32, #tpu.memory_space<hbm>> -> memref<64x128xf32, #tpu.memory_space<hbm>>
      tpu.enqueue_dma source(%dma_start3A_132 : memref<64x128xf32, #tpu.memory_space<hbm>>) target(%dma_start3A_130 : memref<64x128xf32, #tpu.memory_space<vmem>>) target_semaphore(%dma_start3A_126 : memref<!tpu.dma_semaphore, #tpu.memory_space<semaphore_mem>>)
      %get3A_133 = arith.constant 3 : index
      %get3A_134 = tpu.vector_load %arg5[%get3A_133] {strides = array<i32>} : memref<80xi32, #tpu.memory_space<vmem>>, vector<16xi32>,
      %slice3A_135 = vector.extract_strided_slice %get3A_134 {offsets = [0], sizes = [1], strides = [1]} : vector<16xi32> to vector<1xi32>
      %squeeze3A_136 = vector.extract %slice3A_135[0] : i32 from vector<1xi32>
      %jit3A_137 = arith.constant 128 : i32
      %div3A_138 = arith.divsi %squeeze3A_136, %jit3A_137 : i32
      %sign3A_139 = arith.constant 0 : i32
      %sign3A_140 = arith.cmpi sgt, %squeeze3A_136, %sign3A_139 : i32
      %sign3A_141 = arith.extui %sign3A_140 : i1 to i32
      %sign3A_142 = arith.constant 0 : i32
      %sign3A_143 = arith.cmpi slt, %squeeze3A_136, %sign3A_142 : i32
      %sign3A_144 = arith.extui %sign3A_143 : i1 to i32
      %sign3A_145 = arith.subi %sign3A_141, %sign3A_144 : i32
      %sign3A_146 = arith.constant 0 : i32
      %sign3A_147 = arith.cmpi sgt, %jit3A_137, %sign3A_146 : i32
      %sign3A_148 = arith.extui %sign3A_147 : i1 to i32
      %sign3A_149 = arith.constant 0 : i32
      %sign3A_150 = arith.cmpi slt, %jit3A_137, %sign3A_149 : i32
      %sign3A_151 = arith.extui %sign3A_150 : i1 to i32
      %sign3A_152 = arith.subi %sign3A_148, %sign3A_151 : i32
      %ne3A_153 = arith.cmpi ne, %sign3A_145, %sign3A_152 : i32
      %rem3A_154 = arith.remsi %squeeze3A_136, %jit3A_137 : i32
      %ne3A_155 = arith.constant 0 : i32
      %ne3A_156 = arith.cmpi ne, %rem3A_154, %ne3A_155 : i32
      %and3A_157 = arith.andi %ne3A_153, %ne3A_156 : i1
      %sub3A_158 = arith.constant 1 : i32
      %sub3A_159 = arith.subi %div3A_138, %sub3A_158 : i32
      %select_n3A_160 = arith.select %and3A_157, %sub3A_159, %div3A_138 : i32
      %mul3A_161 = arith.constant 128 : i32
      %mul3A_162 = arith.muli %select_n3A_160, %mul3A_161 : i32
      %multiple_of3A_163 = tpu.assume_multiple %mul3A_162, 128 : i32
      %dma_start3A_164 = arith.constant 3 : i32
      %dma_start3A_165 = arith.constant 3 : i32
      %dma_start3A_166 = arith.constant 0 : i32
      %dma_start3A_167 = arith.constant 0 : i32
      %dma_start3A_168 = tpu.memref_slice %arg6[%dma_start3A_164, %dma_start3A_166, %dma_start3A_167] : memref<12x64x128xf32, #tpu.memory_space<vmem>> -> memref<1x64x128xf32, #tpu.memory_space<vmem>>
      %dma_start3A_169 = tpu.memref_squeeze %dma_start3A_168 : memref<1x64x128xf32, #tpu.memory_space<vmem>> -> memref<64x128xf32, #tpu.memory_space<vmem>>
      %dma_start3A_170 = arith.constant 0 : i32
      %dma_start3A_171 = tpu.memref_slice %arg2[%dma_start3A_170, %multiple_of3A_163] : memref<64x1000000xf32, #tpu.memory_space<hbm>> -> memref<64x128xf32, #tpu.memory_space<hbm>>
      %dma_start3A_172 = tpu.memref_slice %arg8[%dma_start3A_165] : memref<12x!tpu.dma_semaphore, #tpu.memory_space<semaphore_mem>> -> memref<1x!tpu.dma_semaphore, #tpu.memory_space<semaphore_mem>>
      %dma_start3A_173 = tpu.memref_squeeze %dma_start3A_172 : memref<1x!tpu.dma_semaphore, #tpu.memory_space<semaphore_mem>> -> memref<!tpu.dma_semaphore, #tpu.memory_space<semaphore_mem>>
      %dma_start3A_174 = arith.constant 0 : i32
      %dma_start3A_175 = arith.constant 0 : i32
      %dma_start3A_176 = tpu.memref_slice %arg6[%dma_start3A_164, %dma_start3A_174, %dma_start3A_175] : memref<12x64x128xf32, #tpu.memory_space<vmem>> -> memref<1x64x128xf32, #tpu.memory_space<vmem>>
      %dma_start3A_177 = tpu.memref_squeeze %dma_start3A_176 : memref<1x64x128xf32, #tpu.memory_space<vmem>> -> memref<64x128xf32, #tpu.memory_space<vmem>>
      %dma_start3A_178 = arith.constant 0 : i32
      %dma_start3A_179 = tpu.memref_slice %arg2[%dma_start3A_178, %multiple_of3A_163] : memref<64x1000000xf32, #tpu.memory_space<hbm>> -> memref<64x128xf32, #tpu.memory_space<hbm>>
      tpu.enqueue_dma source(%dma_start3A_179 : memref<64x128xf32, #tpu.memory_space<hbm>>) target(%dma_start3A_177 : memref<64x128xf32, #tpu.memory_space<vmem>>) target_semaphore(%dma_start3A_173 : memref<!tpu.dma_semaphore, #tpu.memory_space<semaphore_mem>>)
      %get3A_180 = arith.constant 4 : index
      %get3A_181 = tpu.vector_load %arg5[%get3A_180] {strides = array<i32>} : memref<80xi32, #tpu.memory_space<vmem>>, vector<16xi32>,
      %slice3A_182 = vector.extract_strided_slice %get3A_181 {offsets = [0], sizes = [1], strides = [1]} : vector<16xi32> to vector<1xi32>
      %squeeze3A_183 = vector.extract %slice3A_182[0] : i32 from vector<1xi32>
      %jit3A_184 = arith.constant 128 : i32
      %div3A_185 = arith.divsi %squeeze3A_183, %jit3A_184 : i32
      %sign3A_186 = arith.constant 0 : i32
      %sign3A_187 = arith.cmpi sgt, %squeeze3A_183, %sign3A_186 : i32
      %sign3A_188 = arith.extui %sign3A_187 : i1 to i32
      %sign3A_189 = arith.constant 0 : i32
      %sign3A_190 = arith.cmpi slt, %squeeze3A_183, %sign3A_189 : i32
      %sign3A_191 = arith.extui %sign3A_190 : i1 to i32
      %sign3A_192 = arith.subi %sign3A_188, %sign3A_191 : i32
      %sign3A_193 = arith.constant 0 : i32
      %sign3A_194 = arith.cmpi sgt, %jit3A_184, %sign3A_193 : i32
      %sign3A_195 = arith.extui %sign3A_194 : i1 to i32
      %sign3A_196 = arith.constant 0 : i32
      %sign3A_197 = arith.cmpi slt, %jit3A_184, %sign3A_196 : i32
      %sign3A_198 = arith.extui %sign3A_197 : i1 to i32
      %sign3A_199 = arith.subi %sign3A_195, %sign3A_198 : i32
      %ne3A_200 = arith.cmpi ne, %sign3A_192, %sign3A_199 : i32
      %rem3A_201 = arith.remsi %squeeze3A_183, %jit3A_184 : i32
      %ne3A_202 = arith.constant 0 : i32
      %ne3A_203 = arith.cmpi ne, %rem3A_201, %ne3A_202 : i32
      %and3A_204 = arith.andi %ne3A_200, %ne3A_203 : i1
      %sub3A_205 = arith.constant 1 : i32
      %sub3A_206 = arith.subi %div3A_185, %sub3A_205 : i32
      %select_n3A_207 = arith.select %and3A_204, %sub3A_206, %div3A_185 : i32
      %mul3A_208 = arith.constant 128 : i32
      %mul3A_209 = arith.muli %select_n3A_207, %mul3A_208 : i32
      %multiple_of3A_210 = tpu.assume_multiple %mul3A_209, 128 : i32
      %dma_start3A_211 = arith.constant 4 : i32
      %dma_start3A_212 = arith.constant 4 : i32
      %dma_start3A_213 = arith.constant 0 : i32
      %dma_start3A_214 = arith.constant 0 : i32
      %dma_start3A_215 = tpu.memref_slice %arg6[%dma_start3A_211, %dma_start3A_213, %dma_start3A_214] : memref<12x64x128xf32, #tpu.memory_space<vmem>> -> memref<1x64x128xf32, #tpu.memory_space<vmem>>
      %dma_start3A_216 = tpu.memref_squeeze %dma_start3A_215 : memref<1x64x128xf32, #tpu.memory_space<vmem>> -> memref<64x128xf32, #tpu.memory_space<vmem>>
      %dma_start3A_217 = arith.constant 0 : i32
      %dma_start3A_218 = tpu.memref_slice %arg2[%dma_start3A_217, %multiple_of3A_210] : memref<64x1000000xf32, #tpu.memory_space<hbm>> -> memref<64x128xf32, #tpu.memory_space<hbm>>
      %dma_start3A_219 = tpu.memref_slice %arg8[%dma_start3A_212] : memref<12x!tpu.dma_semaphore, #tpu.memory_space<semaphore_mem>> -> memref<1x!tpu.dma_semaphore, #tpu.memory_space<semaphore_mem>>
      %dma_start3A_220 = tpu.memref_squeeze %dma_start3A_219 : memref<1x!tpu.dma_semaphore, #tpu.memory_space<semaphore_mem>> -> memref<!tpu.dma_semaphore, #tpu.memory_space<semaphore_mem>>
      %dma_start3A_221 = arith.constant 0 : i32
      %dma_start3A_222 = arith.constant 0 : i32
      %dma_start3A_223 = tpu.memref_slice %arg6[%dma_start3A_211, %dma_start3A_221, %dma_start3A_222] : memref<12x64x128xf32, #tpu.memory_space<vmem>> -> memref<1x64x128xf32, #tpu.memory_space<vmem>>
      %dma_start3A_224 = tpu.memref_squeeze %dma_start3A_223 : memref<1x64x128xf32, #tpu.memory_space<vmem>> -> memref<64x128xf32, #tpu.memory_space<vmem>>
      %dma_start3A_225 = arith.constant 0 : i32
      %dma_start3A_226 = tpu.memref_slice %arg2[%dma_start3A_225, %multiple_of3A_210] : memref<64x1000000xf32, #tpu.memory_space<hbm>> -> memref<64x128xf32, #tpu.memory_space<hbm>>
      tpu.enqueue_dma source(%dma_start3A_226 : memref<64x128xf32, #tpu.memory_space<hbm>>) target(%dma_start3A_224 : memref<64x128xf32, #tpu.memory_space<vmem>>) target_semaphore(%dma_start3A_220 : memref<!tpu.dma_semaphore, #tpu.memory_space<semaphore_mem>>)
      %get3A_227 = arith.constant 5 : index
      %get3A_228 = tpu.vector_load %arg5[%get3A_227] {strides = array<i32>} : memref<80xi32, #tpu.memory_space<vmem>>, vector<16xi32>,
      %slice3A_229 = vector.extract_strided_slice %get3A_228 {offsets = [0], sizes = [1], strides = [1]} : vector<16xi32> to vector<1xi32>
      %squeeze3A_230 = vector.extract %slice3A_229[0] : i32 from vector<1xi32>
      %jit3A_231 = arith.constant 128 : i32
      %div3A_232 = arith.divsi %squeeze3A_230, %jit3A_231 : i32
      %sign3A_233 = arith.constant 0 : i32
      %sign3A_234 = arith.cmpi sgt, %squeeze3A_230, %sign3A_233 : i32
      %sign3A_235 = arith.extui %sign3A_234 : i1 to i32
      %sign3A_236 = arith.constant 0 : i32
      %sign3A_237 = arith.cmpi slt, %squeeze3A_230, %sign3A_236 : i32
      %sign3A_238 = arith.extui %sign3A_237 : i1 to i32
      %sign3A_239 = arith.subi %sign3A_235, %sign3A_238 : i32
      %sign3A_240 = arith.constant 0 : i32
      %sign3A_241 = arith.cmpi sgt, %jit3A_231, %sign3A_240 : i32
      %sign3A_242 = arith.extui %sign3A_241 : i1 to i32
      %sign3A_243 = arith.constant 0 : i32
      %sign3A_244 = arith.cmpi slt, %jit3A_231, %sign3A_243 : i32
      %sign3A_245 = arith.extui %sign3A_244 : i1 to i32
      %sign3A_246 = arith.subi %sign3A_242, %sign3A_245 : i32
      %ne3A_247 = arith.cmpi ne, %sign3A_239, %sign3A_246 : i32
      %rem3A_248 = arith.remsi %squeeze3A_230, %jit3A_231 : i32
      %ne3A_249 = arith.constant 0 : i32
      %ne3A_250 = arith.cmpi ne, %rem3A_248, %ne3A_249 : i32
      %and3A_251 = arith.andi %ne3A_247, %ne3A_250 : i1
      %sub3A_252 = arith.constant 1 : i32
      %sub3A_253 = arith.subi %div3A_232, %sub3A_252 : i32
      %select_n3A_254 = arith.select %and3A_251, %sub3A_253, %div3A_232 : i32
      %mul3A_255 = arith.constant 128 : i32
      %mul3A_256 = arith.muli %select_n3A_254, %mul3A_255 : i32
      %multiple_of3A_257 = tpu.assume_multiple %mul3A_256, 128 : i32
      %dma_start3A_258 = arith.constant 5 : i32
      %dma_start3A_259 = arith.constant 5 : i32
      %dma_start3A_260 = arith.constant 0 : i32
      %dma_start3A_261 = arith.constant 0 : i32
      %dma_start3A_262 = tpu.memref_slice %arg6[%dma_start3A_258, %dma_start3A_260, %dma_start3A_261] : memref<12x64x128xf32, #tpu.memory_space<vmem>> -> memref<1x64x128xf32, #tpu.memory_space<vmem>>
      %dma_start3A_263 = tpu.memref_squeeze %dma_start3A_262 : memref<1x64x128xf32, #tpu.memory_space<vmem>> -> memref<64x128xf32, #tpu.memory_space<vmem>>
      %dma_start3A_264 = arith.constant 0 : i32
      %dma_start3A_265 = tpu.memref_slice %arg2[%dma_start3A_264, %multiple_of3A_257] : memref<64x1000000xf32, #tpu.memory_space<hbm>> -> memref<64x128xf32, #tpu.memory_space<hbm>>
      %dma_start3A_266 = tpu.memref_slice %arg8[%dma_start3A_259] : memref<12x!tpu.dma_semaphore, #tpu.memory_space<semaphore_mem>> -> memref<1x!tpu.dma_semaphore, #tpu.memory_space<semaphore_mem>>
      %dma_start3A_267 = tpu.memref_squeeze %dma_start3A_266 : memref<1x!tpu.dma_semaphore, #tpu.memory_space<semaphore_mem>> -> memref<!tpu.dma_semaphore, #tpu.memory_space<semaphore_mem>>
      %dma_start3A_268 = arith.constant 0 : i32
      %dma_start3A_269 = arith.constant 0 : i32
      %dma_start3A_270 = tpu.memref_slice %arg6[%dma_start3A_258, %dma_start3A_268, %dma_start3A_269] : memref<12x64x128xf32, #tpu.memory_space<vmem>> -> memref<1x64x128xf32, #tpu.memory_space<vmem>>
      %dma_start3A_271 = tpu.memref_squeeze %dma_start3A_270 : memref<1x64x128xf32, #tpu.memory_space<vmem>> -> memref<64x128xf32, #tpu.memory_space<vmem>>
      %dma_start3A_272 = arith.constant 0 : i32
      %dma_start3A_273 = tpu.memref_slice %arg2[%dma_start3A_272, %multiple_of3A_257] : memref<64x1000000xf32, #tpu.memory_space<hbm>> -> memref<64x128xf32, #tpu.memory_space<hbm>>
      tpu.enqueue_dma source(%dma_start3A_273 : memref<64x128xf32, #tpu.memory_space<hbm>>) target(%dma_start3A_271 : memref<64x128xf32, #tpu.memory_space<vmem>>) target_semaphore(%dma_start3A_267 : memref<!tpu.dma_semaphore, #tpu.memory_space<semaphore_mem>>)
      %get3A_274 = arith.constant 6 : index
      %get3A_275 = tpu.vector_load %arg5[%get3A_274] {strides = array<i32>} : memref<80xi32, #tpu.memory_space<vmem>>, vector<16xi32>,
      %slice3A_276 = vector.extract_strided_slice %get3A_275 {offsets = [0], sizes = [1], strides = [1]} : vector<16xi32> to vector<1xi32>
      %squeeze3A_277 = vector.extract %slice3A_276[0] : i32 from vector<1xi32>
      %jit3A_278 = arith.constant 128 : i32
      %div3A_279 = arith.divsi %squeeze3A_277, %jit3A_278 : i32
      %sign3A_280 = arith.constant 0 : i32
      %sign3A_281 = arith.cmpi sgt, %squeeze3A_277, %sign3A_280 : i32
      %sign3A_282 = arith.extui %sign3A_281 : i1 to i32
      %sign3A_283 = arith.constant 0 : i32
      %sign3A_284 = arith.cmpi slt, %squeeze3A_277, %sign3A_283 : i32
      %sign3A_285 = arith.extui %sign3A_284 : i1 to i32
      %sign3A_286 = arith.subi %sign3A_282, %sign3A_285 : i32
      %sign3A_287 = arith.constant 0 : i32
      %sign3A_288 = arith.cmpi sgt, %jit3A_278, %sign3A_287 : i32
      %sign3A_289 = arith.extui %sign3A_288 : i1 to i32
      %sign3A_290 = arith.constant 0 : i32
      %sign3A_291 = arith.cmpi slt, %jit3A_278, %sign3A_290 : i32
      %sign3A_292 = arith.extui %sign3A_291 : i1 to i32
      %sign3A_293 = arith.subi %sign3A_289, %sign3A_292 : i32
      %ne3A_294 = arith.cmpi ne, %sign3A_286, %sign3A_293 : i32
      %rem3A_295 = arith.remsi %squeeze3A_277, %jit3A_278 : i32
      %ne3A_296 = arith.constant 0 : i32
      %ne3A_297 = arith.cmpi ne, %rem3A_295, %ne3A_296 : i32
      %and3A_298 = arith.andi %ne3A_294, %ne3A_297 : i1
      %sub3A_299 = arith.constant 1 : i32
      %sub3A_300 = arith.subi %div3A_279, %sub3A_299 : i32
      %select_n3A_301 = arith.select %and3A_298, %sub3A_300, %div3A_279 : i32
      %mul3A_302 = arith.constant 128 : i32
      %mul3A_303 = arith.muli %select_n3A_301, %mul3A_302 : i32
      %multiple_of3A_304 = tpu.assume_multiple %mul3A_303, 128 : i32
      %dma_start3A_305 = arith.constant 6 : i32
      %dma_start3A_306 = arith.constant 6 : i32
      %dma_start3A_307 = arith.constant 0 : i32
      %dma_start3A_308 = arith.constant 0 : i32
      %dma_start3A_309 = tpu.memref_slice %arg6[%dma_start3A_305, %dma_start3A_307, %dma_start3A_308] : memref<12x64x128xf32, #tpu.memory_space<vmem>> -> memref<1x64x128xf32, #tpu.memory_space<vmem>>
      %dma_start3A_310 = tpu.memref_squeeze %dma_start3A_309 : memref<1x64x128xf32, #tpu.memory_space<vmem>> -> memref<64x128xf32, #tpu.memory_space<vmem>>
      %dma_start3A_311 = arith.constant 0 : i32
      %dma_start3A_312 = tpu.memref_slice %arg2[%dma_start3A_311, %multiple_of3A_304] : memref<64x1000000xf32, #tpu.memory_space<hbm>> -> memref<64x128xf32, #tpu.memory_space<hbm>>
      %dma_start3A_313 = tpu.memref_slice %arg8[%dma_start3A_306] : memref<12x!tpu.dma_semaphore, #tpu.memory_space<semaphore_mem>> -> memref<1x!tpu.dma_semaphore, #tpu.memory_space<semaphore_mem>>
      %dma_start3A_314 = tpu.memref_squeeze %dma_start3A_313 : memref<1x!tpu.dma_semaphore, #tpu.memory_space<semaphore_mem>> -> memref<!tpu.dma_semaphore, #tpu.memory_space<semaphore_mem>>
      %dma_start3A_315 = arith.constant 0 : i32
      %dma_start3A_316 = arith.constant 0 : i32
      %dma_start3A_317 = tpu.memref_slice %arg6[%dma_start3A_305, %dma_start3A_315, %dma_start3A_316] : memref<12x64x128xf32, #tpu.memory_space<vmem>> -> memref<1x64x128xf32, #tpu.memory_space<vmem>>
      %dma_start3A_318 = tpu.memref_squeeze %dma_start3A_317 : memref<1x64x128xf32, #tpu.memory_space<vmem>> -> memref<64x128xf32, #tpu.memory_space<vmem>>
      %dma_start3A_319 = arith.constant 0 : i32
      %dma_start3A_320 = tpu.memref_slice %arg2[%dma_start3A_319, %multiple_of3A_304] : memref<64x1000000xf32, #tpu.memory_space<hbm>> -> memref<64x128xf32, #tpu.memory_space<hbm>>
      tpu.enqueue_dma source(%dma_start3A_320 : memref<64x128xf32, #tpu.memory_space<hbm>>) target(%dma_start3A_318 : memref<64x128xf32, #tpu.memory_space<vmem>>) target_semaphore(%dma_start3A_314 : memref<!tpu.dma_semaphore, #tpu.memory_space<semaphore_mem>>)
      %get3A_321 = arith.constant 7 : index
      %get3A_322 = tpu.vector_load %arg5[%get3A_321] {strides = array<i32>} : memref<80xi32, #tpu.memory_space<vmem>>, vector<16xi32>,
      %slice3A_323 = vector.extract_strided_slice %get3A_322 {offsets = [0], sizes = [1], strides = [1]} : vector<16xi32> to vector<1xi32>
      %squeeze3A_324 = vector.extract %slice3A_323[0] : i32 from vector<1xi32>
      %jit3A_325 = arith.constant 128 : i32
      %div3A_326 = arith.divsi %squeeze3A_324, %jit3A_325 : i32
      %sign3A_327 = arith.constant 0 : i32
      %sign3A_328 = arith.cmpi sgt, %squeeze3A_324, %sign3A_327 : i32
      %sign3A_329 = arith.extui %sign3A_328 : i1 to i32
      %sign3A_330 = arith.constant 0 : i32
      %sign3A_331 = arith.cmpi slt, %squeeze3A_324, %sign3A_330 : i32
      %sign3A_332 = arith.extui %sign3A_331 : i1 to i32
      %sign3A_333 = arith.subi %sign3A_329, %sign3A_332 : i32
      %sign3A_334 = arith.constant 0 : i32
      %sign3A_335 = arith.cmpi sgt, %jit3A_325, %sign3A_334 : i32
      %sign3A_336 = arith.extui %sign3A_335 : i1 to i32
      %sign3A_337 = arith.constant 0 : i32
      %sign3A_338 = arith.cmpi slt, %jit3A_325, %sign3A_337 : i32
      %sign3A_339 = arith.extui %sign3A_338 : i1 to i32
      %sign3A_340 = arith.subi %sign3A_336, %sign3A_339 : i32
      %ne3A_341 = arith.cmpi ne, %sign3A_333, %sign3A_340 : i32
      %rem3A_342 = arith.remsi %squeeze3A_324, %jit3A_325 : i32
      %ne3A_343 = arith.constant 0 : i32
      %ne3A_344 = arith.cmpi ne, %rem3A_342, %ne3A_343 : i32
      %and3A_345 = arith.andi %ne3A_341, %ne3A_344 : i1
      %sub3A_346 = arith.constant 1 : i32
      %sub3A_347 = arith.subi %div3A_326, %sub3A_346 : i32
      %select_n3A_348 = arith.select %and3A_345, %sub3A_347, %div3A_326 : i32
      %mul3A_349 = arith.constant 128 : i32
      %mul3A_350 = arith.muli %select_n3A_348, %mul3A_349 : i32
      %multiple_of3A_351 = tpu.assume_multiple %mul3A_350, 128 : i32
      %dma_start3A_352 = arith.constant 7 : i32
      %dma_start3A_353 = arith.constant 7 : i32
      %dma_start3A_354 = arith.constant 0 : i32
      %dma_start3A_355 = arith.constant 0 : i32
      %dma_start3A_356 = tpu.memref_slice %arg6[%dma_start3A_352, %dma_start3A_354, %dma_start3A_355] : memref<12x64x128xf32, #tpu.memory_space<vmem>> -> memref<1x64x128xf32, #tpu.memory_space<vmem>>
      %dma_start3A_357 = tpu.memref_squeeze %dma_start3A_356 : memref<1x64x128xf32, #tpu.memory_space<vmem>> -> memref<64x128xf32, #tpu.memory_space<vmem>>
      %dma_start3A_358 = arith.constant 0 : i32
      %dma_start3A_359 = tpu.memref_slice %arg2[%dma_start3A_358, %multiple_of3A_351] : memref<64x1000000xf32, #tpu.memory_space<hbm>> -> memref<64x128xf32, #tpu.memory_space<hbm>>
      %dma_start3A_360 = tpu.memref_slice %arg8[%dma_start3A_353] : memref<12x!tpu.dma_semaphore, #tpu.memory_space<semaphore_mem>> -> memref<1x!tpu.dma_semaphore, #tpu.memory_space<semaphore_mem>>
      %dma_start3A_361 = tpu.memref_squeeze %dma_start3A_360 : memref<1x!tpu.dma_semaphore, #tpu.memory_space<semaphore_mem>> -> memref<!tpu.dma_semaphore, #tpu.memory_space<semaphore_mem>>
      %dma_start3A_362 = arith.constant 0 : i32
      %dma_start3A_363 = arith.constant 0 : i32
      %dma_start3A_364 = tpu.memref_slice %arg6[%dma_start3A_352, %dma_start3A_362, %dma_start3A_363] : memref<12x64x128xf32, #tpu.memory_space<vmem>> -> memref<1x64x128xf32, #tpu.memory_space<vmem>>
      %dma_start3A_365 = tpu.memref_squeeze %dma_start3A_364 : memref<1x64x128xf32, #tpu.memory_space<vmem>> -> memref<64x128xf32, #tpu.memory_space<vmem>>
      %dma_start3A_366 = arith.constant 0 : i32
      %dma_start3A_367 = tpu.memref_slice %arg2[%dma_start3A_366, %multiple_of3A_351] : memref<64x1000000xf32, #tpu.memory_space<hbm>> -> memref<64x128xf32, #tpu.memory_space<hbm>>
      tpu.enqueue_dma source(%dma_start3A_367 : memref<64x128xf32, #tpu.memory_space<hbm>>) target(%dma_start3A_365 : memref<64x128xf32, #tpu.memory_space<vmem>>) target_semaphore(%dma_start3A_361 : memref<!tpu.dma_semaphore, #tpu.memory_space<semaphore_mem>>)
      %get3A_368 = arith.constant 8 : index
      %get3A_369 = tpu.vector_load %arg5[%get3A_368] {strides = array<i32>} : memref<80xi32, #tpu.memory_space<vmem>>, vector<16xi32>,
      %slice3A_370 = vector.extract_strided_slice %get3A_369 {offsets = [0], sizes = [1], strides = [1]} : vector<16xi32> to vector<1xi32>
      %squeeze3A_371 = vector.extract %slice3A_370[0] : i32 from vector<1xi32>
      %jit3A_372 = arith.constant 128 : i32
      %div3A_373 = arith.divsi %squeeze3A_371, %jit3A_372 : i32
      %sign3A_374 = arith.constant 0 : i32
      %sign3A_375 = arith.cmpi sgt, %squeeze3A_371, %sign3A_374 : i32
      %sign3A_376 = arith.extui %sign3A_375 : i1 to i32
      %sign3A_377 = arith.constant 0 : i32
      %sign3A_378 = arith.cmpi slt, %squeeze3A_371, %sign3A_377 : i32
      %sign3A_379 = arith.extui %sign3A_378 : i1 to i32
      %sign3A_380 = arith.subi %sign3A_376, %sign3A_379 : i32
      %sign3A_381 = arith.constant 0 : i32
      %sign3A_382 = arith.cmpi sgt, %jit3A_372, %sign3A_381 : i32
      %sign3A_383 = arith.extui %sign3A_382 : i1 to i32
      %sign3A_384 = arith.constant 0 : i32
      %sign3A_385 = arith.cmpi slt, %jit3A_372, %sign3A_384 : i32
      %sign3A_386 = arith.extui %sign3A_385 : i1 to i32
      %sign3A_387 = arith.subi %sign3A_383, %sign3A_386 : i32
      %ne3A_388 = arith.cmpi ne, %sign3A_380, %sign3A_387 : i32
      %rem3A_389 = arith.remsi %squeeze3A_371, %jit3A_372 : i32
      %ne3A_390 = arith.constant 0 : i32
      %ne3A_391 = arith.cmpi ne, %rem3A_389, %ne3A_390 : i32
      %and3A_392 = arith.andi %ne3A_388, %ne3A_391 : i1
      %sub3A_393 = arith.constant 1 : i32
      %sub3A_394 = arith.subi %div3A_373, %sub3A_393 : i32
      %select_n3A_395 = arith.select %and3A_392, %sub3A_394, %div3A_373 : i32
      %mul3A_396 = arith.constant 128 : i32
      %mul3A_397 = arith.muli %select_n3A_395, %mul3A_396 : i32
      %multiple_of3A_398 = tpu.assume_multiple %mul3A_397, 128 : i32
      %dma_start3A_399 = arith.constant 8 : i32
      %dma_start3A_400 = arith.constant 8 : i32
      %dma_start3A_401 = arith.constant 0 : i32
      %dma_start3A_402 = arith.constant 0 : i32
      %dma_start3A_403 = tpu.memref_slice %arg6[%dma_start3A_399, %dma_start3A_401, %dma_start3A_402] : memref<12x64x128xf32, #tpu.memory_space<vmem>> -> memref<1x64x128xf32, #tpu.memory_space<vmem>>
      %dma_start3A_404 = tpu.memref_squeeze %dma_start3A_403 : memref<1x64x128xf32, #tpu.memory_space<vmem>> -> memref<64x128xf32, #tpu.memory_space<vmem>>
      %dma_start3A_405 = arith.constant 0 : i32
      %dma_start3A_406 = tpu.memref_slice %arg2[%dma_start3A_405, %multiple_of3A_398] : memref<64x1000000xf32, #tpu.memory_space<hbm>> -> memref<64x128xf32, #tpu.memory_space<hbm>>
      %dma_start3A_407 = tpu.memref_slice %arg8[%dma_start3A_400] : memref<12x!tpu.dma_semaphore, #tpu.memory_space<semaphore_mem>> -> memref<1x!tpu.dma_semaphore, #tpu.memory_space<semaphore_mem>>
      %dma_start3A_408 = tpu.memref_squeeze %dma_start3A_407 : memref<1x!tpu.dma_semaphore, #tpu.memory_space<semaphore_mem>> -> memref<!tpu.dma_semaphore, #tpu.memory_space<semaphore_mem>>
      %dma_start3A_409 = arith.constant 0 : i32
      %dma_start3A_410 = arith.constant 0 : i32
      %dma_start3A_411 = tpu.memref_slice %arg6[%dma_start3A_399, %dma_start3A_409, %dma_start3A_410] : memref<12x64x128xf32, #tpu.memory_space<vmem>> -> memref<1x64x128xf32, #tpu.memory_space<vmem>>
      %dma_start3A_412 = tpu.memref_squeeze %dma_start3A_411 : memref<1x64x128xf32, #tpu.memory_space<vmem>> -> memref<64x128xf32, #tpu.memory_space<vmem>>
      %dma_start3A_413 = arith.constant 0 : i32
      %dma_start3A_414 = tpu.memref_slice %arg2[%dma_start3A_413, %multiple_of3A_398] : memref<64x1000000xf32, #tpu.memory_space<hbm>> -> memref<64x128xf32, #tpu.memory_space<hbm>>
      tpu.enqueue_dma source(%dma_start3A_414 : memref<64x128xf32, #tpu.memory_space<hbm>>) target(%dma_start3A_412 : memref<64x128xf32, #tpu.memory_space<vmem>>) target_semaphore(%dma_start3A_408 : memref<!tpu.dma_semaphore, #tpu.memory_space<semaphore_mem>>)
      %get3A_415 = arith.constant 9 : index
      %get3A_416 = tpu.vector_load %arg5[%get3A_415] {strides = array<i32>} : memref<80xi32, #tpu.memory_space<vmem>>, vector<16xi32>,
      %slice3A_417 = vector.extract_strided_slice %get3A_416 {offsets = [0], sizes = [1], strides = [1]} : vector<16xi32> to vector<1xi32>
      %squeeze3A_418 = vector.extract %slice3A_417[0] : i32 from vector<1xi32>
      %jit3A_419 = arith.constant 128 : i32
      %div3A_420 = arith.divsi %squeeze3A_418, %jit3A_419 : i32
      %sign3A_421 = arith.constant 0 : i32
      %sign3A_422 = arith.cmpi sgt, %squeeze3A_418, %sign3A_421 : i32
      %sign3A_423 = arith.extui %sign3A_422 : i1 to i32
      %sign3A_424 = arith.constant 0 : i32
      %sign3A_425 = arith.cmpi slt, %squeeze3A_418, %sign3A_424 : i32
      %sign3A_426 = arith.extui %sign3A_425 : i1 to i32
      %sign3A_427 = arith.subi %sign3A_423, %sign3A_426 : i32
      %sign3A_428 = arith.constant 0 : i32
      %sign3A_429 = arith.cmpi sgt, %jit3A_419, %sign3A_428 : i32
      %sign3A_430 = arith.extui %sign3A_429 : i1 to i32
      %sign3A_431 = arith.constant 0 : i32
      %sign3A_432 = arith.cmpi slt, %jit3A_419, %sign3A_431 : i32
      %sign3A_433 = arith.extui %sign3A_432 : i1 to i32
      %sign3A_434 = arith.subi %sign3A_430, %sign3A_433 : i32
      %ne3A_435 = arith.cmpi ne, %sign3A_427, %sign3A_434 : i32
      %rem3A_436 = arith.remsi %squeeze3A_418, %jit3A_419 : i32
      %ne3A_437 = arith.constant 0 : i32
      %ne3A_438 = arith.cmpi ne, %rem3A_436, %ne3A_437 : i32
      %and3A_439 = arith.andi %ne3A_435, %ne3A_438 : i1
      %sub3A_440 = arith.constant 1 : i32
      %sub3A_441 = arith.subi %div3A_420, %sub3A_440 : i32
      %select_n3A_442 = arith.select %and3A_439, %sub3A_441, %div3A_420 : i32
      %mul3A_443 = arith.constant 128 : i32
      %mul3A_444 = arith.muli %select_n3A_442, %mul3A_443 : i32
      %multiple_of3A_445 = tpu.assume_multiple %mul3A_444, 128 : i32
      %dma_start3A_446 = arith.constant 9 : i32
      %dma_start3A_447 = arith.constant 9 : i32
      %dma_start3A_448 = arith.constant 0 : i32
      %dma_start3A_449 = arith.constant 0 : i32
      %dma_start3A_450 = tpu.memref_slice %arg6[%dma_start3A_446, %dma_start3A_448, %dma_start3A_449] : memref<12x64x128xf32, #tpu.memory_space<vmem>> -> memref<1x64x128xf32, #tpu.memory_space<vmem>>
      %dma_start3A_451 = tpu.memref_squeeze %dma_start3A_450 : memref<1x64x128xf32, #tpu.memory_space<vmem>> -> memref<64x128xf32, #tpu.memory_space<vmem>>
      %dma_start3A_452 = arith.constant 0 : i32
      %dma_start3A_453 = tpu.memref_slice %arg2[%dma_start3A_452, %multiple_of3A_445] : memref<64x1000000xf32, #tpu.memory_space<hbm>> -> memref<64x128xf32, #tpu.memory_space<hbm>>
      %dma_start3A_454 = tpu.memref_slice %arg8[%dma_start3A_447] : memref<12x!tpu.dma_semaphore, #tpu.memory_space<semaphore_mem>> -> memref<1x!tpu.dma_semaphore, #tpu.memory_space<semaphore_mem>>
      %dma_start3A_455 = tpu.memref_squeeze %dma_start3A_454 : memref<1x!tpu.dma_semaphore, #tpu.memory_space<semaphore_mem>> -> memref<!tpu.dma_semaphore, #tpu.memory_space<semaphore_mem>>
      %dma_start3A_456 = arith.constant 0 : i32
      %dma_start3A_457 = arith.constant 0 : i32
      %dma_start3A_458 = tpu.memref_slice %arg6[%dma_start3A_446, %dma_start3A_456, %dma_start3A_457] : memref<12x64x128xf32, #tpu.memory_space<vmem>> -> memref<1x64x128xf32, #tpu.memory_space<vmem>>
      %dma_start3A_459 = tpu.memref_squeeze %dma_start3A_458 : memref<1x64x128xf32, #tpu.memory_space<vmem>> -> memref<64x128xf32, #tpu.memory_space<vmem>>
      %dma_start3A_460 = arith.constant 0 : i32
      %dma_start3A_461 = tpu.memref_slice %arg2[%dma_start3A_460, %multiple_of3A_445] : memref<64x1000000xf32, #tpu.memory_space<hbm>> -> memref<64x128xf32, #tpu.memory_space<hbm>>
      tpu.enqueue_dma source(%dma_start3A_461 : memref<64x128xf32, #tpu.memory_space<hbm>>) target(%dma_start3A_459 : memref<64x128xf32, #tpu.memory_space<vmem>>) target_semaphore(%dma_start3A_455 : memref<!tpu.dma_semaphore, #tpu.memory_space<semaphore_mem>>)
      %get3A_462 = arith.constant 10 : index
      %get3A_463 = tpu.vector_load %arg5[%get3A_462] {strides = array<i32>} : memref<80xi32, #tpu.memory_space<vmem>>, vector<16xi32>,
      %slice3A_464 = vector.extract_strided_slice %get3A_463 {offsets = [0], sizes = [1], strides = [1]} : vector<16xi32> to vector<1xi32>
      %squeeze3A_465 = vector.extract %slice3A_464[0] : i32 from vector<1xi32>
      %jit3A_466 = arith.constant 128 : i32
      %div3A_467 = arith.divsi %squeeze3A_465, %jit3A_466 : i32
      %sign3A_468 = arith.constant 0 : i32
      %sign3A_469 = arith.cmpi sgt, %squeeze3A_465, %sign3A_468 : i32
      %sign3A_470 = arith.extui %sign3A_469 : i1 to i32
      %sign3A_471 = arith.constant 0 : i32
      %sign3A_472 = arith.cmpi slt, %squeeze3A_465, %sign3A_471 : i32
      %sign3A_473 = arith.extui %sign3A_472 : i1 to i32
      %sign3A_474 = arith.subi %sign3A_470, %sign3A_473 : i32
      %sign3A_475 = arith.constant 0 : i32
      %sign3A_476 = arith.cmpi sgt, %jit3A_466, %sign3A_475 : i32
      %sign3A_477 = arith.extui %sign3A_476 : i1 to i32
      %sign3A_478 = arith.constant 0 : i32
      %sign3A_479 = arith.cmpi slt, %jit3A_466, %sign3A_478 : i32
      %sign3A_480 = arith.extui %sign3A_479 : i1 to i32
      %sign3A_481 = arith.subi %sign3A_477, %sign3A_480 : i32
      %ne3A_482 = arith.cmpi ne, %sign3A_474, %sign3A_481 : i32
      %rem3A_483 = arith.remsi %squeeze3A_465, %jit3A_466 : i32
      %ne3A_484 = arith.constant 0 : i32
      %ne3A_485 = arith.cmpi ne, %rem3A_483, %ne3A_484 : i32
      %and3A_486 = arith.andi %ne3A_482, %ne3A_485 : i1
      %sub3A_487 = arith.constant 1 : i32
      %sub3A_488 = arith.subi %div3A_467, %sub3A_487 : i32
      %select_n3A_489 = arith.select %and3A_486, %sub3A_488, %div3A_467 : i32
      %mul3A_490 = arith.constant 128 : i32
      %mul3A_491 = arith.muli %select_n3A_489, %mul3A_490 : i32
      %multiple_of3A_492 = tpu.assume_multiple %mul3A_491, 128 : i32
      %dma_start3A_493 = arith.constant 10 : i32
      %dma_start3A_494 = arith.constant 10 : i32
      %dma_start3A_495 = arith.constant 0 : i32
      %dma_start3A_496 = arith.constant 0 : i32
      %dma_start3A_497 = tpu.memref_slice %arg6[%dma_start3A_493, %dma_start3A_495, %dma_start3A_496] : memref<12x64x128xf32, #tpu.memory_space<vmem>> -> memref<1x64x128xf32, #tpu.memory_space<vmem>>
      %dma_start3A_498 = tpu.memref_squeeze %dma_start3A_497 : memref<1x64x128xf32, #tpu.memory_space<vmem>> -> memref<64x128xf32, #tpu.memory_space<vmem>>
      %dma_start3A_499 = arith.constant 0 : i32
      %dma_start3A_500 = tpu.memref_slice %arg2[%dma_start3A_499, %multiple_of3A_492] : memref<64x1000000xf32, #tpu.memory_space<hbm>> -> memref<64x128xf32, #tpu.memory_space<hbm>>
      %dma_start3A_501 = tpu.memref_slice %arg8[%dma_start3A_494] : memref<12x!tpu.dma_semaphore, #tpu.memory_space<semaphore_mem>> -> memref<1x!tpu.dma_semaphore, #tpu.memory_space<semaphore_mem>>
      %dma_start3A_502 = tpu.memref_squeeze %dma_start3A_501 : memref<1x!tpu.dma_semaphore, #tpu.memory_space<semaphore_mem>> -> memref<!tpu.dma_semaphore, #tpu.memory_space<semaphore_mem>>
      %dma_start3A_503 = arith.constant 0 : i32
      %dma_start3A_504 = arith.constant 0 : i32
      %dma_start3A_505 = tpu.memref_slice %arg6[%dma_start3A_493, %dma_start3A_503, %dma_start3A_504] : memref<12x64x128xf32, #tpu.memory_space<vmem>> -> memref<1x64x128xf32, #tpu.memory_space<vmem>>
      %dma_start3A_506 = tpu.memref_squeeze %dma_start3A_505 : memref<1x64x128xf32, #tpu.memory_space<vmem>> -> memref<64x128xf32, #tpu.memory_space<vmem>>
      %dma_start3A_507 = arith.constant 0 : i32
      %dma_start3A_508 = tpu.memref_slice %arg2[%dma_start3A_507, %multiple_of3A_492] : memref<64x1000000xf32, #tpu.memory_space<hbm>> -> memref<64x128xf32, #tpu.memory_space<hbm>>
      tpu.enqueue_dma source(%dma_start3A_508 : memref<64x128xf32, #tpu.memory_space<hbm>>) target(%dma_start3A_506 : memref<64x128xf32, #tpu.memory_space<vmem>>) target_semaphore(%dma_start3A_502 : memref<!tpu.dma_semaphore, #tpu.memory_space<semaphore_mem>>)
      %get3A_509 = arith.constant 11 : index
      %get3A_510 = tpu.vector_load %arg5[%get3A_509] {strides = array<i32>} : memref<80xi32, #tpu.memory_space<vmem>>, vector<16xi32>,
      %slice3A_511 = vector.extract_strided_slice %get3A_510 {offsets = [0], sizes = [1], strides = [1]} : vector<16xi32> to vector<1xi32>
      %squeeze3A_512 = vector.extract %slice3A_511[0] : i32 from vector<1xi32>
      %jit3A_513 = arith.constant 128 : i32
      %div3A_514 = arith.divsi %squeeze3A_512, %jit3A_513 : i32
      %sign3A_515 = arith.constant 0 : i32
      %sign3A_516 = arith.cmpi sgt, %squeeze3A_512, %sign3A_515 : i32
      %sign3A_517 = arith.extui %sign3A_516 : i1 to i32
      %sign3A_518 = arith.constant 0 : i32
      %sign3A_519 = arith.cmpi slt, %squeeze3A_512, %sign3A_518 : i32
      %sign3A_520 = arith.extui %sign3A_519 : i1 to i32
      %sign3A_521 = arith.subi %sign3A_517, %sign3A_520 : i32
      %sign3A_522 = arith.constant 0 : i32
      %sign3A_523 = arith.cmpi sgt, %jit3A_513, %sign3A_522 : i32
      %sign3A_524 = arith.extui %sign3A_523 : i1 to i32
      %sign3A_525 = arith.constant 0 : i32
      %sign3A_526 = arith.cmpi slt, %jit3A_513, %sign3A_525 : i32
      %sign3A_527 = arith.extui %sign3A_526 : i1 to i32
      %sign3A_528 = arith.subi %sign3A_524, %sign3A_527 : i32
      %ne3A_529 = arith.cmpi ne, %sign3A_521, %sign3A_528 : i32
      %rem3A_530 = arith.remsi %squeeze3A_512, %jit3A_513 : i32
      %ne3A_531 = arith.constant 0 : i32
      %ne3A_532 = arith.cmpi ne, %rem3A_530, %ne3A_531 : i32
      %and3A_533 = arith.andi %ne3A_529, %ne3A_532 : i1
      %sub3A_534 = arith.constant 1 : i32
      %sub3A_535 = arith.subi %div3A_514, %sub3A_534 : i32
      %select_n3A_536 = arith.select %and3A_533, %sub3A_535, %div3A_514 : i32
      %mul3A_537 = arith.constant 128 : i32
      %mul3A_538 = arith.muli %select_n3A_536, %mul3A_537 : i32
      %multiple_of3A_539 = tpu.assume_multiple %mul3A_538, 128 : i32
      %dma_start3A_540 = arith.constant 11 : i32
      %dma_start3A_541 = arith.constant 11 : i32
      %dma_start3A_542 = arith.constant 0 : i32
      %dma_start3A_543 = arith.constant 0 : i32
      %dma_start3A_544 = tpu.memref_slice %arg6[%dma_start3A_540, %dma_start3A_542, %dma_start3A_543] : memref<12x64x128xf32, #tpu.memory_space<vmem>> -> memref<1x64x128xf32, #tpu.memory_space<vmem>>
      %dma_start3A_545 = tpu.memref_squeeze %dma_start3A_544 : memref<1x64x128xf32, #tpu.memory_space<vmem>> -> memref<64x128xf32, #tpu.memory_space<vmem>>
      %dma_start3A_546 = arith.constant 0 : i32
      %dma_start3A_547 = tpu.memref_slice %arg2[%dma_start3A_546, %multiple_of3A_539] : memref<64x1000000xf32, #tpu.memory_space<hbm>> -> memref<64x128xf32, #tpu.memory_space<hbm>>
      %dma_start3A_548 = tpu.memref_slice %arg8[%dma_start3A_541] : memref<12x!tpu.dma_semaphore, #tpu.memory_space<semaphore_mem>> -> memref<1x!tpu.dma_semaphore, #tpu.memory_space<semaphore_mem>>
      %dma_start3A_549 = tpu.memref_squeeze %dma_start3A_548 : memref<1x!tpu.dma_semaphore, #tpu.memory_space<semaphore_mem>> -> memref<!tpu.dma_semaphore, #tpu.memory_space<semaphore_mem>>
      %dma_start3A_550 = arith.constant 0 : i32
      %dma_start3A_551 = arith.constant 0 : i32
      %dma_start3A_552 = tpu.memref_slice %arg6[%dma_start3A_540, %dma_start3A_550, %dma_start3A_551] : memref<12x64x128xf32, #tpu.memory_space<vmem>> -> memref<1x64x128xf32, #tpu.memory_space<vmem>>
      %dma_start3A_553 = tpu.memref_squeeze %dma_start3A_552 : memref<1x64x128xf32, #tpu.memory_space<vmem>> -> memref<64x128xf32, #tpu.memory_space<vmem>>
      %dma_start3A_554 = arith.constant 0 : i32
      %dma_start3A_555 = tpu.memref_slice %arg2[%dma_start3A_554, %multiple_of3A_539] : memref<64x1000000xf32, #tpu.memory_space<hbm>> -> memref<64x128xf32, #tpu.memory_space<hbm>>
      tpu.enqueue_dma source(%dma_start3A_555 : memref<64x128xf32, #tpu.memory_space<hbm>>) target(%dma_start3A_553 : memref<64x128xf32, #tpu.memory_space<vmem>>) target_semaphore(%dma_start3A_549 : memref<!tpu.dma_semaphore, #tpu.memory_space<semaphore_mem>>)
      %iota3A = tpu.iota {dimensions = array<i32: 0>} : vector<16xi32>
      %scan3A = arith.constant 0 : i32
      %scan3A_556 = arith.constant 0 : i32
      %scan3A_557 = arith.constant 64 : i32
      %scan3A_558 = arith.addi %scan3A_556, %scan3A_557 : i32
      %scan3A_559 = arith.constant 1 : i32
      scf.for %scan3A_561 = %scan3A_556 to %scan3A_558 step %scan3A_559  : i32 {
        %jit3A_562 = arith.constant 12 : i32
        %eq3A = arith.constant 0 : i32
        %eq3A_563 = arith.cmpi eq, %jit3A_562, %eq3A : i32
        %jit3A_564 = arith.constant 1 : i32
        %select_n3A_565 = arith.select %eq3A_563, %jit3A_564, %jit3A_562 : i32
        %rem3A_566 = arith.remsi %scan3A_561, %select_n3A_565 : i32
        %ne3A_567 = arith.constant 0 : i32
        %ne3A_568 = arith.cmpi ne, %rem3A_566, %ne3A_567 : i32
        %lt3A_569 = arith.constant 0 : i32
        %lt3A_570 = arith.cmpi slt, %rem3A_566, %lt3A_569 : i32
        %lt3A_571 = arith.constant 0 : i32
        %lt3A_572 = arith.cmpi slt, %select_n3A_565, %lt3A_571 : i32
        %ne3A_573 = arith.xori %lt3A_570, %lt3A_572 : i1
        %and3A_574 = arith.andi %ne3A_573, %ne3A_568 : i1
        %add3A_575 = arith.addi %rem3A_566, %select_n3A_565 : i32
        %select_n3A_576 = arith.select %and3A_574, %add3A_575, %rem3A_566 : i32
        %jit3A_577 = arith.constant 12 : i32
        %eq3A_578 = arith.constant 0 : i32
        %eq3A_579 = arith.cmpi eq, %jit3A_577, %eq3A_578 : i32
        %jit3A_580 = arith.constant 1 : i32
        %select_n3A_581 = arith.select %eq3A_579, %jit3A_580, %jit3A_577 : i32
        %rem3A_582 = arith.remsi %scan3A_561, %select_n3A_581 : i32
        %ne3A_583 = arith.constant 0 : i32
        %ne3A_584 = arith.cmpi ne, %rem3A_582, %ne3A_583 : i32
        %lt3A_585 = arith.constant 0 : i32
        %lt3A_586 = arith.cmpi slt, %rem3A_582, %lt3A_585 : i32
        %lt3A_587 = arith.constant 0 : i32
        %lt3A_588 = arith.cmpi slt, %select_n3A_581, %lt3A_587 : i32
        %ne3A_589 = arith.xori %lt3A_586, %lt3A_588 : i1
        %and3A_590 = arith.andi %ne3A_589, %ne3A_584 : i1
        %add3A_591 = arith.addi %rem3A_582, %select_n3A_581 : i32
        %select_n3A_592 = arith.select %and3A_590, %add3A_591, %rem3A_582 : i32
        %dma_wait3A = arith.constant 0 : i32
        %dma_wait3A_593 = arith.constant 0 : i32
        %dma_wait3A_594 = tpu.memref_slice %arg6[%select_n3A_576, %dma_wait3A, %dma_wait3A_593] : memref<12x64x128xf32, #tpu.memory_space<vmem>> -> memref<1x64x128xf32, #tpu.memory_space<vmem>>
        %dma_wait3A_595 = tpu.memref_squeeze %dma_wait3A_594 : memref<1x64x128xf32, #tpu.memory_space<vmem>> -> memref<64x128xf32, #tpu.memory_space<vmem>>
        %dma_wait3A_596 = arith.constant 0 : i32
        %dma_wait3A_597 = arith.constant 0 : i32
        %dma_wait3A_598 = tpu.memref_slice %arg2[%dma_wait3A_596, %dma_wait3A_597] : memref<64x1000000xf32, #tpu.memory_space<hbm>> -> memref<64x128xf32, #tpu.memory_space<hbm>>
        %dma_wait3A_599 = tpu.memref_slice %arg8[%select_n3A_592] : memref<12x!tpu.dma_semaphore, #tpu.memory_space<semaphore_mem>> -> memref<1x!tpu.dma_semaphore, #tpu.memory_space<semaphore_mem>>
        %dma_wait3A_600 = tpu.memref_squeeze %dma_wait3A_599 : memref<1x!tpu.dma_semaphore, #tpu.memory_space<semaphore_mem>> -> memref<!tpu.dma_semaphore, #tpu.memory_space<semaphore_mem>>
        %dma_wait3A_601 = arith.constant 0 : i32
        %dma_wait3A_602 = arith.constant 0 : i32
        %dma_wait3A_603 = tpu.memref_slice %arg6[%select_n3A_576, %dma_wait3A_601, %dma_wait3A_602] : memref<12x64x128xf32, #tpu.memory_space<vmem>> -> memref<1x64x128xf32, #tpu.memory_space<vmem>>
        %dma_wait3A_604 = tpu.memref_squeeze %dma_wait3A_603 : memref<1x64x128xf32, #tpu.memory_space<vmem>> -> memref<64x128xf32, #tpu.memory_space<vmem>>
        %dma_wait3A_605 = arith.constant 0 : i32
        %dma_wait3A_606 = arith.constant 0 : i32
        %dma_wait3A_607 = tpu.memref_slice %arg2[%dma_wait3A_605, %dma_wait3A_606] : memref<64x1000000xf32, #tpu.memory_space<hbm>> -> memref<64x128xf32, #tpu.memory_space<hbm>>
        tpu.wait_dma2 semaphore(%dma_wait3A_600 : memref<!tpu.dma_semaphore, #tpu.memory_space<semaphore_mem>>) src(%dma_wait3A_607 : memref<64x128xf32, #tpu.memory_space<hbm>>) dst(%dma_wait3A_604 : memref<64x128xf32, #tpu.memory_space<vmem>>)
        %get3A_608 = arith.index_cast %scan3A_561 : i32 to index
        %get3A_609 = tpu.vector_load %arg5[%get3A_608] {strides = array<i32>} : memref<80xi32, #tpu.memory_space<vmem>>, vector<16xi32>,
        %slice3A_610 = vector.extract_strided_slice %get3A_609 {offsets = [0], sizes = [1], strides = [1]} : vector<16xi32> to vector<1xi32>
        %squeeze3A_611 = vector.extract %slice3A_610[0] : i32 from vector<1xi32>
        %jit3A_612 = arith.constant 128 : i32
        %eq3A_613 = arith.constant 0 : i32
        %eq3A_614 = arith.cmpi eq, %jit3A_612, %eq3A_613 : i32
        %jit3A_615 = arith.constant 1 : i32
        %select_n3A_616 = arith.select %eq3A_614, %jit3A_615, %jit3A_612 : i32
        %rem3A_617 = arith.remsi %squeeze3A_611, %select_n3A_616 : i32
        %ne3A_618 = arith.constant 0 : i32
        %ne3A_619 = arith.cmpi ne, %rem3A_617, %ne3A_618 : i32
        %lt3A_620 = arith.constant 0 : i32
        %lt3A_621 = arith.cmpi slt, %rem3A_617, %lt3A_620 : i32
        %lt3A_622 = arith.constant 0 : i32
        %lt3A_623 = arith.cmpi slt, %select_n3A_616, %lt3A_622 : i32
        %ne3A_624 = arith.xori %lt3A_621, %lt3A_623 : i1
        %and3A_625 = arith.andi %ne3A_624, %ne3A_619 : i1
        %add3A_626 = arith.addi %rem3A_617, %select_n3A_616 : i32
        %select_n3A_627 = arith.select %and3A_625, %add3A_626, %rem3A_617 : i32
        %broadcast_in_dim3A = vector.broadcast %select_n3A_627 : i32 to vector<16xi32>
        %broadcast_in_dim3A_628 = vector.broadcast %scan3A_561 : i32 to vector<16xi32>
        %jit3A_629 = arith.constant 12 : i32
        %eq3A_630 = arith.constant 0 : i32
        %eq3A_631 = arith.cmpi eq, %jit3A_629, %eq3A_630 : i32
        %jit3A_632 = arith.constant 1 : i32
        %select_n3A_633 = arith.select %eq3A_631, %jit3A_632, %jit3A_629 : i32
        %rem3A_634 = arith.remsi %scan3A_561, %select_n3A_633 : i32
        %ne3A_635 = arith.constant 0 : i32
        %ne3A_636 = arith.cmpi ne, %rem3A_634, %ne3A_635 : i32
        %lt3A_637 = arith.constant 0 : i32
        %lt3A_638 = arith.cmpi slt, %rem3A_634, %lt3A_637 : i32
        %lt3A_639 = arith.constant 0 : i32
        %lt3A_640 = arith.cmpi slt, %select_n3A_633, %lt3A_639 : i32
        %ne3A_641 = arith.xori %lt3A_638, %lt3A_640 : i1
        %and3A_642 = arith.andi %ne3A_641, %ne3A_636 : i1
        %add3A_643 = arith.addi %rem3A_634, %select_n3A_633 : i32
        %select_n3A_644 = arith.select %and3A_642, %add3A_643, %rem3A_634 : i32
        %add3A_645 = arith.constant 0 : i32
        %add3A_646 = vector.broadcast %add3A_645 : i32 to vector<16xi32>
        %add3A_647 = arith.addi %iota3A, %add3A_646 : vector<16xi32>
        %gather3A = arith.constant 0 : i32
        %gather3A_648 = arith.constant 0 : i32
        %gather3A_649 = tpu.memref_slice %arg6[%select_n3A_644, %gather3A, %gather3A_648] : memref<12x64x128xf32, #tpu.memory_space<vmem>> -> memref<1x64x128xf32, #tpu.memory_space<vmem>>
        %gather3A_650 = tpu.memref_squeeze %gather3A_649 : memref<1x64x128xf32, #tpu.memory_space<vmem>> -> memref<64x128xf32, #tpu.memory_space<vmem>>
        %gather3A_651 = tpu.vector_load_idx %gather3A_650[%add3A_647, %broadcast_in_dim3A] : memref<64x128xf32, #tpu.memory_space<vmem>>[vector<16xi32>, vector<16xi32>], vector<16xf32>,
        tpu.vector_store_idx %arg7[%add3A_647, %broadcast_in_dim3A_628], %gather3A_651 : memref<64x64xf32, #tpu.memory_space<vmem>>[vector<16xi32>, vector<16xi32>], vector<16xf32>,
        %add3A_652 = arith.constant 16 : i32
        %add3A_653 = vector.broadcast %add3A_652 : i32 to vector<16xi32>
        %add3A_654 = arith.addi %iota3A, %add3A_653 : vector<16xi32>
        %gather3A_655 = arith.constant 0 : i32
        %gather3A_656 = arith.constant 0 : i32
        %gather3A_657 = tpu.memref_slice %arg6[%select_n3A_644, %gather3A_655, %gather3A_656] : memref<12x64x128xf32, #tpu.memory_space<vmem>> -> memref<1x64x128xf32, #tpu.memory_space<vmem>>
        %gather3A_658 = tpu.memref_squeeze %gather3A_657 : memref<1x64x128xf32, #tpu.memory_space<vmem>> -> memref<64x128xf32, #tpu.memory_space<vmem>>
        %gather3A_659 = tpu.vector_load_idx %gather3A_658[%add3A_654, %broadcast_in_dim3A] : memref<64x128xf32, #tpu.memory_space<vmem>>[vector<16xi32>, vector<16xi32>], vector<16xf32>,
        tpu.vector_store_idx %arg7[%add3A_654, %broadcast_in_dim3A_628], %gather3A_659 : memref<64x64xf32, #tpu.memory_space<vmem>>[vector<16xi32>, vector<16xi32>], vector<16xf32>,
        %add3A_660 = arith.constant 32 : i32
        %add3A_661 = vector.broadcast %add3A_660 : i32 to vector<16xi32>
        %add3A_662 = arith.addi %iota3A, %add3A_661 : vector<16xi32>
        %gather3A_663 = arith.constant 0 : i32
        %gather3A_664 = arith.constant 0 : i32
        %gather3A_665 = tpu.memref_slice %arg6[%select_n3A_644, %gather3A_663, %gather3A_664] : memref<12x64x128xf32, #tpu.memory_space<vmem>> -> memref<1x64x128xf32, #tpu.memory_space<vmem>>
        %gather3A_666 = tpu.memref_squeeze %gather3A_665 : memref<1x64x128xf32, #tpu.memory_space<vmem>> -> memref<64x128xf32, #tpu.memory_space<vmem>>
        %gather3A_667 = tpu.vector_load_idx %gather3A_666[%add3A_662, %broadcast_in_dim3A] : memref<64x128xf32, #tpu.memory_space<vmem>>[vector<16xi32>, vector<16xi32>], vector<16xf32>,
        tpu.vector_store_idx %arg7[%add3A_662, %broadcast_in_dim3A_628], %gather3A_667 : memref<64x64xf32, #tpu.memory_space<vmem>>[vector<16xi32>, vector<16xi32>], vector<16xf32>,
        %add3A_668 = arith.constant 48 : i32
        %add3A_669 = vector.broadcast %add3A_668 : i32 to vector<16xi32>
        %add3A_670 = arith.addi %iota3A, %add3A_669 : vector<16xi32>
        %gather3A_671 = arith.constant 0 : i32
        %gather3A_672 = arith.constant 0 : i32
        %gather3A_673 = tpu.memref_slice %arg6[%select_n3A_644, %gather3A_671, %gather3A_672] : memref<12x64x128xf32, #tpu.memory_space<vmem>> -> memref<1x64x128xf32, #tpu.memory_space<vmem>>
        %gather3A_674 = tpu.memref_squeeze %gather3A_673 : memref<1x64x128xf32, #tpu.memory_space<vmem>> -> memref<64x128xf32, #tpu.memory_space<vmem>>
        %gather3A_675 = tpu.vector_load_idx %gather3A_674[%add3A_670, %broadcast_in_dim3A] : memref<64x128xf32, #tpu.memory_space<vmem>>[vector<16xi32>, vector<16xi32>], vector<16xf32>,
        tpu.vector_store_idx %arg7[%add3A_670, %broadcast_in_dim3A_628], %gather3A_675 : memref<64x64xf32, #tpu.memory_space<vmem>>[vector<16xi32>, vector<16xi32>], vector<16xf32>,
        %add3A_676 = arith.constant 12 : i32
        %add3A_677 = arith.addi %scan3A_561, %add3A_676 : i32
        %lt3A_678 = arith.constant 64 : i32
        %lt3A_679 = arith.cmpi slt, %add3A_677, %lt3A_678 : i32
        %convert_element_type3A_680 = arith.extui %lt3A_679 : i1 to i32
        %cond3A_681 = arith.constant 0 : i32
        %cond3A_682 = arith.cmpi ne, %convert_element_type3A_680, %cond3A_681 : i32
        scf.if %cond3A_682 {
          %add3A_683 = arith.constant 12 : i32
          %add3A_684 = arith.addi %scan3A_561, %add3A_683 : i32
          %get3A_685 = arith.index_cast %add3A_684 : i32 to index
          %get3A_686 = tpu.vector_load %arg5[%get3A_685] {strides = array<i32>} : memref<80xi32, #tpu.memory_space<vmem>>, vector<16xi32>,
          %slice3A_687 = vector.extract_strided_slice %get3A_686 {offsets = [0], sizes = [1], strides = [1]} : vector<16xi32> to vector<1xi32>
          %squeeze3A_688 = vector.extract %slice3A_687[0] : i32 from vector<1xi32>
          %jit3A_689 = arith.constant 128 : i32
          %div3A_690 = arith.divsi %squeeze3A_688, %jit3A_689 : i32
          %sign3A_691 = arith.constant 0 : i32
          %sign3A_692 = arith.cmpi sgt, %squeeze3A_688, %sign3A_691 : i32
          %sign3A_693 = arith.extui %sign3A_692 : i1 to i32
          %sign3A_694 = arith.constant 0 : i32
          %sign3A_695 = arith.cmpi slt, %squeeze3A_688, %sign3A_694 : i32
          %sign3A_696 = arith.extui %sign3A_695 : i1 to i32
          %sign3A_697 = arith.subi %sign3A_693, %sign3A_696 : i32
          %sign3A_698 = arith.constant 0 : i32
          %sign3A_699 = arith.cmpi sgt, %jit3A_689, %sign3A_698 : i32
          %sign3A_700 = arith.extui %sign3A_699 : i1 to i32
          %sign3A_701 = arith.constant 0 : i32
          %sign3A_702 = arith.cmpi slt, %jit3A_689, %sign3A_701 : i32
          %sign3A_703 = arith.extui %sign3A_702 : i1 to i32
          %sign3A_704 = arith.subi %sign3A_700, %sign3A_703 : i32
          %ne3A_705 = arith.cmpi ne, %sign3A_697, %sign3A_704 : i32
          %rem3A_706 = arith.remsi %squeeze3A_688, %jit3A_689 : i32
          %ne3A_707 = arith.constant 0 : i32
          %ne3A_708 = arith.cmpi ne, %rem3A_706, %ne3A_707 : i32
          %and3A_709 = arith.andi %ne3A_705, %ne3A_708 : i1
          %sub3A_710 = arith.constant 1 : i32
          %sub3A_711 = arith.subi %div3A_690, %sub3A_710 : i32
          %select_n3A_712 = arith.select %and3A_709, %sub3A_711, %div3A_690 : i32
          %mul3A_713 = arith.constant 128 : i32
          %mul3A_714 = arith.muli %select_n3A_712, %mul3A_713 : i32
          %multiple_of3A_715 = tpu.assume_multiple %mul3A_714, 128 : i32
          %jit3A_716 = arith.constant 12 : i32
          %eq3A_717 = arith.constant 0 : i32
          %eq3A_718 = arith.cmpi eq, %jit3A_716, %eq3A_717 : i32
          %jit3A_719 = arith.constant 1 : i32
          %select_n3A_720 = arith.select %eq3A_718, %jit3A_719, %jit3A_716 : i32
          %rem3A_721 = arith.remsi %add3A_684, %select_n3A_720 : i32
          %ne3A_722 = arith.constant 0 : i32
          %ne3A_723 = arith.cmpi ne, %rem3A_721, %ne3A_722 : i32
          %lt3A_724 = arith.constant 0 : i32
          %lt3A_725 = arith.cmpi slt, %rem3A_721, %lt3A_724 : i32
          %lt3A_726 = arith.constant 0 : i32
          %lt3A_727 = arith.cmpi slt, %select_n3A_720, %lt3A_726 : i32
          %ne3A_728 = arith.xori %lt3A_725, %lt3A_727 : i1
          %and3A_729 = arith.andi %ne3A_728, %ne3A_723 : i1
          %add3A_730 = arith.addi %rem3A_721, %select_n3A_720 : i32
          %select_n3A_731 = arith.select %and3A_729, %add3A_730, %rem3A_721 : i32
          %jit3A_732 = arith.constant 12 : i32
          %eq3A_733 = arith.constant 0 : i32
          %eq3A_734 = arith.cmpi eq, %jit3A_732, %eq3A_733 : i32
          %jit3A_735 = arith.constant 1 : i32
          %select_n3A_736 = arith.select %eq3A_734, %jit3A_735, %jit3A_732 : i32
          %rem3A_737 = arith.remsi %add3A_684, %select_n3A_736 : i32
          %ne3A_738 = arith.constant 0 : i32
          %ne3A_739 = arith.cmpi ne, %rem3A_737, %ne3A_738 : i32
          %lt3A_740 = arith.constant 0 : i32
          %lt3A_741 = arith.cmpi slt, %rem3A_737, %lt3A_740 : i32
          %lt3A_742 = arith.constant 0 : i32
          %lt3A_743 = arith.cmpi slt, %select_n3A_736, %lt3A_742 : i32
          %ne3A_744 = arith.xori %lt3A_741, %lt3A_743 : i1
          %and3A_745 = arith.andi %ne3A_744, %ne3A_739 : i1
          %add3A_746 = arith.addi %rem3A_737, %select_n3A_736 : i32
          %select_n3A_747 = arith.select %and3A_745, %add3A_746, %rem3A_737 : i32
          %dma_start3A_748 = arith.constant 0 : i32
          %dma_start3A_749 = arith.constant 0 : i32
          %dma_start3A_750 = tpu.memref_slice %arg6[%select_n3A_731, %dma_start3A_748, %dma_start3A_749] : memref<12x64x128xf32, #tpu.memory_space<vmem>> -> memref<1x64x128xf32, #tpu.memory_space<vmem>>
          %dma_start3A_751 = tpu.memref_squeeze %dma_start3A_750 : memref<1x64x128xf32, #tpu.memory_space<vmem>> -> memref<64x128xf32, #tpu.memory_space<vmem>>
          %dma_start3A_752 = arith.constant 0 : i32
          %dma_start3A_753 = tpu.memref_slice %arg2[%dma_start3A_752, %multiple_of3A_715] : memref<64x1000000xf32, #tpu.memory_space<hbm>> -> memref<64x128xf32, #tpu.memory_space<hbm>>
          %dma_start3A_754 = tpu.memref_slice %arg8[%select_n3A_747] : memref<12x!tpu.dma_semaphore, #tpu.memory_space<semaphore_mem>> -> memref<1x!tpu.dma_semaphore, #tpu.memory_space<semaphore_mem>>
          %dma_start3A_755 = tpu.memref_squeeze %dma_start3A_754 : memref<1x!tpu.dma_semaphore, #tpu.memory_space<semaphore_mem>> -> memref<!tpu.dma_semaphore, #tpu.memory_space<semaphore_mem>>
          %dma_start3A_756 = arith.constant 0 : i32
          %dma_start3A_757 = arith.constant 0 : i32
          %dma_start3A_758 = tpu.memref_slice %arg6[%select_n3A_731, %dma_start3A_756, %dma_start3A_757] : memref<12x64x128xf32, #tpu.memory_space<vmem>> -> memref<1x64x128xf32, #tpu.memory_space<vmem>>
          %dma_start3A_759 = tpu.memref_squeeze %dma_start3A_758 : memref<1x64x128xf32, #tpu.memory_space<vmem>> -> memref<64x128xf32, #tpu.memory_space<vmem>>
          %dma_start3A_760 = arith.constant 0 : i32
          %dma_start3A_761 = tpu.memref_slice %arg2[%dma_start3A_760, %multiple_of3A_715] : memref<64x1000000xf32, #tpu.memory_space<hbm>> -> memref<64x128xf32, #tpu.memory_space<hbm>>
          tpu.enqueue_dma source(%dma_start3A_761 : memref<64x128xf32, #tpu.memory_space<hbm>>) target(%dma_start3A_759 : memref<64x128xf32, #tpu.memory_space<vmem>>) target_semaphore(%dma_start3A_755 : memref<!tpu.dma_semaphore, #tpu.memory_space<semaphore_mem>>)
        } else {
        }
      }
      %scan3A_560 = arith.constant 64 : i32
      "tpu.region"() ({
        %run_scoped3A = tpu.sem_alloc : memref<!tpu.dma_semaphore, #tpu.memory_space<semaphore_mem>>
        %dma_start3A_561 = arith.constant 0 : i32
        %dma_start3A_562 = arith.constant 0 : i32
        %dma_start3A_563 = tpu.memref_slice %arg4[%add3A, %dma_start3A_561, %dma_start3A_562] : memref<32x64x64xf32, #tpu.memory_space<hbm>> -> memref<1x64x64xf32, #tpu.memory_space<hbm>>
        %dma_start3A_564 = tpu.memref_squeeze %dma_start3A_563 : memref<1x64x64xf32, #tpu.memory_space<hbm>> -> memref<64x64xf32, #tpu.memory_space<hbm>>
        %dma_start3A_565 = arith.constant 0 : i32
        %dma_start3A_566 = arith.constant 0 : i32
        %dma_start3A_567 = tpu.memref_slice %arg4[%add3A, %dma_start3A_565, %dma_start3A_566] : memref<32x64x64xf32, #tpu.memory_space<hbm>> -> memref<1x64x64xf32, #tpu.memory_space<hbm>>
        %dma_start3A_568 = tpu.memref_squeeze %dma_start3A_567 : memref<1x64x64xf32, #tpu.memory_space<hbm>> -> memref<64x64xf32, #tpu.memory_space<hbm>>
        tpu.enqueue_dma source(%arg7 : memref<64x64xf32, #tpu.memory_space<vmem>>) target(%dma_start3A_568 : memref<64x64xf32, #tpu.memory_space<hbm>>) target_semaphore(%run_scoped3A : memref<!tpu.dma_semaphore, #tpu.memory_space<semaphore_mem>>)
        %dma_wait3A = arith.constant 0 : i32
        %dma_wait3A_569 = arith.constant 0 : i32
        %dma_wait3A_570 = tpu.memref_slice %arg4[%add3A, %dma_wait3A, %dma_wait3A_569] : memref<32x64x64xf32, #tpu.memory_space<hbm>> -> memref<1x64x64xf32, #tpu.memory_space<hbm>>
        %dma_wait3A_571 = tpu.memref_squeeze %dma_wait3A_570 : memref<1x64x64xf32, #tpu.memory_space<hbm>> -> memref<64x64xf32, #tpu.memory_space<hbm>>
        %dma_wait3A_572 = arith.constant 0 : i32
        %dma_wait3A_573 = arith.constant 0 : i32
        %dma_wait3A_574 = tpu.memref_slice %arg4[%add3A, %dma_wait3A_572, %dma_wait3A_573] : memref<32x64x64xf32, #tpu.memory_space<hbm>> -> memref<1x64x64xf32, #tpu.memory_space<hbm>>
        %dma_wait3A_575 = tpu.memref_squeeze %dma_wait3A_574 : memref<1x64x64xf32, #tpu.memory_space<hbm>> -> memref<64x64xf32, #tpu.memory_space<hbm>>
        tpu.wait_dma2 semaphore(%run_scoped3A : memref<!tpu.dma_semaphore, #tpu.memory_space<semaphore_mem>>) src(%arg7 : memref<64x64xf32, #tpu.memory_space<vmem>>) dst(%dma_wait3A_575 : memref<64x64xf32, #tpu.memory_space<hbm>>)
        tpu.yield
      }) : () -> ()
    } else {
    }
    return
  }
}

#map = affine_map<(d0, d1) -> (0, 0)>
#map1 = affine_map<(d0, d1) -> (0)>
#map2 = affine_map<(d0, d1) -> (0, 0, 0)>
module attributes {stable_mosaic.version = 14 : i64} {
  func.func @gather_kernel(%arg0: i32, %arg1: i32, %arg2: memref<64x1000000xf32, #tpu.memory_space<hbm>>, %arg3: memref<2048xi32, #tpu.memory_space<hbm>>, %arg4: memref<32x64x64xf32, #tpu.memory_space<hbm>>, %arg5: memref<80xi32, #tpu.memory_space<vmem>>, %arg6: memref<12x64x128xf32, #tpu.memory_space<vmem>>, %arg7: memref<64x64xf32, #tpu.memory_space<vmem>>, %arg8: memref<12x!tpu.dma_semaphore, #tpu.memory_space<semaphore_mem>>) attributes {dimension_semantics = [#tpu.dimension_semantics<core_parallel>, #tpu.dimension_semantics<subcore_parallel>], iteration_bounds = array<i64: 2, 16>, scalar_prefetch = 0 : i64, scratch_operands = 4 : i64, tpu.core_type = #tpu.core_type<sc_vector_subcore>, window_params = [{transform_indices = #map}, {transform_indices = #map1}, {transform_indices = #map2}]} {
    %mul3A = arith.constant 2 : i32
    %mul3A_0 = arith.muli %arg1, %mul3A : i32
    %add3A = arith.addi %mul3A_0, %arg0 : i32
    %mul3A_1 = arith.constant 64 : i32
    %mul3A_2 = arith.muli %add3A, %mul3A_1 : i32
    %lt3A = arith.constant 32 : i32
    %lt3A_3 = arith.cmpi slt, %add3A, %lt3A : i32
    %convert_element_type3A = arith.extui %lt3A_3 : i1 to i32
    %cond3A = arith.constant 0 : i32
    %cond3A_4 = arith.cmpi ne, %convert_element_type3A, %cond3A : i32
    scf.if %cond3A_4 {
      "tpu.region"() ({
        %run_scoped3A = tpu.sem_alloc : memref<!tpu.dma_semaphore, #tpu.memory_space<semaphore_mem>>
        %dma_start3A_561 = arith.constant 0 : i32
        %dma_start3A_562 = tpu.memref_slice %arg5[%dma_start3A_561] : memref<80xi32, #tpu.memory_space<vmem>> -> memref<64xi32, #tpu.memory_space<vmem>>
        %dma_start3A_563 = tpu.memref_slice %arg3[%mul3A_2] : memref<2048xi32, #tpu.memory_space<hbm>> -> memref<64xi32, #tpu.memory_space<hbm>>
        %dma_start3A_564 = arith.constant 0 : i32
        %dma_start3A_565 = tpu.memref_slice %arg5[%dma_start3A_564] : memref<80xi32, #tpu.memory_space<vmem>> -> memref<64xi32, #tpu.memory_space<vmem>>
        %dma_start3A_566 = tpu.memref_slice %arg3[%mul3A_2] : memref<2048xi32, #tpu.memory_space<hbm>> -> memref<64xi32, #tpu.memory_space<hbm>>
        tpu.enqueue_dma source(%dma_start3A_566 : memref<64xi32, #tpu.memory_space<hbm>>) target(%dma_start3A_565 : memref<64xi32, #tpu.memory_space<vmem>>) target_semaphore(%run_scoped3A : memref<!tpu.dma_semaphore, #tpu.memory_space<semaphore_mem>>)
        %dma_wait3A = arith.constant 0 : i32
        %dma_wait3A_567 = tpu.memref_slice %arg5[%dma_wait3A] : memref<80xi32, #tpu.memory_space<vmem>> -> memref<64xi32, #tpu.memory_space<vmem>>
        %dma_wait3A_568 = tpu.memref_slice %arg3[%mul3A_2] : memref<2048xi32, #tpu.memory_space<hbm>> -> memref<64xi32, #tpu.memory_space<hbm>>
        %dma_wait3A_569 = arith.constant 0 : i32
        %dma_wait3A_570 = tpu.memref_slice %arg5[%dma_wait3A_569] : memref<80xi32, #tpu.memory_space<vmem>> -> memref<64xi32, #tpu.memory_space<vmem>>
        %dma_wait3A_571 = tpu.memref_slice %arg3[%mul3A_2] : memref<2048xi32, #tpu.memory_space<hbm>> -> memref<64xi32, #tpu.memory_space<hbm>>
        tpu.wait_dma2 semaphore(%run_scoped3A : memref<!tpu.dma_semaphore, #tpu.memory_space<semaphore_mem>>) src(%dma_wait3A_571 : memref<64xi32, #tpu.memory_space<hbm>>) dst(%dma_wait3A_570 : memref<64xi32, #tpu.memory_space<vmem>>)
        tpu.yield
      }) : () -> ()
      %get3A = arith.constant 0 : index
      %get3A_5 = tpu.vector_load %arg5[%get3A] {strides = array<i32>} : memref<80xi32, #tpu.memory_space<vmem>>, vector<16xi32>,
      %slice3A = vector.extract_strided_slice %get3A_5 {offsets = [0], sizes = [1], strides = [1]} : vector<16xi32> to vector<1xi32>
      %squeeze3A = vector.extract %slice3A[0] : i32 from vector<1xi32>
      %jit3A = arith.constant 128 : i32
      %div3A = arith.divsi %squeeze3A, %jit3A : i32
      %sign3A = arith.constant 0 : i32
      %sign3A_6 = arith.cmpi sgt, %squeeze3A, %sign3A : i32
      %sign3A_7 = arith.extui %sign3A_6 : i1 to i32
      %sign3A_8 = arith.constant 0 : i32
      %sign3A_9 = arith.cmpi slt, %squeeze3A, %sign3A_8 : i32
      %sign3A_10 = arith.extui %sign3A_9 : i1 to i32
      %sign3A_11 = arith.subi %sign3A_7, %sign3A_10 : i32
      %sign3A_12 = arith.constant 0 : i32
      %sign3A_13 = arith.cmpi sgt, %jit3A, %sign3A_12 : i32
      %sign3A_14 = arith.extui %sign3A_13 : i1 to i32
      %sign3A_15 = arith.constant 0 : i32
      %sign3A_16 = arith.cmpi slt, %jit3A, %sign3A_15 : i32
      %sign3A_17 = arith.extui %sign3A_16 : i1 to i32
      %sign3A_18 = arith.subi %sign3A_14, %sign3A_17 : i32
      %ne3A = arith.cmpi ne, %sign3A_11, %sign3A_18 : i32
      %rem3A = arith.remsi %squeeze3A, %jit3A : i32
      %ne3A_19 = arith.constant 0 : i32
      %ne3A_20 = arith.cmpi ne, %rem3A, %ne3A_19 : i32
      %and3A = arith.andi %ne3A, %ne3A_20 : i1
      %sub3A = arith.constant 1 : i32
      %sub3A_21 = arith.subi %div3A, %sub3A : i32
      %select_n3A = arith.select %and3A, %sub3A_21, %div3A : i32
      %mul3A_22 = arith.constant 128 : i32
      %mul3A_23 = arith.muli %select_n3A, %mul3A_22 : i32
      %multiple_of3A = tpu.assume_multiple %mul3A_23, 128 : i32
      %dma_start3A = arith.constant 0 : i32
      %dma_start3A_24 = arith.constant 0 : i32
      %dma_start3A_25 = arith.constant 0 : i32
      %dma_start3A_26 = arith.constant 0 : i32
      %dma_start3A_27 = tpu.memref_slice %arg6[%dma_start3A, %dma_start3A_25, %dma_start3A_26] : memref<12x64x128xf32, #tpu.memory_space<vmem>> -> memref<1x64x128xf32, #tpu.memory_space<vmem>>
      %dma_start3A_28 = tpu.memref_squeeze %dma_start3A_27 : memref<1x64x128xf32, #tpu.memory_space<vmem>> -> memref<64x128xf32, #tpu.memory_space<vmem>>
      %dma_start3A_29 = arith.constant 0 : i32
      %dma_start3A_30 = tpu.memref_slice %arg2[%dma_start3A_29, %multiple_of3A] : memref<64x1000000xf32, #tpu.memory_space<hbm>> -> memref<64x128xf32, #tpu.memory_space<hbm>>
      %dma_start3A_31 = tpu.memref_slice %arg8[%dma_start3A_24] : memref<12x!tpu.dma_semaphore, #tpu.memory_space<semaphore_mem>> -> memref<1x!tpu.dma_semaphore, #tpu.memory_space<semaphore_mem>>
      %dma_start3A_32 = tpu.memref_squeeze %dma_start3A_31 : memref<1x!tpu.dma_semaphore, #tpu.memory_space<semaphore_mem>> -> memref<!tpu.dma_semaphore, #tpu.memory_space<semaphore_mem>>
      %dma_start3A_33 = arith.constant 0 : i32
      %dma_start3A_34 = arith.constant 0 : i32
      %dma_start3A_35 = tpu.memref_slice %arg6[%dma_start3A, %dma_start3A_33, %dma_start3A_34] : memref<12x64x128xf32, #tpu.memory_space<vmem>> -> memref<1x64x128xf32, #tpu.memory_space<vmem>>
      %dma_start3A_36 = tpu.memref_squeeze %dma_start3A_35 : memref<1x64x128xf32, #tpu.memory_space<vmem>> -> memref<64x128xf32, #tpu.memory_space<vmem>>
      %dma_start3A_37 = arith.constant 0 : i32
      %dma_start3A_38 = tpu.memref_slice %arg2[%dma_start3A_37, %multiple_of3A] : memref<64x1000000xf32, #tpu.memory_space<hbm>> -> memref<64x128xf32, #tpu.memory_space<hbm>>
      tpu.enqueue_dma source(%dma_start3A_38 : memref<64x128xf32, #tpu.memory_space<hbm>>) target(%dma_start3A_36 : memref<64x128xf32, #tpu.memory_space<vmem>>) target_semaphore(%dma_start3A_32 : memref<!tpu.dma_semaphore, #tpu.memory_space<semaphore_mem>>)
      %get3A_39 = arith.constant 1 : index
      %get3A_40 = tpu.vector_load %arg5[%get3A_39] {strides = array<i32>} : memref<80xi32, #tpu.memory_space<vmem>>, vector<16xi32>,
      %slice3A_41 = vector.extract_strided_slice %get3A_40 {offsets = [0], sizes = [1], strides = [1]} : vector<16xi32> to vector<1xi32>
      %squeeze3A_42 = vector.extract %slice3A_41[0] : i32 from vector<1xi32>
      %jit3A_43 = arith.constant 128 : i32
      %div3A_44 = arith.divsi %squeeze3A_42, %jit3A_43 : i32
      %sign3A_45 = arith.constant 0 : i32
      %sign3A_46 = arith.cmpi sgt, %squeeze3A_42, %sign3A_45 : i32
      %sign3A_47 = arith.extui %sign3A_46 : i1 to i32
      %sign3A_48 = arith.constant 0 : i32
      %sign3A_49 = arith.cmpi slt, %squeeze3A_42, %sign3A_48 : i32
      %sign3A_50 = arith.extui %sign3A_49 : i1 to i32
      %sign3A_51 = arith.subi %sign3A_47, %sign3A_50 : i32
      %sign3A_52 = arith.constant 0 : i32
      %sign3A_53 = arith.cmpi sgt, %jit3A_43, %sign3A_52 : i32
      %sign3A_54 = arith.extui %sign3A_53 : i1 to i32
      %sign3A_55 = arith.constant 0 : i32
      %sign3A_56 = arith.cmpi slt, %jit3A_43, %sign3A_55 : i32
      %sign3A_57 = arith.extui %sign3A_56 : i1 to i32
      %sign3A_58 = arith.subi %sign3A_54, %sign3A_57 : i32
      %ne3A_59 = arith.cmpi ne, %sign3A_51, %sign3A_58 : i32
      %rem3A_60 = arith.remsi %squeeze3A_42, %jit3A_43 : i32
      %ne3A_61 = arith.constant 0 : i32
      %ne3A_62 = arith.cmpi ne, %rem3A_60, %ne3A_61 : i32
      %and3A_63 = arith.andi %ne3A_59, %ne3A_62 : i1
      %sub3A_64 = arith.constant 1 : i32
      %sub3A_65 = arith.subi %div3A_44, %sub3A_64 : i32
      %select_n3A_66 = arith.select %and3A_63, %sub3A_65, %div3A_44 : i32
      %mul3A_67 = arith.constant 128 : i32
      %mul3A_68 = arith.muli %select_n3A_66, %mul3A_67 : i32
      %multiple_of3A_69 = tpu.assume_multiple %mul3A_68, 128 : i32
      %dma_start3A_70 = arith.constant 1 : i32
      %dma_start3A_71 = arith.constant 1 : i32
      %dma_start3A_72 = arith.constant 0 : i32
      %dma_start3A_73 = arith.constant 0 : i32
      %dma_start3A_74 = tpu.memref_slice %arg6[%dma_start3A_70, %dma_start3A_72, %dma_start3A_73] : memref<12x64x128xf32, #tpu.memory_space<vmem>> -> memref<1x64x128xf32, #tpu.memory_space<vmem>>
      %dma_start3A_75 = tpu.memref_squeeze %dma_start3A_74 : memref<1x64x128xf32, #tpu.memory_space<vmem>> -> memref<64x128xf32, #tpu.memory_space<vmem>>
      %dma_start3A_76 = arith.constant 0 : i32
      %dma_start3A_77 = tpu.memref_slice %arg2[%dma_start3A_76, %multiple_of3A_69] : memref<64x1000000xf32, #tpu.memory_space<hbm>> -> memref<64x128xf32, #tpu.memory_space<hbm>>
      %dma_start3A_78 = tpu.memref_slice %arg8[%dma_start3A_71] : memref<12x!tpu.dma_semaphore, #tpu.memory_space<semaphore_mem>> -> memref<1x!tpu.dma_semaphore, #tpu.memory_space<semaphore_mem>>
      %dma_start3A_79 = tpu.memref_squeeze %dma_start3A_78 : memref<1x!tpu.dma_semaphore, #tpu.memory_space<semaphore_mem>> -> memref<!tpu.dma_semaphore, #tpu.memory_space<semaphore_mem>>
      %dma_start3A_80 = arith.constant 0 : i32
      %dma_start3A_81 = arith.constant 0 : i32
      %dma_start3A_82 = tpu.memref_slice %arg6[%dma_start3A_70, %dma_start3A_80, %dma_start3A_81] : memref<12x64x128xf32, #tpu.memory_space<vmem>> -> memref<1x64x128xf32, #tpu.memory_space<vmem>>
      %dma_start3A_83 = tpu.memref_squeeze %dma_start3A_82 : memref<1x64x128xf32, #tpu.memory_space<vmem>> -> memref<64x128xf32, #tpu.memory_space<vmem>>
      %dma_start3A_84 = arith.constant 0 : i32
      %dma_start3A_85 = tpu.memref_slice %arg2[%dma_start3A_84, %multiple_of3A_69] : memref<64x1000000xf32, #tpu.memory_space<hbm>> -> memref<64x128xf32, #tpu.memory_space<hbm>>
      tpu.enqueue_dma source(%dma_start3A_85 : memref<64x128xf32, #tpu.memory_space<hbm>>) target(%dma_start3A_83 : memref<64x128xf32, #tpu.memory_space<vmem>>) target_semaphore(%dma_start3A_79 : memref<!tpu.dma_semaphore, #tpu.memory_space<semaphore_mem>>)
      %get3A_86 = arith.constant 2 : index
      %get3A_87 = tpu.vector_load %arg5[%get3A_86] {strides = array<i32>} : memref<80xi32, #tpu.memory_space<vmem>>, vector<16xi32>,
      %slice3A_88 = vector.extract_strided_slice %get3A_87 {offsets = [0], sizes = [1], strides = [1]} : vector<16xi32> to vector<1xi32>
      %squeeze3A_89 = vector.extract %slice3A_88[0] : i32 from vector<1xi32>
      %jit3A_90 = arith.constant 128 : i32
      %div3A_91 = arith.divsi %squeeze3A_89, %jit3A_90 : i32
      %sign3A_92 = arith.constant 0 : i32
      %sign3A_93 = arith.cmpi sgt, %squeeze3A_89, %sign3A_92 : i32
      %sign3A_94 = arith.extui %sign3A_93 : i1 to i32
      %sign3A_95 = arith.constant 0 : i32
      %sign3A_96 = arith.cmpi slt, %squeeze3A_89, %sign3A_95 : i32
      %sign3A_97 = arith.extui %sign3A_96 : i1 to i32
      %sign3A_98 = arith.subi %sign3A_94, %sign3A_97 : i32
      %sign3A_99 = arith.constant 0 : i32
      %sign3A_100 = arith.cmpi sgt, %jit3A_90, %sign3A_99 : i32
      %sign3A_101 = arith.extui %sign3A_100 : i1 to i32
      %sign3A_102 = arith.constant 0 : i32
      %sign3A_103 = arith.cmpi slt, %jit3A_90, %sign3A_102 : i32
      %sign3A_104 = arith.extui %sign3A_103 : i1 to i32
      %sign3A_105 = arith.subi %sign3A_101, %sign3A_104 : i32
      %ne3A_106 = arith.cmpi ne, %sign3A_98, %sign3A_105 : i32
      %rem3A_107 = arith.remsi %squeeze3A_89, %jit3A_90 : i32
      %ne3A_108 = arith.constant 0 : i32
      %ne3A_109 = arith.cmpi ne, %rem3A_107, %ne3A_108 : i32
      %and3A_110 = arith.andi %ne3A_106, %ne3A_109 : i1
      %sub3A_111 = arith.constant 1 : i32
      %sub3A_112 = arith.subi %div3A_91, %sub3A_111 : i32
      %select_n3A_113 = arith.select %and3A_110, %sub3A_112, %div3A_91 : i32
      %mul3A_114 = arith.constant 128 : i32
      %mul3A_115 = arith.muli %select_n3A_113, %mul3A_114 : i32
      %multiple_of3A_116 = tpu.assume_multiple %mul3A_115, 128 : i32
      %dma_start3A_117 = arith.constant 2 : i32
      %dma_start3A_118 = arith.constant 2 : i32
      %dma_start3A_119 = arith.constant 0 : i32
      %dma_start3A_120 = arith.constant 0 : i32
      %dma_start3A_121 = tpu.memref_slice %arg6[%dma_start3A_117, %dma_start3A_119, %dma_start3A_120] : memref<12x64x128xf32, #tpu.memory_space<vmem>> -> memref<1x64x128xf32, #tpu.memory_space<vmem>>
      %dma_start3A_122 = tpu.memref_squeeze %dma_start3A_121 : memref<1x64x128xf32, #tpu.memory_space<vmem>> -> memref<64x128xf32, #tpu.memory_space<vmem>>
      %dma_start3A_123 = arith.constant 0 : i32
      %dma_start3A_124 = tpu.memref_slice %arg2[%dma_start3A_123, %multiple_of3A_116] : memref<64x1000000xf32, #tpu.memory_space<hbm>> -> memref<64x128xf32, #tpu.memory_space<hbm>>
      %dma_start3A_125 = tpu.memref_slice %arg8[%dma_start3A_118] : memref<12x!tpu.dma_semaphore, #tpu.memory_space<semaphore_mem>> -> memref<1x!tpu.dma_semaphore, #tpu.memory_space<semaphore_mem>>
      %dma_start3A_126 = tpu.memref_squeeze %dma_start3A_125 : memref<1x!tpu.dma_semaphore, #tpu.memory_space<semaphore_mem>> -> memref<!tpu.dma_semaphore, #tpu.memory_space<semaphore_mem>>
      %dma_start3A_127 = arith.constant 0 : i32
      %dma_start3A_128 = arith.constant 0 : i32
      %dma_start3A_129 = tpu.memref_slice %arg6[%dma_start3A_117, %dma_start3A_127, %dma_start3A_128] : memref<12x64x128xf32, #tpu.memory_space<vmem>> -> memref<1x64x128xf32, #tpu.memory_space<vmem>>
      %dma_start3A_130 = tpu.memref_squeeze %dma_start3A_129 : memref<1x64x128xf32, #tpu.memory_space<vmem>> -> memref<64x128xf32, #tpu.memory_space<vmem>>
      %dma_start3A_131 = arith.constant 0 : i32
      %dma_start3A_132 = tpu.memref_slice %arg2[%dma_start3A_131, %multiple_of3A_116] : memref<64x1000000xf32, #tpu.memory_space<hbm>> -> memref<64x128xf32, #tpu.memory_space<hbm>>
      tpu.enqueue_dma source(%dma_start3A_132 : memref<64x128xf32, #tpu.memory_space<hbm>>) target(%dma_start3A_130 : memref<64x128xf32, #tpu.memory_space<vmem>>) target_semaphore(%dma_start3A_126 : memref<!tpu.dma_semaphore, #tpu.memory_space<semaphore_mem>>)
      %get3A_133 = arith.constant 3 : index
      %get3A_134 = tpu.vector_load %arg5[%get3A_133] {strides = array<i32>} : memref<80xi32, #tpu.memory_space<vmem>>, vector<16xi32>,
      %slice3A_135 = vector.extract_strided_slice %get3A_134 {offsets = [0], sizes = [1], strides = [1]} : vector<16xi32> to vector<1xi32>
      %squeeze3A_136 = vector.extract %slice3A_135[0] : i32 from vector<1xi32>
      %jit3A_137 = arith.constant 128 : i32
      %div3A_138 = arith.divsi %squeeze3A_136, %jit3A_137 : i32
      %sign3A_139 = arith.constant 0 : i32
      %sign3A_140 = arith.cmpi sgt, %squeeze3A_136, %sign3A_139 : i32
      %sign3A_141 = arith.extui %sign3A_140 : i1 to i32
      %sign3A_142 = arith.constant 0 : i32
      %sign3A_143 = arith.cmpi slt, %squeeze3A_136, %sign3A_142 : i32
      %sign3A_144 = arith.extui %sign3A_143 : i1 to i32
      %sign3A_145 = arith.subi %sign3A_141, %sign3A_144 : i32
      %sign3A_146 = arith.constant 0 : i32
      %sign3A_147 = arith.cmpi sgt, %jit3A_137, %sign3A_146 : i32
      %sign3A_148 = arith.extui %sign3A_147 : i1 to i32
      %sign3A_149 = arith.constant 0 : i32
      %sign3A_150 = arith.cmpi slt, %jit3A_137, %sign3A_149 : i32
      %sign3A_151 = arith.extui %sign3A_150 : i1 to i32
      %sign3A_152 = arith.subi %sign3A_148, %sign3A_151 : i32
      %ne3A_153 = arith.cmpi ne, %sign3A_145, %sign3A_152 : i32
      %rem3A_154 = arith.remsi %squeeze3A_136, %jit3A_137 : i32
      %ne3A_155 = arith.constant 0 : i32
      %ne3A_156 = arith.cmpi ne, %rem3A_154, %ne3A_155 : i32
      %and3A_157 = arith.andi %ne3A_153, %ne3A_156 : i1
      %sub3A_158 = arith.constant 1 : i32
      %sub3A_159 = arith.subi %div3A_138, %sub3A_158 : i32
      %select_n3A_160 = arith.select %and3A_157, %sub3A_159, %div3A_138 : i32
      %mul3A_161 = arith.constant 128 : i32
      %mul3A_162 = arith.muli %select_n3A_160, %mul3A_161 : i32
      %multiple_of3A_163 = tpu.assume_multiple %mul3A_162, 128 : i32
      %dma_start3A_164 = arith.constant 3 : i32
      %dma_start3A_165 = arith.constant 3 : i32
      %dma_start3A_166 = arith.constant 0 : i32
      %dma_start3A_167 = arith.constant 0 : i32
      %dma_start3A_168 = tpu.memref_slice %arg6[%dma_start3A_164, %dma_start3A_166, %dma_start3A_167] : memref<12x64x128xf32, #tpu.memory_space<vmem>> -> memref<1x64x128xf32, #tpu.memory_space<vmem>>
      %dma_start3A_169 = tpu.memref_squeeze %dma_start3A_168 : memref<1x64x128xf32, #tpu.memory_space<vmem>> -> memref<64x128xf32, #tpu.memory_space<vmem>>
      %dma_start3A_170 = arith.constant 0 : i32
      %dma_start3A_171 = tpu.memref_slice %arg2[%dma_start3A_170, %multiple_of3A_163] : memref<64x1000000xf32, #tpu.memory_space<hbm>> -> memref<64x128xf32, #tpu.memory_space<hbm>>
      %dma_start3A_172 = tpu.memref_slice %arg8[%dma_start3A_165] : memref<12x!tpu.dma_semaphore, #tpu.memory_space<semaphore_mem>> -> memref<1x!tpu.dma_semaphore, #tpu.memory_space<semaphore_mem>>
      %dma_start3A_173 = tpu.memref_squeeze %dma_start3A_172 : memref<1x!tpu.dma_semaphore, #tpu.memory_space<semaphore_mem>> -> memref<!tpu.dma_semaphore, #tpu.memory_space<semaphore_mem>>
      %dma_start3A_174 = arith.constant 0 : i32
      %dma_start3A_175 = arith.constant 0 : i32
      %dma_start3A_176 = tpu.memref_slice %arg6[%dma_start3A_164, %dma_start3A_174, %dma_start3A_175] : memref<12x64x128xf32, #tpu.memory_space<vmem>> -> memref<1x64x128xf32, #tpu.memory_space<vmem>>
      %dma_start3A_177 = tpu.memref_squeeze %dma_start3A_176 : memref<1x64x128xf32, #tpu.memory_space<vmem>> -> memref<64x128xf32, #tpu.memory_space<vmem>>
      %dma_start3A_178 = arith.constant 0 : i32
      %dma_start3A_179 = tpu.memref_slice %arg2[%dma_start3A_178, %multiple_of3A_163] : memref<64x1000000xf32, #tpu.memory_space<hbm>> -> memref<64x128xf32, #tpu.memory_space<hbm>>
      tpu.enqueue_dma source(%dma_start3A_179 : memref<64x128xf32, #tpu.memory_space<hbm>>) target(%dma_start3A_177 : memref<64x128xf32, #tpu.memory_space<vmem>>) target_semaphore(%dma_start3A_173 : memref<!tpu.dma_semaphore, #tpu.memory_space<semaphore_mem>>)
      %get3A_180 = arith.constant 4 : index
      %get3A_181 = tpu.vector_load %arg5[%get3A_180] {strides = array<i32>} : memref<80xi32, #tpu.memory_space<vmem>>, vector<16xi32>,
      %slice3A_182 = vector.extract_strided_slice %get3A_181 {offsets = [0], sizes = [1], strides = [1]} : vector<16xi32> to vector<1xi32>
      %squeeze3A_183 = vector.extract %slice3A_182[0] : i32 from vector<1xi32>
      %jit3A_184 = arith.constant 128 : i32
      %div3A_185 = arith.divsi %squeeze3A_183, %jit3A_184 : i32
      %sign3A_186 = arith.constant 0 : i32
      %sign3A_187 = arith.cmpi sgt, %squeeze3A_183, %sign3A_186 : i32
      %sign3A_188 = arith.extui %sign3A_187 : i1 to i32
      %sign3A_189 = arith.constant 0 : i32
      %sign3A_190 = arith.cmpi slt, %squeeze3A_183, %sign3A_189 : i32
      %sign3A_191 = arith.extui %sign3A_190 : i1 to i32
      %sign3A_192 = arith.subi %sign3A_188, %sign3A_191 : i32
      %sign3A_193 = arith.constant 0 : i32
      %sign3A_194 = arith.cmpi sgt, %jit3A_184, %sign3A_193 : i32
      %sign3A_195 = arith.extui %sign3A_194 : i1 to i32
      %sign3A_196 = arith.constant 0 : i32
      %sign3A_197 = arith.cmpi slt, %jit3A_184, %sign3A_196 : i32
      %sign3A_198 = arith.extui %sign3A_197 : i1 to i32
      %sign3A_199 = arith.subi %sign3A_195, %sign3A_198 : i32
      %ne3A_200 = arith.cmpi ne, %sign3A_192, %sign3A_199 : i32
      %rem3A_201 = arith.remsi %squeeze3A_183, %jit3A_184 : i32
      %ne3A_202 = arith.constant 0 : i32
      %ne3A_203 = arith.cmpi ne, %rem3A_201, %ne3A_202 : i32
      %and3A_204 = arith.andi %ne3A_200, %ne3A_203 : i1
      %sub3A_205 = arith.constant 1 : i32
      %sub3A_206 = arith.subi %div3A_185, %sub3A_205 : i32
      %select_n3A_207 = arith.select %and3A_204, %sub3A_206, %div3A_185 : i32
      %mul3A_208 = arith.constant 128 : i32
      %mul3A_209 = arith.muli %select_n3A_207, %mul3A_208 : i32
      %multiple_of3A_210 = tpu.assume_multiple %mul3A_209, 128 : i32
      %dma_start3A_211 = arith.constant 4 : i32
      %dma_start3A_212 = arith.constant 4 : i32
      %dma_start3A_213 = arith.constant 0 : i32
      %dma_start3A_214 = arith.constant 0 : i32
      %dma_start3A_215 = tpu.memref_slice %arg6[%dma_start3A_211, %dma_start3A_213, %dma_start3A_214] : memref<12x64x128xf32, #tpu.memory_space<vmem>> -> memref<1x64x128xf32, #tpu.memory_space<vmem>>
      %dma_start3A_216 = tpu.memref_squeeze %dma_start3A_215 : memref<1x64x128xf32, #tpu.memory_space<vmem>> -> memref<64x128xf32, #tpu.memory_space<vmem>>
      %dma_start3A_217 = arith.constant 0 : i32
      %dma_start3A_218 = tpu.memref_slice %arg2[%dma_start3A_217, %multiple_of3A_210] : memref<64x1000000xf32, #tpu.memory_space<hbm>> -> memref<64x128xf32, #tpu.memory_space<hbm>>
      %dma_start3A_219 = tpu.memref_slice %arg8[%dma_start3A_212] : memref<12x!tpu.dma_semaphore, #tpu.memory_space<semaphore_mem>> -> memref<1x!tpu.dma_semaphore, #tpu.memory_space<semaphore_mem>>
      %dma_start3A_220 = tpu.memref_squeeze %dma_start3A_219 : memref<1x!tpu.dma_semaphore, #tpu.memory_space<semaphore_mem>> -> memref<!tpu.dma_semaphore, #tpu.memory_space<semaphore_mem>>
      %dma_start3A_221 = arith.constant 0 : i32
      %dma_start3A_222 = arith.constant 0 : i32
      %dma_start3A_223 = tpu.memref_slice %arg6[%dma_start3A_211, %dma_start3A_221, %dma_start3A_222] : memref<12x64x128xf32, #tpu.memory_space<vmem>> -> memref<1x64x128xf32, #tpu.memory_space<vmem>>
      %dma_start3A_224 = tpu.memref_squeeze %dma_start3A_223 : memref<1x64x128xf32, #tpu.memory_space<vmem>> -> memref<64x128xf32, #tpu.memory_space<vmem>>
      %dma_start3A_225 = arith.constant 0 : i32
      %dma_start3A_226 = tpu.memref_slice %arg2[%dma_start3A_225, %multiple_of3A_210] : memref<64x1000000xf32, #tpu.memory_space<hbm>> -> memref<64x128xf32, #tpu.memory_space<hbm>>
      tpu.enqueue_dma source(%dma_start3A_226 : memref<64x128xf32, #tpu.memory_space<hbm>>) target(%dma_start3A_224 : memref<64x128xf32, #tpu.memory_space<vmem>>) target_semaphore(%dma_start3A_220 : memref<!tpu.dma_semaphore, #tpu.memory_space<semaphore_mem>>)
      %get3A_227 = arith.constant 5 : index
      %get3A_228 = tpu.vector_load %arg5[%get3A_227] {strides = array<i32>} : memref<80xi32, #tpu.memory_space<vmem>>, vector<16xi32>,
      %slice3A_229 = vector.extract_strided_slice %get3A_228 {offsets = [0], sizes = [1], strides = [1]} : vector<16xi32> to vector<1xi32>
      %squeeze3A_230 = vector.extract %slice3A_229[0] : i32 from vector<1xi32>
      %jit3A_231 = arith.constant 128 : i32
      %div3A_232 = arith.divsi %squeeze3A_230, %jit3A_231 : i32
      %sign3A_233 = arith.constant 0 : i32
      %sign3A_234 = arith.cmpi sgt, %squeeze3A_230, %sign3A_233 : i32
      %sign3A_235 = arith.extui %sign3A_234 : i1 to i32
      %sign3A_236 = arith.constant 0 : i32
      %sign3A_237 = arith.cmpi slt, %squeeze3A_230, %sign3A_236 : i32
      %sign3A_238 = arith.extui %sign3A_237 : i1 to i32
      %sign3A_239 = arith.subi %sign3A_235, %sign3A_238 : i32
      %sign3A_240 = arith.constant 0 : i32
      %sign3A_241 = arith.cmpi sgt, %jit3A_231, %sign3A_240 : i32
      %sign3A_242 = arith.extui %sign3A_241 : i1 to i32
      %sign3A_243 = arith.constant 0 : i32
      %sign3A_244 = arith.cmpi slt, %jit3A_231, %sign3A_243 : i32
      %sign3A_245 = arith.extui %sign3A_244 : i1 to i32
      %sign3A_246 = arith.subi %sign3A_242, %sign3A_245 : i32
      %ne3A_247 = arith.cmpi ne, %sign3A_239, %sign3A_246 : i32
      %rem3A_248 = arith.remsi %squeeze3A_230, %jit3A_231 : i32
      %ne3A_249 = arith.constant 0 : i32
      %ne3A_250 = arith.cmpi ne, %rem3A_248, %ne3A_249 : i32
      %and3A_251 = arith.andi %ne3A_247, %ne3A_250 : i1
      %sub3A_252 = arith.constant 1 : i32
      %sub3A_253 = arith.subi %div3A_232, %sub3A_252 : i32
      %select_n3A_254 = arith.select %and3A_251, %sub3A_253, %div3A_232 : i32
      %mul3A_255 = arith.constant 128 : i32
      %mul3A_256 = arith.muli %select_n3A_254, %mul3A_255 : i32
      %multiple_of3A_257 = tpu.assume_multiple %mul3A_256, 128 : i32
      %dma_start3A_258 = arith.constant 5 : i32
      %dma_start3A_259 = arith.constant 5 : i32
      %dma_start3A_260 = arith.constant 0 : i32
      %dma_start3A_261 = arith.constant 0 : i32
      %dma_start3A_262 = tpu.memref_slice %arg6[%dma_start3A_258, %dma_start3A_260, %dma_start3A_261] : memref<12x64x128xf32, #tpu.memory_space<vmem>> -> memref<1x64x128xf32, #tpu.memory_space<vmem>>
      %dma_start3A_263 = tpu.memref_squeeze %dma_start3A_262 : memref<1x64x128xf32, #tpu.memory_space<vmem>> -> memref<64x128xf32, #tpu.memory_space<vmem>>
      %dma_start3A_264 = arith.constant 0 : i32
      %dma_start3A_265 = tpu.memref_slice %arg2[%dma_start3A_264, %multiple_of3A_257] : memref<64x1000000xf32, #tpu.memory_space<hbm>> -> memref<64x128xf32, #tpu.memory_space<hbm>>
      %dma_start3A_266 = tpu.memref_slice %arg8[%dma_start3A_259] : memref<12x!tpu.dma_semaphore, #tpu.memory_space<semaphore_mem>> -> memref<1x!tpu.dma_semaphore, #tpu.memory_space<semaphore_mem>>
      %dma_start3A_267 = tpu.memref_squeeze %dma_start3A_266 : memref<1x!tpu.dma_semaphore, #tpu.memory_space<semaphore_mem>> -> memref<!tpu.dma_semaphore, #tpu.memory_space<semaphore_mem>>
      %dma_start3A_268 = arith.constant 0 : i32
      %dma_start3A_269 = arith.constant 0 : i32
      %dma_start3A_270 = tpu.memref_slice %arg6[%dma_start3A_258, %dma_start3A_268, %dma_start3A_269] : memref<12x64x128xf32, #tpu.memory_space<vmem>> -> memref<1x64x128xf32, #tpu.memory_space<vmem>>
      %dma_start3A_271 = tpu.memref_squeeze %dma_start3A_270 : memref<1x64x128xf32, #tpu.memory_space<vmem>> -> memref<64x128xf32, #tpu.memory_space<vmem>>
      %dma_start3A_272 = arith.constant 0 : i32
      %dma_start3A_273 = tpu.memref_slice %arg2[%dma_start3A_272, %multiple_of3A_257] : memref<64x1000000xf32, #tpu.memory_space<hbm>> -> memref<64x128xf32, #tpu.memory_space<hbm>>
      tpu.enqueue_dma source(%dma_start3A_273 : memref<64x128xf32, #tpu.memory_space<hbm>>) target(%dma_start3A_271 : memref<64x128xf32, #tpu.memory_space<vmem>>) target_semaphore(%dma_start3A_267 : memref<!tpu.dma_semaphore, #tpu.memory_space<semaphore_mem>>)
      %get3A_274 = arith.constant 6 : index
      %get3A_275 = tpu.vector_load %arg5[%get3A_274] {strides = array<i32>} : memref<80xi32, #tpu.memory_space<vmem>>, vector<16xi32>,
      %slice3A_276 = vector.extract_strided_slice %get3A_275 {offsets = [0], sizes = [1], strides = [1]} : vector<16xi32> to vector<1xi32>
      %squeeze3A_277 = vector.extract %slice3A_276[0] : i32 from vector<1xi32>
      %jit3A_278 = arith.constant 128 : i32
      %div3A_279 = arith.divsi %squeeze3A_277, %jit3A_278 : i32
      %sign3A_280 = arith.constant 0 : i32
      %sign3A_281 = arith.cmpi sgt, %squeeze3A_277, %sign3A_280 : i32
      %sign3A_282 = arith.extui %sign3A_281 : i1 to i32
      %sign3A_283 = arith.constant 0 : i32
      %sign3A_284 = arith.cmpi slt, %squeeze3A_277, %sign3A_283 : i32
      %sign3A_285 = arith.extui %sign3A_284 : i1 to i32
      %sign3A_286 = arith.subi %sign3A_282, %sign3A_285 : i32
      %sign3A_287 = arith.constant 0 : i32
      %sign3A_288 = arith.cmpi sgt, %jit3A_278, %sign3A_287 : i32
      %sign3A_289 = arith.extui %sign3A_288 : i1 to i32
      %sign3A_290 = arith.constant 0 : i32
      %sign3A_291 = arith.cmpi slt, %jit3A_278, %sign3A_290 : i32
      %sign3A_292 = arith.extui %sign3A_291 : i1 to i32
      %sign3A_293 = arith.subi %sign3A_289, %sign3A_292 : i32
      %ne3A_294 = arith.cmpi ne, %sign3A_286, %sign3A_293 : i32
      %rem3A_295 = arith.remsi %squeeze3A_277, %jit3A_278 : i32
      %ne3A_296 = arith.constant 0 : i32
      %ne3A_297 = arith.cmpi ne, %rem3A_295, %ne3A_296 : i32
      %and3A_298 = arith.andi %ne3A_294, %ne3A_297 : i1
      %sub3A_299 = arith.constant 1 : i32
      %sub3A_300 = arith.subi %div3A_279, %sub3A_299 : i32
      %select_n3A_301 = arith.select %and3A_298, %sub3A_300, %div3A_279 : i32
      %mul3A_302 = arith.constant 128 : i32
      %mul3A_303 = arith.muli %select_n3A_301, %mul3A_302 : i32
      %multiple_of3A_304 = tpu.assume_multiple %mul3A_303, 128 : i32
      %dma_start3A_305 = arith.constant 6 : i32
      %dma_start3A_306 = arith.constant 6 : i32
      %dma_start3A_307 = arith.constant 0 : i32
      %dma_start3A_308 = arith.constant 0 : i32
      %dma_start3A_309 = tpu.memref_slice %arg6[%dma_start3A_305, %dma_start3A_307, %dma_start3A_308] : memref<12x64x128xf32, #tpu.memory_space<vmem>> -> memref<1x64x128xf32, #tpu.memory_space<vmem>>
      %dma_start3A_310 = tpu.memref_squeeze %dma_start3A_309 : memref<1x64x128xf32, #tpu.memory_space<vmem>> -> memref<64x128xf32, #tpu.memory_space<vmem>>
      %dma_start3A_311 = arith.constant 0 : i32
      %dma_start3A_312 = tpu.memref_slice %arg2[%dma_start3A_311, %multiple_of3A_304] : memref<64x1000000xf32, #tpu.memory_space<hbm>> -> memref<64x128xf32, #tpu.memory_space<hbm>>
      %dma_start3A_313 = tpu.memref_slice %arg8[%dma_start3A_306] : memref<12x!tpu.dma_semaphore, #tpu.memory_space<semaphore_mem>> -> memref<1x!tpu.dma_semaphore, #tpu.memory_space<semaphore_mem>>
      %dma_start3A_314 = tpu.memref_squeeze %dma_start3A_313 : memref<1x!tpu.dma_semaphore, #tpu.memory_space<semaphore_mem>> -> memref<!tpu.dma_semaphore, #tpu.memory_space<semaphore_mem>>
      %dma_start3A_315 = arith.constant 0 : i32
      %dma_start3A_316 = arith.constant 0 : i32
      %dma_start3A_317 = tpu.memref_slice %arg6[%dma_start3A_305, %dma_start3A_315, %dma_start3A_316] : memref<12x64x128xf32, #tpu.memory_space<vmem>> -> memref<1x64x128xf32, #tpu.memory_space<vmem>>
      %dma_start3A_318 = tpu.memref_squeeze %dma_start3A_317 : memref<1x64x128xf32, #tpu.memory_space<vmem>> -> memref<64x128xf32, #tpu.memory_space<vmem>>
      %dma_start3A_319 = arith.constant 0 : i32
      %dma_start3A_320 = tpu.memref_slice %arg2[%dma_start3A_319, %multiple_of3A_304] : memref<64x1000000xf32, #tpu.memory_space<hbm>> -> memref<64x128xf32, #tpu.memory_space<hbm>>
      tpu.enqueue_dma source(%dma_start3A_320 : memref<64x128xf32, #tpu.memory_space<hbm>>) target(%dma_start3A_318 : memref<64x128xf32, #tpu.memory_space<vmem>>) target_semaphore(%dma_start3A_314 : memref<!tpu.dma_semaphore, #tpu.memory_space<semaphore_mem>>)
      %get3A_321 = arith.constant 7 : index
      %get3A_322 = tpu.vector_load %arg5[%get3A_321] {strides = array<i32>} : memref<80xi32, #tpu.memory_space<vmem>>, vector<16xi32>,
      %slice3A_323 = vector.extract_strided_slice %get3A_322 {offsets = [0], sizes = [1], strides = [1]} : vector<16xi32> to vector<1xi32>
      %squeeze3A_324 = vector.extract %slice3A_323[0] : i32 from vector<1xi32>
      %jit3A_325 = arith.constant 128 : i32
      %div3A_326 = arith.divsi %squeeze3A_324, %jit3A_325 : i32
      %sign3A_327 = arith.constant 0 : i32
      %sign3A_328 = arith.cmpi sgt, %squeeze3A_324, %sign3A_327 : i32
      %sign3A_329 = arith.extui %sign3A_328 : i1 to i32
      %sign3A_330 = arith.constant 0 : i32
      %sign3A_331 = arith.cmpi slt, %squeeze3A_324, %sign3A_330 : i32
      %sign3A_332 = arith.extui %sign3A_331 : i1 to i32
      %sign3A_333 = arith.subi %sign3A_329, %sign3A_332 : i32
      %sign3A_334 = arith.constant 0 : i32
      %sign3A_335 = arith.cmpi sgt, %jit3A_325, %sign3A_334 : i32
      %sign3A_336 = arith.extui %sign3A_335 : i1 to i32
      %sign3A_337 = arith.constant 0 : i32
      %sign3A_338 = arith.cmpi slt, %jit3A_325, %sign3A_337 : i32
      %sign3A_339 = arith.extui %sign3A_338 : i1 to i32
      %sign3A_340 = arith.subi %sign3A_336, %sign3A_339 : i32
      %ne3A_341 = arith.cmpi ne, %sign3A_333, %sign3A_340 : i32
      %rem3A_342 = arith.remsi %squeeze3A_324, %jit3A_325 : i32
      %ne3A_343 = arith.constant 0 : i32
      %ne3A_344 = arith.cmpi ne, %rem3A_342, %ne3A_343 : i32
      %and3A_345 = arith.andi %ne3A_341, %ne3A_344 : i1
      %sub3A_346 = arith.constant 1 : i32
      %sub3A_347 = arith.subi %div3A_326, %sub3A_346 : i32
      %select_n3A_348 = arith.select %and3A_345, %sub3A_347, %div3A_326 : i32
      %mul3A_349 = arith.constant 128 : i32
      %mul3A_350 = arith.muli %select_n3A_348, %mul3A_349 : i32
      %multiple_of3A_351 = tpu.assume_multiple %mul3A_350, 128 : i32
      %dma_start3A_352 = arith.constant 7 : i32
      %dma_start3A_353 = arith.constant 7 : i32
      %dma_start3A_354 = arith.constant 0 : i32
      %dma_start3A_355 = arith.constant 0 : i32
      %dma_start3A_356 = tpu.memref_slice %arg6[%dma_start3A_352, %dma_start3A_354, %dma_start3A_355] : memref<12x64x128xf32, #tpu.memory_space<vmem>> -> memref<1x64x128xf32, #tpu.memory_space<vmem>>
      %dma_start3A_357 = tpu.memref_squeeze %dma_start3A_356 : memref<1x64x128xf32, #tpu.memory_space<vmem>> -> memref<64x128xf32, #tpu.memory_space<vmem>>
      %dma_start3A_358 = arith.constant 0 : i32
      %dma_start3A_359 = tpu.memref_slice %arg2[%dma_start3A_358, %multiple_of3A_351] : memref<64x1000000xf32, #tpu.memory_space<hbm>> -> memref<64x128xf32, #tpu.memory_space<hbm>>
      %dma_start3A_360 = tpu.memref_slice %arg8[%dma_start3A_353] : memref<12x!tpu.dma_semaphore, #tpu.memory_space<semaphore_mem>> -> memref<1x!tpu.dma_semaphore, #tpu.memory_space<semaphore_mem>>
      %dma_start3A_361 = tpu.memref_squeeze %dma_start3A_360 : memref<1x!tpu.dma_semaphore, #tpu.memory_space<semaphore_mem>> -> memref<!tpu.dma_semaphore, #tpu.memory_space<semaphore_mem>>
      %dma_start3A_362 = arith.constant 0 : i32
      %dma_start3A_363 = arith.constant 0 : i32
      %dma_start3A_364 = tpu.memref_slice %arg6[%dma_start3A_352, %dma_start3A_362, %dma_start3A_363] : memref<12x64x128xf32, #tpu.memory_space<vmem>> -> memref<1x64x128xf32, #tpu.memory_space<vmem>>
      %dma_start3A_365 = tpu.memref_squeeze %dma_start3A_364 : memref<1x64x128xf32, #tpu.memory_space<vmem>> -> memref<64x128xf32, #tpu.memory_space<vmem>>
      %dma_start3A_366 = arith.constant 0 : i32
      %dma_start3A_367 = tpu.memref_slice %arg2[%dma_start3A_366, %multiple_of3A_351] : memref<64x1000000xf32, #tpu.memory_space<hbm>> -> memref<64x128xf32, #tpu.memory_space<hbm>>
      tpu.enqueue_dma source(%dma_start3A_367 : memref<64x128xf32, #tpu.memory_space<hbm>>) target(%dma_start3A_365 : memref<64x128xf32, #tpu.memory_space<vmem>>) target_semaphore(%dma_start3A_361 : memref<!tpu.dma_semaphore, #tpu.memory_space<semaphore_mem>>)
      %get3A_368 = arith.constant 8 : index
      %get3A_369 = tpu.vector_load %arg5[%get3A_368] {strides = array<i32>} : memref<80xi32, #tpu.memory_space<vmem>>, vector<16xi32>,
      %slice3A_370 = vector.extract_strided_slice %get3A_369 {offsets = [0], sizes = [1], strides = [1]} : vector<16xi32> to vector<1xi32>
      %squeeze3A_371 = vector.extract %slice3A_370[0] : i32 from vector<1xi32>
      %jit3A_372 = arith.constant 128 : i32
      %div3A_373 = arith.divsi %squeeze3A_371, %jit3A_372 : i32
      %sign3A_374 = arith.constant 0 : i32
      %sign3A_375 = arith.cmpi sgt, %squeeze3A_371, %sign3A_374 : i32
      %sign3A_376 = arith.extui %sign3A_375 : i1 to i32
      %sign3A_377 = arith.constant 0 : i32
      %sign3A_378 = arith.cmpi slt, %squeeze3A_371, %sign3A_377 : i32
      %sign3A_379 = arith.extui %sign3A_378 : i1 to i32
      %sign3A_380 = arith.subi %sign3A_376, %sign3A_379 : i32
      %sign3A_381 = arith.constant 0 : i32
      %sign3A_382 = arith.cmpi sgt, %jit3A_372, %sign3A_381 : i32
      %sign3A_383 = arith.extui %sign3A_382 : i1 to i32
      %sign3A_384 = arith.constant 0 : i32
      %sign3A_385 = arith.cmpi slt, %jit3A_372, %sign3A_384 : i32
      %sign3A_386 = arith.extui %sign3A_385 : i1 to i32
      %sign3A_387 = arith.subi %sign3A_383, %sign3A_386 : i32
      %ne3A_388 = arith.cmpi ne, %sign3A_380, %sign3A_387 : i32
      %rem3A_389 = arith.remsi %squeeze3A_371, %jit3A_372 : i32
      %ne3A_390 = arith.constant 0 : i32
      %ne3A_391 = arith.cmpi ne, %rem3A_389, %ne3A_390 : i32
      %and3A_392 = arith.andi %ne3A_388, %ne3A_391 : i1
      %sub3A_393 = arith.constant 1 : i32
      %sub3A_394 = arith.subi %div3A_373, %sub3A_393 : i32
      %select_n3A_395 = arith.select %and3A_392, %sub3A_394, %div3A_373 : i32
      %mul3A_396 = arith.constant 128 : i32
      %mul3A_397 = arith.muli %select_n3A_395, %mul3A_396 : i32
      %multiple_of3A_398 = tpu.assume_multiple %mul3A_397, 128 : i32
      %dma_start3A_399 = arith.constant 8 : i32
      %dma_start3A_400 = arith.constant 8 : i32
      %dma_start3A_401 = arith.constant 0 : i32
      %dma_start3A_402 = arith.constant 0 : i32
      %dma_start3A_403 = tpu.memref_slice %arg6[%dma_start3A_399, %dma_start3A_401, %dma_start3A_402] : memref<12x64x128xf32, #tpu.memory_space<vmem>> -> memref<1x64x128xf32, #tpu.memory_space<vmem>>
      %dma_start3A_404 = tpu.memref_squeeze %dma_start3A_403 : memref<1x64x128xf32, #tpu.memory_space<vmem>> -> memref<64x128xf32, #tpu.memory_space<vmem>>
      %dma_start3A_405 = arith.constant 0 : i32
      %dma_start3A_406 = tpu.memref_slice %arg2[%dma_start3A_405, %multiple_of3A_398] : memref<64x1000000xf32, #tpu.memory_space<hbm>> -> memref<64x128xf32, #tpu.memory_space<hbm>>
      %dma_start3A_407 = tpu.memref_slice %arg8[%dma_start3A_400] : memref<12x!tpu.dma_semaphore, #tpu.memory_space<semaphore_mem>> -> memref<1x!tpu.dma_semaphore, #tpu.memory_space<semaphore_mem>>
      %dma_start3A_408 = tpu.memref_squeeze %dma_start3A_407 : memref<1x!tpu.dma_semaphore, #tpu.memory_space<semaphore_mem>> -> memref<!tpu.dma_semaphore, #tpu.memory_space<semaphore_mem>>
      %dma_start3A_409 = arith.constant 0 : i32
      %dma_start3A_410 = arith.constant 0 : i32
      %dma_start3A_411 = tpu.memref_slice %arg6[%dma_start3A_399, %dma_start3A_409, %dma_start3A_410] : memref<12x64x128xf32, #tpu.memory_space<vmem>> -> memref<1x64x128xf32, #tpu.memory_space<vmem>>
      %dma_start3A_412 = tpu.memref_squeeze %dma_start3A_411 : memref<1x64x128xf32, #tpu.memory_space<vmem>> -> memref<64x128xf32, #tpu.memory_space<vmem>>
      %dma_start3A_413 = arith.constant 0 : i32
      %dma_start3A_414 = tpu.memref_slice %arg2[%dma_start3A_413, %multiple_of3A_398] : memref<64x1000000xf32, #tpu.memory_space<hbm>> -> memref<64x128xf32, #tpu.memory_space<hbm>>
      tpu.enqueue_dma source(%dma_start3A_414 : memref<64x128xf32, #tpu.memory_space<hbm>>) target(%dma_start3A_412 : memref<64x128xf32, #tpu.memory_space<vmem>>) target_semaphore(%dma_start3A_408 : memref<!tpu.dma_semaphore, #tpu.memory_space<semaphore_mem>>)
      %get3A_415 = arith.constant 9 : index
      %get3A_416 = tpu.vector_load %arg5[%get3A_415] {strides = array<i32>} : memref<80xi32, #tpu.memory_space<vmem>>, vector<16xi32>,
      %slice3A_417 = vector.extract_strided_slice %get3A_416 {offsets = [0], sizes = [1], strides = [1]} : vector<16xi32> to vector<1xi32>
      %squeeze3A_418 = vector.extract %slice3A_417[0] : i32 from vector<1xi32>
      %jit3A_419 = arith.constant 128 : i32
      %div3A_420 = arith.divsi %squeeze3A_418, %jit3A_419 : i32
      %sign3A_421 = arith.constant 0 : i32
      %sign3A_422 = arith.cmpi sgt, %squeeze3A_418, %sign3A_421 : i32
      %sign3A_423 = arith.extui %sign3A_422 : i1 to i32
      %sign3A_424 = arith.constant 0 : i32
      %sign3A_425 = arith.cmpi slt, %squeeze3A_418, %sign3A_424 : i32
      %sign3A_426 = arith.extui %sign3A_425 : i1 to i32
      %sign3A_427 = arith.subi %sign3A_423, %sign3A_426 : i32
      %sign3A_428 = arith.constant 0 : i32
      %sign3A_429 = arith.cmpi sgt, %jit3A_419, %sign3A_428 : i32
      %sign3A_430 = arith.extui %sign3A_429 : i1 to i32
      %sign3A_431 = arith.constant 0 : i32
      %sign3A_432 = arith.cmpi slt, %jit3A_419, %sign3A_431 : i32
      %sign3A_433 = arith.extui %sign3A_432 : i1 to i32
      %sign3A_434 = arith.subi %sign3A_430, %sign3A_433 : i32
      %ne3A_435 = arith.cmpi ne, %sign3A_427, %sign3A_434 : i32
      %rem3A_436 = arith.remsi %squeeze3A_418, %jit3A_419 : i32
      %ne3A_437 = arith.constant 0 : i32
      %ne3A_438 = arith.cmpi ne, %rem3A_436, %ne3A_437 : i32
      %and3A_439 = arith.andi %ne3A_435, %ne3A_438 : i1
      %sub3A_440 = arith.constant 1 : i32
      %sub3A_441 = arith.subi %div3A_420, %sub3A_440 : i32
      %select_n3A_442 = arith.select %and3A_439, %sub3A_441, %div3A_420 : i32
      %mul3A_443 = arith.constant 128 : i32
      %mul3A_444 = arith.muli %select_n3A_442, %mul3A_443 : i32
      %multiple_of3A_445 = tpu.assume_multiple %mul3A_444, 128 : i32
      %dma_start3A_446 = arith.constant 9 : i32
      %dma_start3A_447 = arith.constant 9 : i32
      %dma_start3A_448 = arith.constant 0 : i32
      %dma_start3A_449 = arith.constant 0 : i32
      %dma_start3A_450 = tpu.memref_slice %arg6[%dma_start3A_446, %dma_start3A_448, %dma_start3A_449] : memref<12x64x128xf32, #tpu.memory_space<vmem>> -> memref<1x64x128xf32, #tpu.memory_space<vmem>>
      %dma_start3A_451 = tpu.memref_squeeze %dma_start3A_450 : memref<1x64x128xf32, #tpu.memory_space<vmem>> -> memref<64x128xf32, #tpu.memory_space<vmem>>
      %dma_start3A_452 = arith.constant 0 : i32
      %dma_start3A_453 = tpu.memref_slice %arg2[%dma_start3A_452, %multiple_of3A_445] : memref<64x1000000xf32, #tpu.memory_space<hbm>> -> memref<64x128xf32, #tpu.memory_space<hbm>>
      %dma_start3A_454 = tpu.memref_slice %arg8[%dma_start3A_447] : memref<12x!tpu.dma_semaphore, #tpu.memory_space<semaphore_mem>> -> memref<1x!tpu.dma_semaphore, #tpu.memory_space<semaphore_mem>>
      %dma_start3A_455 = tpu.memref_squeeze %dma_start3A_454 : memref<1x!tpu.dma_semaphore, #tpu.memory_space<semaphore_mem>> -> memref<!tpu.dma_semaphore, #tpu.memory_space<semaphore_mem>>
      %dma_start3A_456 = arith.constant 0 : i32
      %dma_start3A_457 = arith.constant 0 : i32
      %dma_start3A_458 = tpu.memref_slice %arg6[%dma_start3A_446, %dma_start3A_456, %dma_start3A_457] : memref<12x64x128xf32, #tpu.memory_space<vmem>> -> memref<1x64x128xf32, #tpu.memory_space<vmem>>
      %dma_start3A_459 = tpu.memref_squeeze %dma_start3A_458 : memref<1x64x128xf32, #tpu.memory_space<vmem>> -> memref<64x128xf32, #tpu.memory_space<vmem>>
      %dma_start3A_460 = arith.constant 0 : i32
      %dma_start3A_461 = tpu.memref_slice %arg2[%dma_start3A_460, %multiple_of3A_445] : memref<64x1000000xf32, #tpu.memory_space<hbm>> -> memref<64x128xf32, #tpu.memory_space<hbm>>
      tpu.enqueue_dma source(%dma_start3A_461 : memref<64x128xf32, #tpu.memory_space<hbm>>) target(%dma_start3A_459 : memref<64x128xf32, #tpu.memory_space<vmem>>) target_semaphore(%dma_start3A_455 : memref<!tpu.dma_semaphore, #tpu.memory_space<semaphore_mem>>)
      %get3A_462 = arith.constant 10 : index
      %get3A_463 = tpu.vector_load %arg5[%get3A_462] {strides = array<i32>} : memref<80xi32, #tpu.memory_space<vmem>>, vector<16xi32>,
      %slice3A_464 = vector.extract_strided_slice %get3A_463 {offsets = [0], sizes = [1], strides = [1]} : vector<16xi32> to vector<1xi32>
      %squeeze3A_465 = vector.extract %slice3A_464[0] : i32 from vector<1xi32>
      %jit3A_466 = arith.constant 128 : i32
      %div3A_467 = arith.divsi %squeeze3A_465, %jit3A_466 : i32
      %sign3A_468 = arith.constant 0 : i32
      %sign3A_469 = arith.cmpi sgt, %squeeze3A_465, %sign3A_468 : i32
      %sign3A_470 = arith.extui %sign3A_469 : i1 to i32
      %sign3A_471 = arith.constant 0 : i32
      %sign3A_472 = arith.cmpi slt, %squeeze3A_465, %sign3A_471 : i32
      %sign3A_473 = arith.extui %sign3A_472 : i1 to i32
      %sign3A_474 = arith.subi %sign3A_470, %sign3A_473 : i32
      %sign3A_475 = arith.constant 0 : i32
      %sign3A_476 = arith.cmpi sgt, %jit3A_466, %sign3A_475 : i32
      %sign3A_477 = arith.extui %sign3A_476 : i1 to i32
      %sign3A_478 = arith.constant 0 : i32
      %sign3A_479 = arith.cmpi slt, %jit3A_466, %sign3A_478 : i32
      %sign3A_480 = arith.extui %sign3A_479 : i1 to i32
      %sign3A_481 = arith.subi %sign3A_477, %sign3A_480 : i32
      %ne3A_482 = arith.cmpi ne, %sign3A_474, %sign3A_481 : i32
      %rem3A_483 = arith.remsi %squeeze3A_465, %jit3A_466 : i32
      %ne3A_484 = arith.constant 0 : i32
      %ne3A_485 = arith.cmpi ne, %rem3A_483, %ne3A_484 : i32
      %and3A_486 = arith.andi %ne3A_482, %ne3A_485 : i1
      %sub3A_487 = arith.constant 1 : i32
      %sub3A_488 = arith.subi %div3A_467, %sub3A_487 : i32
      %select_n3A_489 = arith.select %and3A_486, %sub3A_488, %div3A_467 : i32
      %mul3A_490 = arith.constant 128 : i32
      %mul3A_491 = arith.muli %select_n3A_489, %mul3A_490 : i32
      %multiple_of3A_492 = tpu.assume_multiple %mul3A_491, 128 : i32
      %dma_start3A_493 = arith.constant 10 : i32
      %dma_start3A_494 = arith.constant 10 : i32
      %dma_start3A_495 = arith.constant 0 : i32
      %dma_start3A_496 = arith.constant 0 : i32
      %dma_start3A_497 = tpu.memref_slice %arg6[%dma_start3A_493, %dma_start3A_495, %dma_start3A_496] : memref<12x64x128xf32, #tpu.memory_space<vmem>> -> memref<1x64x128xf32, #tpu.memory_space<vmem>>
      %dma_start3A_498 = tpu.memref_squeeze %dma_start3A_497 : memref<1x64x128xf32, #tpu.memory_space<vmem>> -> memref<64x128xf32, #tpu.memory_space<vmem>>
      %dma_start3A_499 = arith.constant 0 : i32
      %dma_start3A_500 = tpu.memref_slice %arg2[%dma_start3A_499, %multiple_of3A_492] : memref<64x1000000xf32, #tpu.memory_space<hbm>> -> memref<64x128xf32, #tpu.memory_space<hbm>>
      %dma_start3A_501 = tpu.memref_slice %arg8[%dma_start3A_494] : memref<12x!tpu.dma_semaphore, #tpu.memory_space<semaphore_mem>> -> memref<1x!tpu.dma_semaphore, #tpu.memory_space<semaphore_mem>>
      %dma_start3A_502 = tpu.memref_squeeze %dma_start3A_501 : memref<1x!tpu.dma_semaphore, #tpu.memory_space<semaphore_mem>> -> memref<!tpu.dma_semaphore, #tpu.memory_space<semaphore_mem>>
      %dma_start3A_503 = arith.constant 0 : i32
      %dma_start3A_504 = arith.constant 0 : i32
      %dma_start3A_505 = tpu.memref_slice %arg6[%dma_start3A_493, %dma_start3A_503, %dma_start3A_504] : memref<12x64x128xf32, #tpu.memory_space<vmem>> -> memref<1x64x128xf32, #tpu.memory_space<vmem>>
      %dma_start3A_506 = tpu.memref_squeeze %dma_start3A_505 : memref<1x64x128xf32, #tpu.memory_space<vmem>> -> memref<64x128xf32, #tpu.memory_space<vmem>>
      %dma_start3A_507 = arith.constant 0 : i32
      %dma_start3A_508 = tpu.memref_slice %arg2[%dma_start3A_507, %multiple_of3A_492] : memref<64x1000000xf32, #tpu.memory_space<hbm>> -> memref<64x128xf32, #tpu.memory_space<hbm>>
      tpu.enqueue_dma source(%dma_start3A_508 : memref<64x128xf32, #tpu.memory_space<hbm>>) target(%dma_start3A_506 : memref<64x128xf32, #tpu.memory_space<vmem>>) target_semaphore(%dma_start3A_502 : memref<!tpu.dma_semaphore, #tpu.memory_space<semaphore_mem>>)
      %get3A_509 = arith.constant 11 : index
      %get3A_510 = tpu.vector_load %arg5[%get3A_509] {strides = array<i32>} : memref<80xi32, #tpu.memory_space<vmem>>, vector<16xi32>,
      %slice3A_511 = vector.extract_strided_slice %get3A_510 {offsets = [0], sizes = [1], strides = [1]} : vector<16xi32> to vector<1xi32>
      %squeeze3A_512 = vector.extract %slice3A_511[0] : i32 from vector<1xi32>
      %jit3A_513 = arith.constant 128 : i32
      %div3A_514 = arith.divsi %squeeze3A_512, %jit3A_513 : i32
      %sign3A_515 = arith.constant 0 : i32
      %sign3A_516 = arith.cmpi sgt, %squeeze3A_512, %sign3A_515 : i32
      %sign3A_517 = arith.extui %sign3A_516 : i1 to i32
      %sign3A_518 = arith.constant 0 : i32
      %sign3A_519 = arith.cmpi slt, %squeeze3A_512, %sign3A_518 : i32
      %sign3A_520 = arith.extui %sign3A_519 : i1 to i32
      %sign3A_521 = arith.subi %sign3A_517, %sign3A_520 : i32
      %sign3A_522 = arith.constant 0 : i32
      %sign3A_523 = arith.cmpi sgt, %jit3A_513, %sign3A_522 : i32
      %sign3A_524 = arith.extui %sign3A_523 : i1 to i32
      %sign3A_525 = arith.constant 0 : i32
      %sign3A_526 = arith.cmpi slt, %jit3A_513, %sign3A_525 : i32
      %sign3A_527 = arith.extui %sign3A_526 : i1 to i32
      %sign3A_528 = arith.subi %sign3A_524, %sign3A_527 : i32
      %ne3A_529 = arith.cmpi ne, %sign3A_521, %sign3A_528 : i32
      %rem3A_530 = arith.remsi %squeeze3A_512, %jit3A_513 : i32
      %ne3A_531 = arith.constant 0 : i32
      %ne3A_532 = arith.cmpi ne, %rem3A_530, %ne3A_531 : i32
      %and3A_533 = arith.andi %ne3A_529, %ne3A_532 : i1
      %sub3A_534 = arith.constant 1 : i32
      %sub3A_535 = arith.subi %div3A_514, %sub3A_534 : i32
      %select_n3A_536 = arith.select %and3A_533, %sub3A_535, %div3A_514 : i32
      %mul3A_537 = arith.constant 128 : i32
      %mul3A_538 = arith.muli %select_n3A_536, %mul3A_537 : i32
      %multiple_of3A_539 = tpu.assume_multiple %mul3A_538, 128 : i32
      %dma_start3A_540 = arith.constant 11 : i32
      %dma_start3A_541 = arith.constant 11 : i32
      %dma_start3A_542 = arith.constant 0 : i32
      %dma_start3A_543 = arith.constant 0 : i32
      %dma_start3A_544 = tpu.memref_slice %arg6[%dma_start3A_540, %dma_start3A_542, %dma_start3A_543] : memref<12x64x128xf32, #tpu.memory_space<vmem>> -> memref<1x64x128xf32, #tpu.memory_space<vmem>>
      %dma_start3A_545 = tpu.memref_squeeze %dma_start3A_544 : memref<1x64x128xf32, #tpu.memory_space<vmem>> -> memref<64x128xf32, #tpu.memory_space<vmem>>
      %dma_start3A_546 = arith.constant 0 : i32
      %dma_start3A_547 = tpu.memref_slice %arg2[%dma_start3A_546, %multiple_of3A_539] : memref<64x1000000xf32, #tpu.memory_space<hbm>> -> memref<64x128xf32, #tpu.memory_space<hbm>>
      %dma_start3A_548 = tpu.memref_slice %arg8[%dma_start3A_541] : memref<12x!tpu.dma_semaphore, #tpu.memory_space<semaphore_mem>> -> memref<1x!tpu.dma_semaphore, #tpu.memory_space<semaphore_mem>>
      %dma_start3A_549 = tpu.memref_squeeze %dma_start3A_548 : memref<1x!tpu.dma_semaphore, #tpu.memory_space<semaphore_mem>> -> memref<!tpu.dma_semaphore, #tpu.memory_space<semaphore_mem>>
      %dma_start3A_550 = arith.constant 0 : i32
      %dma_start3A_551 = arith.constant 0 : i32
      %dma_start3A_552 = tpu.memref_slice %arg6[%dma_start3A_540, %dma_start3A_550, %dma_start3A_551] : memref<12x64x128xf32, #tpu.memory_space<vmem>> -> memref<1x64x128xf32, #tpu.memory_space<vmem>>
      %dma_start3A_553 = tpu.memref_squeeze %dma_start3A_552 : memref<1x64x128xf32, #tpu.memory_space<vmem>> -> memref<64x128xf32, #tpu.memory_space<vmem>>
      %dma_start3A_554 = arith.constant 0 : i32
      %dma_start3A_555 = tpu.memref_slice %arg2[%dma_start3A_554, %multiple_of3A_539] : memref<64x1000000xf32, #tpu.memory_space<hbm>> -> memref<64x128xf32, #tpu.memory_space<hbm>>
      tpu.enqueue_dma source(%dma_start3A_555 : memref<64x128xf32, #tpu.memory_space<hbm>>) target(%dma_start3A_553 : memref<64x128xf32, #tpu.memory_space<vmem>>) target_semaphore(%dma_start3A_549 : memref<!tpu.dma_semaphore, #tpu.memory_space<semaphore_mem>>)
      %iota3A = tpu.iota {dimensions = array<i32: 0>} : vector<16xi32>
      %scan3A = arith.constant 0 : i32
      %scan3A_556 = arith.constant 0 : i32
      %scan3A_557 = arith.constant 64 : i32
      %scan3A_558 = arith.addi %scan3A_556, %scan3A_557 : i32
      %scan3A_559 = arith.constant 1 : i32
      scf.for %scan3A_561 = %scan3A_556 to %scan3A_558 step %scan3A_559  : i32 {
        %jit3A_562 = arith.constant 12 : i32
        %eq3A = arith.constant 0 : i32
        %eq3A_563 = arith.cmpi eq, %jit3A_562, %eq3A : i32
        %jit3A_564 = arith.constant 1 : i32
        %select_n3A_565 = arith.select %eq3A_563, %jit3A_564, %jit3A_562 : i32
        %rem3A_566 = arith.remsi %scan3A_561, %select_n3A_565 : i32
        %ne3A_567 = arith.constant 0 : i32
        %ne3A_568 = arith.cmpi ne, %rem3A_566, %ne3A_567 : i32
        %lt3A_569 = arith.constant 0 : i32
        %lt3A_570 = arith.cmpi slt, %rem3A_566, %lt3A_569 : i32
        %lt3A_571 = arith.constant 0 : i32
        %lt3A_572 = arith.cmpi slt, %select_n3A_565, %lt3A_571 : i32
        %ne3A_573 = arith.xori %lt3A_570, %lt3A_572 : i1
        %and3A_574 = arith.andi %ne3A_573, %ne3A_568 : i1
        %add3A_575 = arith.addi %rem3A_566, %select_n3A_565 : i32
        %select_n3A_576 = arith.select %and3A_574, %add3A_575, %rem3A_566 : i32
        %jit3A_577 = arith.constant 12 : i32
        %eq3A_578 = arith.constant 0 : i32
        %eq3A_579 = arith.cmpi eq, %jit3A_577, %eq3A_578 : i32
        %jit3A_580 = arith.constant 1 : i32
        %select_n3A_581 = arith.select %eq3A_579, %jit3A_580, %jit3A_577 : i32
        %rem3A_582 = arith.remsi %scan3A_561, %select_n3A_581 : i32
        %ne3A_583 = arith.constant 0 : i32
        %ne3A_584 = arith.cmpi ne, %rem3A_582, %ne3A_583 : i32
        %lt3A_585 = arith.constant 0 : i32
        %lt3A_586 = arith.cmpi slt, %rem3A_582, %lt3A_585 : i32
        %lt3A_587 = arith.constant 0 : i32
        %lt3A_588 = arith.cmpi slt, %select_n3A_581, %lt3A_587 : i32
        %ne3A_589 = arith.xori %lt3A_586, %lt3A_588 : i1
        %and3A_590 = arith.andi %ne3A_589, %ne3A_584 : i1
        %add3A_591 = arith.addi %rem3A_582, %select_n3A_581 : i32
        %select_n3A_592 = arith.select %and3A_590, %add3A_591, %rem3A_582 : i32
        %dma_wait3A = arith.constant 0 : i32
        %dma_wait3A_593 = arith.constant 0 : i32
        %dma_wait3A_594 = tpu.memref_slice %arg6[%select_n3A_576, %dma_wait3A, %dma_wait3A_593] : memref<12x64x128xf32, #tpu.memory_space<vmem>> -> memref<1x64x128xf32, #tpu.memory_space<vmem>>
        %dma_wait3A_595 = tpu.memref_squeeze %dma_wait3A_594 : memref<1x64x128xf32, #tpu.memory_space<vmem>> -> memref<64x128xf32, #tpu.memory_space<vmem>>
        %dma_wait3A_596 = arith.constant 0 : i32
        %dma_wait3A_597 = arith.constant 0 : i32
        %dma_wait3A_598 = tpu.memref_slice %arg2[%dma_wait3A_596, %dma_wait3A_597] : memref<64x1000000xf32, #tpu.memory_space<hbm>> -> memref<64x128xf32, #tpu.memory_space<hbm>>
        %dma_wait3A_599 = tpu.memref_slice %arg8[%select_n3A_592] : memref<12x!tpu.dma_semaphore, #tpu.memory_space<semaphore_mem>> -> memref<1x!tpu.dma_semaphore, #tpu.memory_space<semaphore_mem>>
        %dma_wait3A_600 = tpu.memref_squeeze %dma_wait3A_599 : memref<1x!tpu.dma_semaphore, #tpu.memory_space<semaphore_mem>> -> memref<!tpu.dma_semaphore, #tpu.memory_space<semaphore_mem>>
        %dma_wait3A_601 = arith.constant 0 : i32
        %dma_wait3A_602 = arith.constant 0 : i32
        %dma_wait3A_603 = tpu.memref_slice %arg6[%select_n3A_576, %dma_wait3A_601, %dma_wait3A_602] : memref<12x64x128xf32, #tpu.memory_space<vmem>> -> memref<1x64x128xf32, #tpu.memory_space<vmem>>
        %dma_wait3A_604 = tpu.memref_squeeze %dma_wait3A_603 : memref<1x64x128xf32, #tpu.memory_space<vmem>> -> memref<64x128xf32, #tpu.memory_space<vmem>>
        %dma_wait3A_605 = arith.constant 0 : i32
        %dma_wait3A_606 = arith.constant 0 : i32
        %dma_wait3A_607 = tpu.memref_slice %arg2[%dma_wait3A_605, %dma_wait3A_606] : memref<64x1000000xf32, #tpu.memory_space<hbm>> -> memref<64x128xf32, #tpu.memory_space<hbm>>
        tpu.wait_dma2 semaphore(%dma_wait3A_600 : memref<!tpu.dma_semaphore, #tpu.memory_space<semaphore_mem>>) src(%dma_wait3A_607 : memref<64x128xf32, #tpu.memory_space<hbm>>) dst(%dma_wait3A_604 : memref<64x128xf32, #tpu.memory_space<vmem>>)
        %get3A_608 = arith.index_cast %scan3A_561 : i32 to index
        %get3A_609 = tpu.vector_load %arg5[%get3A_608] {strides = array<i32>} : memref<80xi32, #tpu.memory_space<vmem>>, vector<16xi32>,
        %slice3A_610 = vector.extract_strided_slice %get3A_609 {offsets = [0], sizes = [1], strides = [1]} : vector<16xi32> to vector<1xi32>
        %squeeze3A_611 = vector.extract %slice3A_610[0] : i32 from vector<1xi32>
        %jit3A_612 = arith.constant 128 : i32
        %eq3A_613 = arith.constant 0 : i32
        %eq3A_614 = arith.cmpi eq, %jit3A_612, %eq3A_613 : i32
        %jit3A_615 = arith.constant 1 : i32
        %select_n3A_616 = arith.select %eq3A_614, %jit3A_615, %jit3A_612 : i32
        %rem3A_617 = arith.remsi %squeeze3A_611, %select_n3A_616 : i32
        %ne3A_618 = arith.constant 0 : i32
        %ne3A_619 = arith.cmpi ne, %rem3A_617, %ne3A_618 : i32
        %lt3A_620 = arith.constant 0 : i32
        %lt3A_621 = arith.cmpi slt, %rem3A_617, %lt3A_620 : i32
        %lt3A_622 = arith.constant 0 : i32
        %lt3A_623 = arith.cmpi slt, %select_n3A_616, %lt3A_622 : i32
        %ne3A_624 = arith.xori %lt3A_621, %lt3A_623 : i1
        %and3A_625 = arith.andi %ne3A_624, %ne3A_619 : i1
        %add3A_626 = arith.addi %rem3A_617, %select_n3A_616 : i32
        %select_n3A_627 = arith.select %and3A_625, %add3A_626, %rem3A_617 : i32
        %broadcast_in_dim3A = vector.broadcast %select_n3A_627 : i32 to vector<16xi32>
        %broadcast_in_dim3A_628 = vector.broadcast %scan3A_561 : i32 to vector<16xi32>
        %jit3A_629 = arith.constant 12 : i32
        %eq3A_630 = arith.constant 0 : i32
        %eq3A_631 = arith.cmpi eq, %jit3A_629, %eq3A_630 : i32
        %jit3A_632 = arith.constant 1 : i32
        %select_n3A_633 = arith.select %eq3A_631, %jit3A_632, %jit3A_629 : i32
        %rem3A_634 = arith.remsi %scan3A_561, %select_n3A_633 : i32
        %ne3A_635 = arith.constant 0 : i32
        %ne3A_636 = arith.cmpi ne, %rem3A_634, %ne3A_635 : i32
        %lt3A_637 = arith.constant 0 : i32
        %lt3A_638 = arith.cmpi slt, %rem3A_634, %lt3A_637 : i32
        %lt3A_639 = arith.constant 0 : i32
        %lt3A_640 = arith.cmpi slt, %select_n3A_633, %lt3A_639 : i32
        %ne3A_641 = arith.xori %lt3A_638, %lt3A_640 : i1
        %and3A_642 = arith.andi %ne3A_641, %ne3A_636 : i1
        %add3A_643 = arith.addi %rem3A_634, %select_n3A_633 : i32
        %select_n3A_644 = arith.select %and3A_642, %add3A_643, %rem3A_634 : i32
        %add3A_645 = arith.constant 0 : i32
        %add3A_646 = vector.broadcast %add3A_645 : i32 to vector<16xi32>
        %add3A_647 = arith.addi %iota3A, %add3A_646 : vector<16xi32>
        %gather3A = arith.constant 0 : i32
        %gather3A_648 = arith.constant 0 : i32
        %gather3A_649 = tpu.memref_slice %arg6[%select_n3A_644, %gather3A, %gather3A_648] : memref<12x64x128xf32, #tpu.memory_space<vmem>> -> memref<1x64x128xf32, #tpu.memory_space<vmem>>
        %gather3A_650 = tpu.memref_squeeze %gather3A_649 : memref<1x64x128xf32, #tpu.memory_space<vmem>> -> memref<64x128xf32, #tpu.memory_space<vmem>>
        %gather3A_651 = tpu.vector_load_idx %gather3A_650[%add3A_647, %broadcast_in_dim3A] : memref<64x128xf32, #tpu.memory_space<vmem>>[vector<16xi32>, vector<16xi32>], vector<16xf32>,
        tpu.vector_store_idx %arg7[%add3A_647, %broadcast_in_dim3A_628], %gather3A_651 : memref<64x64xf32, #tpu.memory_space<vmem>>[vector<16xi32>, vector<16xi32>], vector<16xf32>,
        %add3A_652 = arith.constant 16 : i32
        %add3A_653 = vector.broadcast %add3A_652 : i32 to vector<16xi32>
        %add3A_654 = arith.addi %iota3A, %add3A_653 : vector<16xi32>
        %gather3A_655 = arith.constant 0 : i32
        %gather3A_656 = arith.constant 0 : i32
        %gather3A_657 = tpu.memref_slice %arg6[%select_n3A_644, %gather3A_655, %gather3A_656] : memref<12x64x128xf32, #tpu.memory_space<vmem>> -> memref<1x64x128xf32, #tpu.memory_space<vmem>>
        %gather3A_658 = tpu.memref_squeeze %gather3A_657 : memref<1x64x128xf32, #tpu.memory_space<vmem>> -> memref<64x128xf32, #tpu.memory_space<vmem>>
        %gather3A_659 = tpu.vector_load_idx %gather3A_658[%add3A_654, %broadcast_in_dim3A] : memref<64x128xf32, #tpu.memory_space<vmem>>[vector<16xi32>, vector<16xi32>], vector<16xf32>,
        tpu.vector_store_idx %arg7[%add3A_654, %broadcast_in_dim3A_628], %gather3A_659 : memref<64x64xf32, #tpu.memory_space<vmem>>[vector<16xi32>, vector<16xi32>], vector<16xf32>,
        %add3A_660 = arith.constant 32 : i32
        %add3A_661 = vector.broadcast %add3A_660 : i32 to vector<16xi32>
        %add3A_662 = arith.addi %iota3A, %add3A_661 : vector<16xi32>
        %gather3A_663 = arith.constant 0 : i32
        %gather3A_664 = arith.constant 0 : i32
        %gather3A_665 = tpu.memref_slice %arg6[%select_n3A_644, %gather3A_663, %gather3A_664] : memref<12x64x128xf32, #tpu.memory_space<vmem>> -> memref<1x64x128xf32, #tpu.memory_space<vmem>>
        %gather3A_666 = tpu.memref_squeeze %gather3A_665 : memref<1x64x128xf32, #tpu.memory_space<vmem>> -> memref<64x128xf32, #tpu.memory_space<vmem>>
        %gather3A_667 = tpu.vector_load_idx %gather3A_666[%add3A_662, %broadcast_in_dim3A] : memref<64x128xf32, #tpu.memory_space<vmem>>[vector<16xi32>, vector<16xi32>], vector<16xf32>,
        tpu.vector_store_idx %arg7[%add3A_662, %broadcast_in_dim3A_628], %gather3A_667 : memref<64x64xf32, #tpu.memory_space<vmem>>[vector<16xi32>, vector<16xi32>], vector<16xf32>,
        %add3A_668 = arith.constant 48 : i32
        %add3A_669 = vector.broadcast %add3A_668 : i32 to vector<16xi32>
        %add3A_670 = arith.addi %iota3A, %add3A_669 : vector<16xi32>
        %gather3A_671 = arith.constant 0 : i32
        %gather3A_672 = arith.constant 0 : i32
        %gather3A_673 = tpu.memref_slice %arg6[%select_n3A_644, %gather3A_671, %gather3A_672] : memref<12x64x128xf32, #tpu.memory_space<vmem>> -> memref<1x64x128xf32, #tpu.memory_space<vmem>>
        %gather3A_674 = tpu.memref_squeeze %gather3A_673 : memref<1x64x128xf32, #tpu.memory_space<vmem>> -> memref<64x128xf32, #tpu.memory_space<vmem>>
        %gather3A_675 = tpu.vector_load_idx %gather3A_674[%add3A_670, %broadcast_in_dim3A] : memref<64x128xf32, #tpu.memory_space<vmem>>[vector<16xi32>, vector<16xi32>], vector<16xf32>,
        tpu.vector_store_idx %arg7[%add3A_670, %broadcast_in_dim3A_628], %gather3A_675 : memref<64x64xf32, #tpu.memory_space<vmem>>[vector<16xi32>, vector<16xi32>], vector<16xf32>,
        %add3A_676 = arith.constant 12 : i32
        %add3A_677 = arith.addi %scan3A_561, %add3A_676 : i32
        %lt3A_678 = arith.constant 64 : i32
        %lt3A_679 = arith.cmpi slt, %add3A_677, %lt3A_678 : i32
        %convert_element_type3A_680 = arith.extui %lt3A_679 : i1 to i32
        %cond3A_681 = arith.constant 0 : i32
        %cond3A_682 = arith.cmpi ne, %convert_element_type3A_680, %cond3A_681 : i32
        scf.if %cond3A_682 {
          %add3A_683 = arith.constant 12 : i32
          %add3A_684 = arith.addi %scan3A_561, %add3A_683 : i32
          %get3A_685 = arith.index_cast %add3A_684 : i32 to index
          %get3A_686 = tpu.vector_load %arg5[%get3A_685] {strides = array<i32>} : memref<80xi32, #tpu.memory_space<vmem>>, vector<16xi32>,
          %slice3A_687 = vector.extract_strided_slice %get3A_686 {offsets = [0], sizes = [1], strides = [1]} : vector<16xi32> to vector<1xi32>
          %squeeze3A_688 = vector.extract %slice3A_687[0] : i32 from vector<1xi32>
          %jit3A_689 = arith.constant 128 : i32
          %div3A_690 = arith.divsi %squeeze3A_688, %jit3A_689 : i32
          %sign3A_691 = arith.constant 0 : i32
          %sign3A_692 = arith.cmpi sgt, %squeeze3A_688, %sign3A_691 : i32
          %sign3A_693 = arith.extui %sign3A_692 : i1 to i32
          %sign3A_694 = arith.constant 0 : i32
          %sign3A_695 = arith.cmpi slt, %squeeze3A_688, %sign3A_694 : i32
          %sign3A_696 = arith.extui %sign3A_695 : i1 to i32
          %sign3A_697 = arith.subi %sign3A_693, %sign3A_696 : i32
          %sign3A_698 = arith.constant 0 : i32
          %sign3A_699 = arith.cmpi sgt, %jit3A_689, %sign3A_698 : i32
          %sign3A_700 = arith.extui %sign3A_699 : i1 to i32
          %sign3A_701 = arith.constant 0 : i32
          %sign3A_702 = arith.cmpi slt, %jit3A_689, %sign3A_701 : i32
          %sign3A_703 = arith.extui %sign3A_702 : i1 to i32
          %sign3A_704 = arith.subi %sign3A_700, %sign3A_703 : i32
          %ne3A_705 = arith.cmpi ne, %sign3A_697, %sign3A_704 : i32
          %rem3A_706 = arith.remsi %squeeze3A_688, %jit3A_689 : i32
          %ne3A_707 = arith.constant 0 : i32
          %ne3A_708 = arith.cmpi ne, %rem3A_706, %ne3A_707 : i32
          %and3A_709 = arith.andi %ne3A_705, %ne3A_708 : i1
          %sub3A_710 = arith.constant 1 : i32
          %sub3A_711 = arith.subi %div3A_690, %sub3A_710 : i32
          %select_n3A_712 = arith.select %and3A_709, %sub3A_711, %div3A_690 : i32
          %mul3A_713 = arith.constant 128 : i32
          %mul3A_714 = arith.muli %select_n3A_712, %mul3A_713 : i32
          %multiple_of3A_715 = tpu.assume_multiple %mul3A_714, 128 : i32
          %jit3A_716 = arith.constant 12 : i32
          %eq3A_717 = arith.constant 0 : i32
          %eq3A_718 = arith.cmpi eq, %jit3A_716, %eq3A_717 : i32
          %jit3A_719 = arith.constant 1 : i32
          %select_n3A_720 = arith.select %eq3A_718, %jit3A_719, %jit3A_716 : i32
          %rem3A_721 = arith.remsi %add3A_684, %select_n3A_720 : i32
          %ne3A_722 = arith.constant 0 : i32
          %ne3A_723 = arith.cmpi ne, %rem3A_721, %ne3A_722 : i32
          %lt3A_724 = arith.constant 0 : i32
          %lt3A_725 = arith.cmpi slt, %rem3A_721, %lt3A_724 : i32
          %lt3A_726 = arith.constant 0 : i32
          %lt3A_727 = arith.cmpi slt, %select_n3A_720, %lt3A_726 : i32
          %ne3A_728 = arith.xori %lt3A_725, %lt3A_727 : i1
          %and3A_729 = arith.andi %ne3A_728, %ne3A_723 : i1
          %add3A_730 = arith.addi %rem3A_721, %select_n3A_720 : i32
          %select_n3A_731 = arith.select %and3A_729, %add3A_730, %rem3A_721 : i32
          %jit3A_732 = arith.constant 12 : i32
          %eq3A_733 = arith.constant 0 : i32
          %eq3A_734 = arith.cmpi eq, %jit3A_732, %eq3A_733 : i32
          %jit3A_735 = arith.constant 1 : i32
          %select_n3A_736 = arith.select %eq3A_734, %jit3A_735, %jit3A_732 : i32
          %rem3A_737 = arith.remsi %add3A_684, %select_n3A_736 : i32
          %ne3A_738 = arith.constant 0 : i32
          %ne3A_739 = arith.cmpi ne, %rem3A_737, %ne3A_738 : i32
          %lt3A_740 = arith.constant 0 : i32
          %lt3A_741 = arith.cmpi slt, %rem3A_737, %lt3A_740 : i32
          %lt3A_742 = arith.constant 0 : i32
          %lt3A_743 = arith.cmpi slt, %select_n3A_736, %lt3A_742 : i32
          %ne3A_744 = arith.xori %lt3A_741, %lt3A_743 : i1
          %and3A_745 = arith.andi %ne3A_744, %ne3A_739 : i1
          %add3A_746 = arith.addi %rem3A_737, %select_n3A_736 : i32
          %select_n3A_747 = arith.select %and3A_745, %add3A_746, %rem3A_737 : i32
          %dma_start3A_748 = arith.constant 0 : i32
          %dma_start3A_749 = arith.constant 0 : i32
          %dma_start3A_750 = tpu.memref_slice %arg6[%select_n3A_731, %dma_start3A_748, %dma_start3A_749] : memref<12x64x128xf32, #tpu.memory_space<vmem>> -> memref<1x64x128xf32, #tpu.memory_space<vmem>>
          %dma_start3A_751 = tpu.memref_squeeze %dma_start3A_750 : memref<1x64x128xf32, #tpu.memory_space<vmem>> -> memref<64x128xf32, #tpu.memory_space<vmem>>
          %dma_start3A_752 = arith.constant 0 : i32
          %dma_start3A_753 = tpu.memref_slice %arg2[%dma_start3A_752, %multiple_of3A_715] : memref<64x1000000xf32, #tpu.memory_space<hbm>> -> memref<64x128xf32, #tpu.memory_space<hbm>>
          %dma_start3A_754 = tpu.memref_slice %arg8[%select_n3A_747] : memref<12x!tpu.dma_semaphore, #tpu.memory_space<semaphore_mem>> -> memref<1x!tpu.dma_semaphore, #tpu.memory_space<semaphore_mem>>
          %dma_start3A_755 = tpu.memref_squeeze %dma_start3A_754 : memref<1x!tpu.dma_semaphore, #tpu.memory_space<semaphore_mem>> -> memref<!tpu.dma_semaphore, #tpu.memory_space<semaphore_mem>>
          %dma_start3A_756 = arith.constant 0 : i32
          %dma_start3A_757 = arith.constant 0 : i32
          %dma_start3A_758 = tpu.memref_slice %arg6[%select_n3A_731, %dma_start3A_756, %dma_start3A_757] : memref<12x64x128xf32, #tpu.memory_space<vmem>> -> memref<1x64x128xf32, #tpu.memory_space<vmem>>
          %dma_start3A_759 = tpu.memref_squeeze %dma_start3A_758 : memref<1x64x128xf32, #tpu.memory_space<vmem>> -> memref<64x128xf32, #tpu.memory_space<vmem>>
          %dma_start3A_760 = arith.constant 0 : i32
          %dma_start3A_761 = tpu.memref_slice %arg2[%dma_start3A_760, %multiple_of3A_715] : memref<64x1000000xf32, #tpu.memory_space<hbm>> -> memref<64x128xf32, #tpu.memory_space<hbm>>
          tpu.enqueue_dma source(%dma_start3A_761 : memref<64x128xf32, #tpu.memory_space<hbm>>) target(%dma_start3A_759 : memref<64x128xf32, #tpu.memory_space<vmem>>) target_semaphore(%dma_start3A_755 : memref<!tpu.dma_semaphore, #tpu.memory_space<semaphore_mem>>)
        } else {
        }
      }
      %scan3A_560 = arith.constant 64 : i32
      "tpu.region"() ({
        %run_scoped3A = tpu.sem_alloc : memref<!tpu.dma_semaphore, #tpu.memory_space<semaphore_mem>>
        %dma_start3A_561 = arith.constant 0 : i32
        %dma_start3A_562 = arith.constant 0 : i32
        %dma_start3A_563 = tpu.memref_slice %arg4[%add3A, %dma_start3A_561, %dma_start3A_562] : memref<32x64x64xf32, #tpu.memory_space<hbm>> -> memref<1x64x64xf32, #tpu.memory_space<hbm>>
        %dma_start3A_564 = tpu.memref_squeeze %dma_start3A_563 : memref<1x64x64xf32, #tpu.memory_space<hbm>> -> memref<64x64xf32, #tpu.memory_space<hbm>>
        %dma_start3A_565 = arith.constant 0 : i32
        %dma_start3A_566 = arith.constant 0 : i32
        %dma_start3A_567 = tpu.memref_slice %arg4[%add3A, %dma_start3A_565, %dma_start3A_566] : memref<32x64x64xf32, #tpu.memory_space<hbm>> -> memref<1x64x64xf32, #tpu.memory_space<hbm>>
        %dma_start3A_568 = tpu.memref_squeeze %dma_start3A_567 : memref<1x64x64xf32, #tpu.memory_space<hbm>> -> memref<64x64xf32, #tpu.memory_space<hbm>>
        tpu.enqueue_dma source(%arg7 : memref<64x64xf32, #tpu.memory_space<vmem>>) target(%dma_start3A_568 : memref<64x64xf32, #tpu.memory_space<hbm>>) target_semaphore(%run_scoped3A : memref<!tpu.dma_semaphore, #tpu.memory_space<semaphore_mem>>)
        %dma_wait3A = arith.constant 0 : i32
        %dma_wait3A_569 = arith.constant 0 : i32
        %dma_wait3A_570 = tpu.memref_slice %arg4[%add3A, %dma_wait3A, %dma_wait3A_569] : memref<32x64x64xf32, #tpu.memory_space<hbm>> -> memref<1x64x64xf32, #tpu.memory_space<hbm>>
        %dma_wait3A_571 = tpu.memref_squeeze %dma_wait3A_570 : memref<1x64x64xf32, #tpu.memory_space<hbm>> -> memref<64x64xf32, #tpu.memory_space<hbm>>
        %dma_wait3A_572 = arith.constant 0 : i32
        %dma_wait3A_573 = arith.constant 0 : i32
        %dma_wait3A_574 = tpu.memref_slice %arg4[%add3A, %dma_wait3A_572, %dma_wait3A_573] : memref<32x64x64xf32, #tpu.memory_space<hbm>> -> memref<1x64x64xf32, #tpu.memory_space<hbm>>
        %dma_wait3A_575 = tpu.memref_squeeze %dma_wait3A_574 : memref<1x64x64xf32, #tpu.memory_space<hbm>> -> memref<64x64xf32, #tpu.memory_space<hbm>>
        tpu.wait_dma2 semaphore(%run_scoped3A : memref<!tpu.dma_semaphore, #tpu.memory_space<semaphore_mem>>) src(%arg7 : memref<64x64xf32, #tpu.memory_space<vmem>>) dst(%dma_wait3A_575 : memref<64x64xf32, #tpu.memory_space<hbm>>)
        tpu.yield
      }) : () -> ()
    } else {
    }
    return
  }
}

module attributes {stable_mosaic.version = 14 : i64} {
  func.func @body(%arg0: i32, %arg1: memref<10x64x2048xf32, #tpu.memory_space<vmem>>, %arg2: memref<32x64x64xf32, #tpu.memory_space<vmem>>, %arg3: memref<200x64x4096xf32, #tpu.memory_space<any>>, %arg4: memref<10x64x2048xf32, #tpu.memory_space<vmem>>, %arg5: memref<64x2048xf32, #tpu.memory_space<vmem>>) attributes {dimension_semantics = [#tpu.dimension_semantics<arbitrary>], iteration_bounds = array<i64: 20>, scalar_prefetch = 0 : i64, scratch_operands = 1 : i64, tpu.core_type = #tpu.core_type<tc>, window_params = [{transform_indices = @transform_0, window_bounds = array<i64: 10, 64, 2048>}, {pipeline_mode = #tpu.pipeline_mode<synchronous>, transform_indices = @transform_1, window_bounds = array<i64: 32, 64, 64>}, {}, {transform_indices = @transform_3, window_bounds = array<i64: 10, 64, 2048>}]} {
    %eq3A = arith.constant 0 : i32
    %eq3A_0 = arith.cmpi eq, %arg0, %eq3A : i32
    %convert_element_type3A = arith.extui %eq3A_0 : i1 to i32
    %cond3A = arith.constant 0 : i32
    %cond3A_1 = arith.cmpi ne, %convert_element_type3A, %cond3A : i32
    scf.if %cond3A_1 {
      %get3A_12 = arith.constant 0 : index
      %get3A_13 = arith.constant 0 : index
      %get3A_14 = arith.constant 0 : index
      %get3A_15 = vector.load %arg2[%get3A_12, %get3A_13, %get3A_14] : memref<32x64x64xf32, #tpu.memory_space<vmem>>, vector<1x64x64xf32>
      %get3A_16 = vector.shape_cast %get3A_15 : vector<1x64x64xf32> to vector<64x64xf32>
      %swap3A_17 = arith.constant 0 : index
      %swap3A_18 = arith.constant 0 : index
      %swap3A_19 = vector.load %arg5[%swap3A_17, %swap3A_18] : memref<64x2048xf32, #tpu.memory_space<vmem>>, vector<64x64xf32>
      tpu.vector_store %arg5[%swap3A_17, %swap3A_18], %get3A_16 {strides = array<i32>} : memref<64x2048xf32, #tpu.memory_space<vmem>>, vector<64x64xf32>,
      %get3A_20 = arith.constant 1 : index
      %get3A_21 = arith.constant 0 : index
      %get3A_22 = arith.constant 0 : index
      %get3A_23 = vector.load %arg2[%get3A_20, %get3A_21, %get3A_22] : memref<32x64x64xf32, #tpu.memory_space<vmem>>, vector<1x64x64xf32>
      %get3A_24 = vector.shape_cast %get3A_23 : vector<1x64x64xf32> to vector<64x64xf32>
      %swap3A_25 = arith.constant 0 : index
      %swap3A_26 = arith.constant 64 : index
      %swap3A_27 = vector.load %arg5[%swap3A_25, %swap3A_26] : memref<64x2048xf32, #tpu.memory_space<vmem>>, vector<64x64xf32>
      tpu.vector_store %arg5[%swap3A_25, %swap3A_26], %get3A_24 {strides = array<i32>} : memref<64x2048xf32, #tpu.memory_space<vmem>>, vector<64x64xf32>,
      %get3A_28 = arith.constant 2 : index
      %get3A_29 = arith.constant 0 : index
      %get3A_30 = arith.constant 0 : index
      %get3A_31 = vector.load %arg2[%get3A_28, %get3A_29, %get3A_30] : memref<32x64x64xf32, #tpu.memory_space<vmem>>, vector<1x64x64xf32>
      %get3A_32 = vector.shape_cast %get3A_31 : vector<1x64x64xf32> to vector<64x64xf32>
      %swap3A_33 = arith.constant 0 : index
      %swap3A_34 = arith.constant 128 : index
      %swap3A_35 = vector.load %arg5[%swap3A_33, %swap3A_34] : memref<64x2048xf32, #tpu.memory_space<vmem>>, vector<64x64xf32>
      tpu.vector_store %arg5[%swap3A_33, %swap3A_34], %get3A_32 {strides = array<i32>} : memref<64x2048xf32, #tpu.memory_space<vmem>>, vector<64x64xf32>,
      %get3A_36 = arith.constant 3 : index
      %get3A_37 = arith.constant 0 : index
      %get3A_38 = arith.constant 0 : index
      %get3A_39 = vector.load %arg2[%get3A_36, %get3A_37, %get3A_38] : memref<32x64x64xf32, #tpu.memory_space<vmem>>, vector<1x64x64xf32>
      %get3A_40 = vector.shape_cast %get3A_39 : vector<1x64x64xf32> to vector<64x64xf32>
      %swap3A_41 = arith.constant 0 : index
      %swap3A_42 = arith.constant 192 : index
      %swap3A_43 = vector.load %arg5[%swap3A_41, %swap3A_42] : memref<64x2048xf32, #tpu.memory_space<vmem>>, vector<64x64xf32>
      tpu.vector_store %arg5[%swap3A_41, %swap3A_42], %get3A_40 {strides = array<i32>} : memref<64x2048xf32, #tpu.memory_space<vmem>>, vector<64x64xf32>,
      %get3A_44 = arith.constant 4 : index
      %get3A_45 = arith.constant 0 : index
      %get3A_46 = arith.constant 0 : index
      %get3A_47 = vector.load %arg2[%get3A_44, %get3A_45, %get3A_46] : memref<32x64x64xf32, #tpu.memory_space<vmem>>, vector<1x64x64xf32>
      %get3A_48 = vector.shape_cast %get3A_47 : vector<1x64x64xf32> to vector<64x64xf32>
      %swap3A_49 = arith.constant 0 : index
      %swap3A_50 = arith.constant 256 : index
      %swap3A_51 = vector.load %arg5[%swap3A_49, %swap3A_50] : memref<64x2048xf32, #tpu.memory_space<vmem>>, vector<64x64xf32>
      tpu.vector_store %arg5[%swap3A_49, %swap3A_50], %get3A_48 {strides = array<i32>} : memref<64x2048xf32, #tpu.memory_space<vmem>>, vector<64x64xf32>,
      %get3A_52 = arith.constant 5 : index
      %get3A_53 = arith.constant 0 : index
      %get3A_54 = arith.constant 0 : index
      %get3A_55 = vector.load %arg2[%get3A_52, %get3A_53, %get3A_54] : memref<32x64x64xf32, #tpu.memory_space<vmem>>, vector<1x64x64xf32>
      %get3A_56 = vector.shape_cast %get3A_55 : vector<1x64x64xf32> to vector<64x64xf32>
      %swap3A_57 = arith.constant 0 : index
      %swap3A_58 = arith.constant 320 : index
      %swap3A_59 = vector.load %arg5[%swap3A_57, %swap3A_58] : memref<64x2048xf32, #tpu.memory_space<vmem>>, vector<64x64xf32>
      tpu.vector_store %arg5[%swap3A_57, %swap3A_58], %get3A_56 {strides = array<i32>} : memref<64x2048xf32, #tpu.memory_space<vmem>>, vector<64x64xf32>,
      %get3A_60 = arith.constant 6 : index
      %get3A_61 = arith.constant 0 : index
      %get3A_62 = arith.constant 0 : index
      %get3A_63 = vector.load %arg2[%get3A_60, %get3A_61, %get3A_62] : memref<32x64x64xf32, #tpu.memory_space<vmem>>, vector<1x64x64xf32>
      %get3A_64 = vector.shape_cast %get3A_63 : vector<1x64x64xf32> to vector<64x64xf32>
      %swap3A_65 = arith.constant 0 : index
      %swap3A_66 = arith.constant 384 : index
      %swap3A_67 = vector.load %arg5[%swap3A_65, %swap3A_66] : memref<64x2048xf32, #tpu.memory_space<vmem>>, vector<64x64xf32>
      tpu.vector_store %arg5[%swap3A_65, %swap3A_66], %get3A_64 {strides = array<i32>} : memref<64x2048xf32, #tpu.memory_space<vmem>>, vector<64x64xf32>,
      %get3A_68 = arith.constant 7 : index
      %get3A_69 = arith.constant 0 : index
      %get3A_70 = arith.constant 0 : index
      %get3A_71 = vector.load %arg2[%get3A_68, %get3A_69, %get3A_70] : memref<32x64x64xf32, #tpu.memory_space<vmem>>, vector<1x64x64xf32>
      %get3A_72 = vector.shape_cast %get3A_71 : vector<1x64x64xf32> to vector<64x64xf32>
      %swap3A_73 = arith.constant 0 : index
      %swap3A_74 = arith.constant 448 : index
      %swap3A_75 = vector.load %arg5[%swap3A_73, %swap3A_74] : memref<64x2048xf32, #tpu.memory_space<vmem>>, vector<64x64xf32>
      tpu.vector_store %arg5[%swap3A_73, %swap3A_74], %get3A_72 {strides = array<i32>} : memref<64x2048xf32, #tpu.memory_space<vmem>>, vector<64x64xf32>,
      %get3A_76 = arith.constant 8 : index
      %get3A_77 = arith.constant 0 : index
      %get3A_78 = arith.constant 0 : index
      %get3A_79 = vector.load %arg2[%get3A_76, %get3A_77, %get3A_78] : memref<32x64x64xf32, #tpu.memory_space<vmem>>, vector<1x64x64xf32>
      %get3A_80 = vector.shape_cast %get3A_79 : vector<1x64x64xf32> to vector<64x64xf32>
      %swap3A_81 = arith.constant 0 : index
      %swap3A_82 = arith.constant 512 : index
      %swap3A_83 = vector.load %arg5[%swap3A_81, %swap3A_82] : memref<64x2048xf32, #tpu.memory_space<vmem>>, vector<64x64xf32>
      tpu.vector_store %arg5[%swap3A_81, %swap3A_82], %get3A_80 {strides = array<i32>} : memref<64x2048xf32, #tpu.memory_space<vmem>>, vector<64x64xf32>,
      %get3A_84 = arith.constant 9 : index
      %get3A_85 = arith.constant 0 : index
      %get3A_86 = arith.constant 0 : index
      %get3A_87 = vector.load %arg2[%get3A_84, %get3A_85, %get3A_86] : memref<32x64x64xf32, #tpu.memory_space<vmem>>, vector<1x64x64xf32>
      %get3A_88 = vector.shape_cast %get3A_87 : vector<1x64x64xf32> to vector<64x64xf32>
      %swap3A_89 = arith.constant 0 : index
      %swap3A_90 = arith.constant 576 : index
      %swap3A_91 = vector.load %arg5[%swap3A_89, %swap3A_90] : memref<64x2048xf32, #tpu.memory_space<vmem>>, vector<64x64xf32>
      tpu.vector_store %arg5[%swap3A_89, %swap3A_90], %get3A_88 {strides = array<i32>} : memref<64x2048xf32, #tpu.memory_space<vmem>>, vector<64x64xf32>,
      %get3A_92 = arith.constant 10 : index
      %get3A_93 = arith.constant 0 : index
      %get3A_94 = arith.constant 0 : index
      %get3A_95 = vector.load %arg2[%get3A_92, %get3A_93, %get3A_94] : memref<32x64x64xf32, #tpu.memory_space<vmem>>, vector<1x64x64xf32>
      %get3A_96 = vector.shape_cast %get3A_95 : vector<1x64x64xf32> to vector<64x64xf32>
      %swap3A_97 = arith.constant 0 : index
      %swap3A_98 = arith.constant 640 : index
      %swap3A_99 = vector.load %arg5[%swap3A_97, %swap3A_98] : memref<64x2048xf32, #tpu.memory_space<vmem>>, vector<64x64xf32>
      tpu.vector_store %arg5[%swap3A_97, %swap3A_98], %get3A_96 {strides = array<i32>} : memref<64x2048xf32, #tpu.memory_space<vmem>>, vector<64x64xf32>,
      %get3A_100 = arith.constant 11 : index
      %get3A_101 = arith.constant 0 : index
      %get3A_102 = arith.constant 0 : index
      %get3A_103 = vector.load %arg2[%get3A_100, %get3A_101, %get3A_102] : memref<32x64x64xf32, #tpu.memory_space<vmem>>, vector<1x64x64xf32>
      %get3A_104 = vector.shape_cast %get3A_103 : vector<1x64x64xf32> to vector<64x64xf32>
      %swap3A_105 = arith.constant 0 : index
      %swap3A_106 = arith.constant 704 : index
      %swap3A_107 = vector.load %arg5[%swap3A_105, %swap3A_106] : memref<64x2048xf32, #tpu.memory_space<vmem>>, vector<64x64xf32>
      tpu.vector_store %arg5[%swap3A_105, %swap3A_106], %get3A_104 {strides = array<i32>} : memref<64x2048xf32, #tpu.memory_space<vmem>>, vector<64x64xf32>,
      %get3A_108 = arith.constant 12 : index
      %get3A_109 = arith.constant 0 : index
      %get3A_110 = arith.constant 0 : index
      %get3A_111 = vector.load %arg2[%get3A_108, %get3A_109, %get3A_110] : memref<32x64x64xf32, #tpu.memory_space<vmem>>, vector<1x64x64xf32>
      %get3A_112 = vector.shape_cast %get3A_111 : vector<1x64x64xf32> to vector<64x64xf32>
      %swap3A_113 = arith.constant 0 : index
      %swap3A_114 = arith.constant 768 : index
      %swap3A_115 = vector.load %arg5[%swap3A_113, %swap3A_114] : memref<64x2048xf32, #tpu.memory_space<vmem>>, vector<64x64xf32>
      tpu.vector_store %arg5[%swap3A_113, %swap3A_114], %get3A_112 {strides = array<i32>} : memref<64x2048xf32, #tpu.memory_space<vmem>>, vector<64x64xf32>,
      %get3A_116 = arith.constant 13 : index
      %get3A_117 = arith.constant 0 : index
      %get3A_118 = arith.constant 0 : index
      %get3A_119 = vector.load %arg2[%get3A_116, %get3A_117, %get3A_118] : memref<32x64x64xf32, #tpu.memory_space<vmem>>, vector<1x64x64xf32>
      %get3A_120 = vector.shape_cast %get3A_119 : vector<1x64x64xf32> to vector<64x64xf32>
      %swap3A_121 = arith.constant 0 : index
      %swap3A_122 = arith.constant 832 : index
      %swap3A_123 = vector.load %arg5[%swap3A_121, %swap3A_122] : memref<64x2048xf32, #tpu.memory_space<vmem>>, vector<64x64xf32>
      tpu.vector_store %arg5[%swap3A_121, %swap3A_122], %get3A_120 {strides = array<i32>} : memref<64x2048xf32, #tpu.memory_space<vmem>>, vector<64x64xf32>,
      %get3A_124 = arith.constant 14 : index
      %get3A_125 = arith.constant 0 : index
      %get3A_126 = arith.constant 0 : index
      %get3A_127 = vector.load %arg2[%get3A_124, %get3A_125, %get3A_126] : memref<32x64x64xf32, #tpu.memory_space<vmem>>, vector<1x64x64xf32>
      %get3A_128 = vector.shape_cast %get3A_127 : vector<1x64x64xf32> to vector<64x64xf32>
      %swap3A_129 = arith.constant 0 : index
      %swap3A_130 = arith.constant 896 : index
      %swap3A_131 = vector.load %arg5[%swap3A_129, %swap3A_130] : memref<64x2048xf32, #tpu.memory_space<vmem>>, vector<64x64xf32>
      tpu.vector_store %arg5[%swap3A_129, %swap3A_130], %get3A_128 {strides = array<i32>} : memref<64x2048xf32, #tpu.memory_space<vmem>>, vector<64x64xf32>,
      %get3A_132 = arith.constant 15 : index
      %get3A_133 = arith.constant 0 : index
      %get3A_134 = arith.constant 0 : index
      %get3A_135 = vector.load %arg2[%get3A_132, %get3A_133, %get3A_134] : memref<32x64x64xf32, #tpu.memory_space<vmem>>, vector<1x64x64xf32>
      %get3A_136 = vector.shape_cast %get3A_135 : vector<1x64x64xf32> to vector<64x64xf32>
      %swap3A_137 = arith.constant 0 : index
      %swap3A_138 = arith.constant 960 : index
      %swap3A_139 = vector.load %arg5[%swap3A_137, %swap3A_138] : memref<64x2048xf32, #tpu.memory_space<vmem>>, vector<64x64xf32>
      tpu.vector_store %arg5[%swap3A_137, %swap3A_138], %get3A_136 {strides = array<i32>} : memref<64x2048xf32, #tpu.memory_space<vmem>>, vector<64x64xf32>,
      %get3A_140 = arith.constant 16 : index
      %get3A_141 = arith.constant 0 : index
      %get3A_142 = arith.constant 0 : index
      %get3A_143 = vector.load %arg2[%get3A_140, %get3A_141, %get3A_142] : memref<32x64x64xf32, #tpu.memory_space<vmem>>, vector<1x64x64xf32>
      %get3A_144 = vector.shape_cast %get3A_143 : vector<1x64x64xf32> to vector<64x64xf32>
      %swap3A_145 = arith.constant 0 : index
      %swap3A_146 = arith.constant 1024 : index
      %swap3A_147 = vector.load %arg5[%swap3A_145, %swap3A_146] : memref<64x2048xf32, #tpu.memory_space<vmem>>, vector<64x64xf32>
      tpu.vector_store %arg5[%swap3A_145, %swap3A_146], %get3A_144 {strides = array<i32>} : memref<64x2048xf32, #tpu.memory_space<vmem>>, vector<64x64xf32>,
      %get3A_148 = arith.constant 17 : index
      %get3A_149 = arith.constant 0 : index
      %get3A_150 = arith.constant 0 : index
      %get3A_151 = vector.load %arg2[%get3A_148, %get3A_149, %get3A_150] : memref<32x64x64xf32, #tpu.memory_space<vmem>>, vector<1x64x64xf32>
      %get3A_152 = vector.shape_cast %get3A_151 : vector<1x64x64xf32> to vector<64x64xf32>
      %swap3A_153 = arith.constant 0 : index
      %swap3A_154 = arith.constant 1088 : index
      %swap3A_155 = vector.load %arg5[%swap3A_153, %swap3A_154] : memref<64x2048xf32, #tpu.memory_space<vmem>>, vector<64x64xf32>
      tpu.vector_store %arg5[%swap3A_153, %swap3A_154], %get3A_152 {strides = array<i32>} : memref<64x2048xf32, #tpu.memory_space<vmem>>, vector<64x64xf32>,
      %get3A_156 = arith.constant 18 : index
      %get3A_157 = arith.constant 0 : index
      %get3A_158 = arith.constant 0 : index
      %get3A_159 = vector.load %arg2[%get3A_156, %get3A_157, %get3A_158] : memref<32x64x64xf32, #tpu.memory_space<vmem>>, vector<1x64x64xf32>
      %get3A_160 = vector.shape_cast %get3A_159 : vector<1x64x64xf32> to vector<64x64xf32>
      %swap3A_161 = arith.constant 0 : index
      %swap3A_162 = arith.constant 1152 : index
      %swap3A_163 = vector.load %arg5[%swap3A_161, %swap3A_162] : memref<64x2048xf32, #tpu.memory_space<vmem>>, vector<64x64xf32>
      tpu.vector_store %arg5[%swap3A_161, %swap3A_162], %get3A_160 {strides = array<i32>} : memref<64x2048xf32, #tpu.memory_space<vmem>>, vector<64x64xf32>,
      %get3A_164 = arith.constant 19 : index
      %get3A_165 = arith.constant 0 : index
      %get3A_166 = arith.constant 0 : index
      %get3A_167 = vector.load %arg2[%get3A_164, %get3A_165, %get3A_166] : memref<32x64x64xf32, #tpu.memory_space<vmem>>, vector<1x64x64xf32>
      %get3A_168 = vector.shape_cast %get3A_167 : vector<1x64x64xf32> to vector<64x64xf32>
      %swap3A_169 = arith.constant 0 : index
      %swap3A_170 = arith.constant 1216 : index
      %swap3A_171 = vector.load %arg5[%swap3A_169, %swap3A_170] : memref<64x2048xf32, #tpu.memory_space<vmem>>, vector<64x64xf32>
      tpu.vector_store %arg5[%swap3A_169, %swap3A_170], %get3A_168 {strides = array<i32>} : memref<64x2048xf32, #tpu.memory_space<vmem>>, vector<64x64xf32>,
      %get3A_172 = arith.constant 20 : index
      %get3A_173 = arith.constant 0 : index
      %get3A_174 = arith.constant 0 : index
      %get3A_175 = vector.load %arg2[%get3A_172, %get3A_173, %get3A_174] : memref<32x64x64xf32, #tpu.memory_space<vmem>>, vector<1x64x64xf32>
      %get3A_176 = vector.shape_cast %get3A_175 : vector<1x64x64xf32> to vector<64x64xf32>
      %swap3A_177 = arith.constant 0 : index
      %swap3A_178 = arith.constant 1280 : index
      %swap3A_179 = vector.load %arg5[%swap3A_177, %swap3A_178] : memref<64x2048xf32, #tpu.memory_space<vmem>>, vector<64x64xf32>
      tpu.vector_store %arg5[%swap3A_177, %swap3A_178], %get3A_176 {strides = array<i32>} : memref<64x2048xf32, #tpu.memory_space<vmem>>, vector<64x64xf32>,
      %get3A_180 = arith.constant 21 : index
      %get3A_181 = arith.constant 0 : index
      %get3A_182 = arith.constant 0 : index
      %get3A_183 = vector.load %arg2[%get3A_180, %get3A_181, %get3A_182] : memref<32x64x64xf32, #tpu.memory_space<vmem>>, vector<1x64x64xf32>
      %get3A_184 = vector.shape_cast %get3A_183 : vector<1x64x64xf32> to vector<64x64xf32>
      %swap3A_185 = arith.constant 0 : index
      %swap3A_186 = arith.constant 1344 : index
      %swap3A_187 = vector.load %arg5[%swap3A_185, %swap3A_186] : memref<64x2048xf32, #tpu.memory_space<vmem>>, vector<64x64xf32>
      tpu.vector_store %arg5[%swap3A_185, %swap3A_186], %get3A_184 {strides = array<i32>} : memref<64x2048xf32, #tpu.memory_space<vmem>>, vector<64x64xf32>,
      %get3A_188 = arith.constant 22 : index
      %get3A_189 = arith.constant 0 : index
      %get3A_190 = arith.constant 0 : index
      %get3A_191 = vector.load %arg2[%get3A_188, %get3A_189, %get3A_190] : memref<32x64x64xf32, #tpu.memory_space<vmem>>, vector<1x64x64xf32>
      %get3A_192 = vector.shape_cast %get3A_191 : vector<1x64x64xf32> to vector<64x64xf32>
      %swap3A_193 = arith.constant 0 : index
      %swap3A_194 = arith.constant 1408 : index
      %swap3A_195 = vector.load %arg5[%swap3A_193, %swap3A_194] : memref<64x2048xf32, #tpu.memory_space<vmem>>, vector<64x64xf32>
      tpu.vector_store %arg5[%swap3A_193, %swap3A_194], %get3A_192 {strides = array<i32>} : memref<64x2048xf32, #tpu.memory_space<vmem>>, vector<64x64xf32>,
      %get3A_196 = arith.constant 23 : index
      %get3A_197 = arith.constant 0 : index
      %get3A_198 = arith.constant 0 : index
      %get3A_199 = vector.load %arg2[%get3A_196, %get3A_197, %get3A_198] : memref<32x64x64xf32, #tpu.memory_space<vmem>>, vector<1x64x64xf32>
      %get3A_200 = vector.shape_cast %get3A_199 : vector<1x64x64xf32> to vector<64x64xf32>
      %swap3A_201 = arith.constant 0 : index
      %swap3A_202 = arith.constant 1472 : index
      %swap3A_203 = vector.load %arg5[%swap3A_201, %swap3A_202] : memref<64x2048xf32, #tpu.memory_space<vmem>>, vector<64x64xf32>
      tpu.vector_store %arg5[%swap3A_201, %swap3A_202], %get3A_200 {strides = array<i32>} : memref<64x2048xf32, #tpu.memory_space<vmem>>, vector<64x64xf32>,
      %get3A_204 = arith.constant 24 : index
      %get3A_205 = arith.constant 0 : index
      %get3A_206 = arith.constant 0 : index
      %get3A_207 = vector.load %arg2[%get3A_204, %get3A_205, %get3A_206] : memref<32x64x64xf32, #tpu.memory_space<vmem>>, vector<1x64x64xf32>
      %get3A_208 = vector.shape_cast %get3A_207 : vector<1x64x64xf32> to vector<64x64xf32>
      %swap3A_209 = arith.constant 0 : index
      %swap3A_210 = arith.constant 1536 : index
      %swap3A_211 = vector.load %arg5[%swap3A_209, %swap3A_210] : memref<64x2048xf32, #tpu.memory_space<vmem>>, vector<64x64xf32>
      tpu.vector_store %arg5[%swap3A_209, %swap3A_210], %get3A_208 {strides = array<i32>} : memref<64x2048xf32, #tpu.memory_space<vmem>>, vector<64x64xf32>,
      %get3A_212 = arith.constant 25 : index
      %get3A_213 = arith.constant 0 : index
      %get3A_214 = arith.constant 0 : index
      %get3A_215 = vector.load %arg2[%get3A_212, %get3A_213, %get3A_214] : memref<32x64x64xf32, #tpu.memory_space<vmem>>, vector<1x64x64xf32>
      %get3A_216 = vector.shape_cast %get3A_215 : vector<1x64x64xf32> to vector<64x64xf32>
      %swap3A_217 = arith.constant 0 : index
      %swap3A_218 = arith.constant 1600 : index
      %swap3A_219 = vector.load %arg5[%swap3A_217, %swap3A_218] : memref<64x2048xf32, #tpu.memory_space<vmem>>, vector<64x64xf32>
      tpu.vector_store %arg5[%swap3A_217, %swap3A_218], %get3A_216 {strides = array<i32>} : memref<64x2048xf32, #tpu.memory_space<vmem>>, vector<64x64xf32>,
      %get3A_220 = arith.constant 26 : index
      %get3A_221 = arith.constant 0 : index
      %get3A_222 = arith.constant 0 : index
      %get3A_223 = vector.load %arg2[%get3A_220, %get3A_221, %get3A_222] : memref<32x64x64xf32, #tpu.memory_space<vmem>>, vector<1x64x64xf32>
      %get3A_224 = vector.shape_cast %get3A_223 : vector<1x64x64xf32> to vector<64x64xf32>
      %swap3A_225 = arith.constant 0 : index
      %swap3A_226 = arith.constant 1664 : index
      %swap3A_227 = vector.load %arg5[%swap3A_225, %swap3A_226] : memref<64x2048xf32, #tpu.memory_space<vmem>>, vector<64x64xf32>
      tpu.vector_store %arg5[%swap3A_225, %swap3A_226], %get3A_224 {strides = array<i32>} : memref<64x2048xf32, #tpu.memory_space<vmem>>, vector<64x64xf32>,
      %get3A_228 = arith.constant 27 : index
      %get3A_229 = arith.constant 0 : index
      %get3A_230 = arith.constant 0 : index
      %get3A_231 = vector.load %arg2[%get3A_228, %get3A_229, %get3A_230] : memref<32x64x64xf32, #tpu.memory_space<vmem>>, vector<1x64x64xf32>
      %get3A_232 = vector.shape_cast %get3A_231 : vector<1x64x64xf32> to vector<64x64xf32>
      %swap3A_233 = arith.constant 0 : index
      %swap3A_234 = arith.constant 1728 : index
      %swap3A_235 = vector.load %arg5[%swap3A_233, %swap3A_234] : memref<64x2048xf32, #tpu.memory_space<vmem>>, vector<64x64xf32>
      tpu.vector_store %arg5[%swap3A_233, %swap3A_234], %get3A_232 {strides = array<i32>} : memref<64x2048xf32, #tpu.memory_space<vmem>>, vector<64x64xf32>,
      %get3A_236 = arith.constant 28 : index
      %get3A_237 = arith.constant 0 : index
      %get3A_238 = arith.constant 0 : index
      %get3A_239 = vector.load %arg2[%get3A_236, %get3A_237, %get3A_238] : memref<32x64x64xf32, #tpu.memory_space<vmem>>, vector<1x64x64xf32>
      %get3A_240 = vector.shape_cast %get3A_239 : vector<1x64x64xf32> to vector<64x64xf32>
      %swap3A_241 = arith.constant 0 : index
      %swap3A_242 = arith.constant 1792 : index
      %swap3A_243 = vector.load %arg5[%swap3A_241, %swap3A_242] : memref<64x2048xf32, #tpu.memory_space<vmem>>, vector<64x64xf32>
      tpu.vector_store %arg5[%swap3A_241, %swap3A_242], %get3A_240 {strides = array<i32>} : memref<64x2048xf32, #tpu.memory_space<vmem>>, vector<64x64xf32>,
      %get3A_244 = arith.constant 29 : index
      %get3A_245 = arith.constant 0 : index
      %get3A_246 = arith.constant 0 : index
      %get3A_247 = vector.load %arg2[%get3A_244, %get3A_245, %get3A_246] : memref<32x64x64xf32, #tpu.memory_space<vmem>>, vector<1x64x64xf32>
      %get3A_248 = vector.shape_cast %get3A_247 : vector<1x64x64xf32> to vector<64x64xf32>
      %swap3A_249 = arith.constant 0 : index
      %swap3A_250 = arith.constant 1856 : index
      %swap3A_251 = vector.load %arg5[%swap3A_249, %swap3A_250] : memref<64x2048xf32, #tpu.memory_space<vmem>>, vector<64x64xf32>
      tpu.vector_store %arg5[%swap3A_249, %swap3A_250], %get3A_248 {strides = array<i32>} : memref<64x2048xf32, #tpu.memory_space<vmem>>, vector<64x64xf32>,
      %get3A_252 = arith.constant 30 : index
      %get3A_253 = arith.constant 0 : index
      %get3A_254 = arith.constant 0 : index
      %get3A_255 = vector.load %arg2[%get3A_252, %get3A_253, %get3A_254] : memref<32x64x64xf32, #tpu.memory_space<vmem>>, vector<1x64x64xf32>
      %get3A_256 = vector.shape_cast %get3A_255 : vector<1x64x64xf32> to vector<64x64xf32>
      %swap3A_257 = arith.constant 0 : index
      %swap3A_258 = arith.constant 1920 : index
      %swap3A_259 = vector.load %arg5[%swap3A_257, %swap3A_258] : memref<64x2048xf32, #tpu.memory_space<vmem>>, vector<64x64xf32>
      tpu.vector_store %arg5[%swap3A_257, %swap3A_258], %get3A_256 {strides = array<i32>} : memref<64x2048xf32, #tpu.memory_space<vmem>>, vector<64x64xf32>,
      %get3A_260 = arith.constant 31 : index
      %get3A_261 = arith.constant 0 : index
      %get3A_262 = arith.constant 0 : index
      %get3A_263 = vector.load %arg2[%get3A_260, %get3A_261, %get3A_262] : memref<32x64x64xf32, #tpu.memory_space<vmem>>, vector<1x64x64xf32>
      %get3A_264 = vector.shape_cast %get3A_263 : vector<1x64x64xf32> to vector<64x64xf32>
      %swap3A_265 = arith.constant 0 : index
      %swap3A_266 = arith.constant 1984 : index
      %swap3A_267 = vector.load %arg5[%swap3A_265, %swap3A_266] : memref<64x2048xf32, #tpu.memory_space<vmem>>, vector<64x64xf32>
      tpu.vector_store %arg5[%swap3A_265, %swap3A_266], %get3A_264 {strides = array<i32>} : memref<64x2048xf32, #tpu.memory_space<vmem>>, vector<64x64xf32>,
    } else {
    }
    %get3A = arith.constant 0 : index
    %get3A_2 = arith.constant 0 : index
    %get3A_3 = arith.constant 0 : index
    %get3A_4 = vector.load %arg1[%get3A, %get3A_2, %get3A_3] : memref<10x64x2048xf32, #tpu.memory_space<vmem>>, vector<10x64x2048xf32>
    %get3A_5 = arith.constant 0 : index
    %get3A_6 = arith.constant 0 : index
    %get3A_7 = vector.load %arg5[%get3A_5, %get3A_6] : memref<64x2048xf32, #tpu.memory_space<vmem>>, vector<64x2048xf32>
    %broadcast_in_dim3A = vector.shape_cast %get3A_7 : vector<64x2048xf32> to vector<1x64x2048xf32>
    %add3A = vector.broadcast %broadcast_in_dim3A : vector<1x64x2048xf32> to vector<10x64x2048xf32>
    %add3A_8 = arith.addf %get3A_4, %add3A : vector<10x64x2048xf32>
    %swap3A = arith.constant 0 : index
    %swap3A_9 = arith.constant 0 : index
    %swap3A_10 = arith.constant 0 : index
    %swap3A_11 = vector.load %arg4[%swap3A, %swap3A_9, %swap3A_10] : memref<10x64x2048xf32, #tpu.memory_space<vmem>>, vector<10x64x2048xf32>
    tpu.vector_store %arg4[%swap3A, %swap3A_9, %swap3A_10], %add3A_8 {strides = array<i32>} : memref<10x64x2048xf32, #tpu.memory_space<vmem>>, vector<10x64x2048xf32>,
    return
  }
  func.func @transform_0(%arg0: i32) -> (i32, i32, i32) {
    %c0_i32 = arith.constant 0 : i32
    %c1_i32 = arith.constant 1 : i32
    %c0_i32_0 = arith.constant 0 : i32
    return %arg0, %c0_i32, %c1_i32 : i32, i32, i32
  }
  func.func @transform_1(%arg0: i32) -> (i32, i32, i32) {
    %c0_i32 = arith.constant 0 : i32
    %c0_i32_0 = arith.constant 0 : i32
    %c0_i32_1 = arith.constant 0 : i32
    %c0_i32_2 = arith.constant 0 : i32
    return %c0_i32, %c0_i32_0, %c0_i32_1 : i32, i32, i32
  }
  func.func @transform_3(%arg0: i32) -> (i32, i32, i32) {
    %c0_i32 = arith.constant 0 : i32
    %c1_i32 = arith.constant 1 : i32
    %c0_i32_0 = arith.constant 0 : i32
    return %arg0, %c0_i32, %c1_i32 : i32, i32, i32
  }
}

module attributes {stable_mosaic.version = 14 : i64} {
  func.func @body(%arg0: i32, %arg1: memref<10x64x2048xf32, #tpu.memory_space<vmem>>, %arg2: memref<32x64x64xf32, #tpu.memory_space<vmem>>, %arg3: memref<10x64x2048xf32, #tpu.memory_space<vmem>>, %arg4: memref<64x2048xf32, #tpu.memory_space<vmem>>) attributes {dimension_semantics = [#tpu.dimension_semantics<arbitrary>], iteration_bounds = array<i64: 20>, scalar_prefetch = 0 : i64, scratch_operands = 1 : i64, tpu.core_type = #tpu.core_type<tc>, window_params = [{transform_indices = @transform_0, window_bounds = array<i64: 10, 64, 2048>}, {pipeline_mode = #tpu.pipeline_mode<synchronous>, transform_indices = @transform_1, window_bounds = array<i64: 32, 64, 64>}, {transform_indices = @transform_2, window_bounds = array<i64: 10, 64, 2048>}]} {
    %eq3A = arith.constant 0 : i32
    %eq3A_0 = arith.cmpi eq, %arg0, %eq3A : i32
    %convert_element_type3A = arith.extui %eq3A_0 : i1 to i32
    %cond3A = arith.constant 0 : i32
    %cond3A_1 = arith.cmpi ne, %convert_element_type3A, %cond3A : i32
    scf.if %cond3A_1 {
      %get3A_12 = arith.constant 0 : index
      %get3A_13 = arith.constant 0 : index
      %get3A_14 = arith.constant 0 : index
      %get3A_15 = vector.load %arg2[%get3A_12, %get3A_13, %get3A_14] : memref<32x64x64xf32, #tpu.memory_space<vmem>>, vector<1x64x64xf32>
      %get3A_16 = vector.shape_cast %get3A_15 : vector<1x64x64xf32> to vector<64x64xf32>
      %swap3A_17 = arith.constant 0 : index
      %swap3A_18 = arith.constant 0 : index
      %swap3A_19 = vector.load %arg4[%swap3A_17, %swap3A_18] : memref<64x2048xf32, #tpu.memory_space<vmem>>, vector<64x64xf32>
      tpu.vector_store %arg4[%swap3A_17, %swap3A_18], %get3A_16 {strides = array<i32>} : memref<64x2048xf32, #tpu.memory_space<vmem>>, vector<64x64xf32>,
      %get3A_20 = arith.constant 1 : index
      %get3A_21 = arith.constant 0 : index
      %get3A_22 = arith.constant 0 : index
      %get3A_23 = vector.load %arg2[%get3A_20, %get3A_21, %get3A_22] : memref<32x64x64xf32, #tpu.memory_space<vmem>>, vector<1x64x64xf32>
      %get3A_24 = vector.shape_cast %get3A_23 : vector<1x64x64xf32> to vector<64x64xf32>
      %swap3A_25 = arith.constant 0 : index
      %swap3A_26 = arith.constant 64 : index
      %swap3A_27 = vector.load %arg4[%swap3A_25, %swap3A_26] : memref<64x2048xf32, #tpu.memory_space<vmem>>, vector<64x64xf32>
      tpu.vector_store %arg4[%swap3A_25, %swap3A_26], %get3A_24 {strides = array<i32>} : memref<64x2048xf32, #tpu.memory_space<vmem>>, vector<64x64xf32>,
      %get3A_28 = arith.constant 2 : index
      %get3A_29 = arith.constant 0 : index
      %get3A_30 = arith.constant 0 : index
      %get3A_31 = vector.load %arg2[%get3A_28, %get3A_29, %get3A_30] : memref<32x64x64xf32, #tpu.memory_space<vmem>>, vector<1x64x64xf32>
      %get3A_32 = vector.shape_cast %get3A_31 : vector<1x64x64xf32> to vector<64x64xf32>
      %swap3A_33 = arith.constant 0 : index
      %swap3A_34 = arith.constant 128 : index
      %swap3A_35 = vector.load %arg4[%swap3A_33, %swap3A_34] : memref<64x2048xf32, #tpu.memory_space<vmem>>, vector<64x64xf32>
      tpu.vector_store %arg4[%swap3A_33, %swap3A_34], %get3A_32 {strides = array<i32>} : memref<64x2048xf32, #tpu.memory_space<vmem>>, vector<64x64xf32>,
      %get3A_36 = arith.constant 3 : index
      %get3A_37 = arith.constant 0 : index
      %get3A_38 = arith.constant 0 : index
      %get3A_39 = vector.load %arg2[%get3A_36, %get3A_37, %get3A_38] : memref<32x64x64xf32, #tpu.memory_space<vmem>>, vector<1x64x64xf32>
      %get3A_40 = vector.shape_cast %get3A_39 : vector<1x64x64xf32> to vector<64x64xf32>
      %swap3A_41 = arith.constant 0 : index
      %swap3A_42 = arith.constant 192 : index
      %swap3A_43 = vector.load %arg4[%swap3A_41, %swap3A_42] : memref<64x2048xf32, #tpu.memory_space<vmem>>, vector<64x64xf32>
      tpu.vector_store %arg4[%swap3A_41, %swap3A_42], %get3A_40 {strides = array<i32>} : memref<64x2048xf32, #tpu.memory_space<vmem>>, vector<64x64xf32>,
      %get3A_44 = arith.constant 4 : index
      %get3A_45 = arith.constant 0 : index
      %get3A_46 = arith.constant 0 : index
      %get3A_47 = vector.load %arg2[%get3A_44, %get3A_45, %get3A_46] : memref<32x64x64xf32, #tpu.memory_space<vmem>>, vector<1x64x64xf32>
      %get3A_48 = vector.shape_cast %get3A_47 : vector<1x64x64xf32> to vector<64x64xf32>
      %swap3A_49 = arith.constant 0 : index
      %swap3A_50 = arith.constant 256 : index
      %swap3A_51 = vector.load %arg4[%swap3A_49, %swap3A_50] : memref<64x2048xf32, #tpu.memory_space<vmem>>, vector<64x64xf32>
      tpu.vector_store %arg4[%swap3A_49, %swap3A_50], %get3A_48 {strides = array<i32>} : memref<64x2048xf32, #tpu.memory_space<vmem>>, vector<64x64xf32>,
      %get3A_52 = arith.constant 5 : index
      %get3A_53 = arith.constant 0 : index
      %get3A_54 = arith.constant 0 : index
      %get3A_55 = vector.load %arg2[%get3A_52, %get3A_53, %get3A_54] : memref<32x64x64xf32, #tpu.memory_space<vmem>>, vector<1x64x64xf32>
      %get3A_56 = vector.shape_cast %get3A_55 : vector<1x64x64xf32> to vector<64x64xf32>
      %swap3A_57 = arith.constant 0 : index
      %swap3A_58 = arith.constant 320 : index
      %swap3A_59 = vector.load %arg4[%swap3A_57, %swap3A_58] : memref<64x2048xf32, #tpu.memory_space<vmem>>, vector<64x64xf32>
      tpu.vector_store %arg4[%swap3A_57, %swap3A_58], %get3A_56 {strides = array<i32>} : memref<64x2048xf32, #tpu.memory_space<vmem>>, vector<64x64xf32>,
      %get3A_60 = arith.constant 6 : index
      %get3A_61 = arith.constant 0 : index
      %get3A_62 = arith.constant 0 : index
      %get3A_63 = vector.load %arg2[%get3A_60, %get3A_61, %get3A_62] : memref<32x64x64xf32, #tpu.memory_space<vmem>>, vector<1x64x64xf32>
      %get3A_64 = vector.shape_cast %get3A_63 : vector<1x64x64xf32> to vector<64x64xf32>
      %swap3A_65 = arith.constant 0 : index
      %swap3A_66 = arith.constant 384 : index
      %swap3A_67 = vector.load %arg4[%swap3A_65, %swap3A_66] : memref<64x2048xf32, #tpu.memory_space<vmem>>, vector<64x64xf32>
      tpu.vector_store %arg4[%swap3A_65, %swap3A_66], %get3A_64 {strides = array<i32>} : memref<64x2048xf32, #tpu.memory_space<vmem>>, vector<64x64xf32>,
      %get3A_68 = arith.constant 7 : index
      %get3A_69 = arith.constant 0 : index
      %get3A_70 = arith.constant 0 : index
      %get3A_71 = vector.load %arg2[%get3A_68, %get3A_69, %get3A_70] : memref<32x64x64xf32, #tpu.memory_space<vmem>>, vector<1x64x64xf32>
      %get3A_72 = vector.shape_cast %get3A_71 : vector<1x64x64xf32> to vector<64x64xf32>
      %swap3A_73 = arith.constant 0 : index
      %swap3A_74 = arith.constant 448 : index
      %swap3A_75 = vector.load %arg4[%swap3A_73, %swap3A_74] : memref<64x2048xf32, #tpu.memory_space<vmem>>, vector<64x64xf32>
      tpu.vector_store %arg4[%swap3A_73, %swap3A_74], %get3A_72 {strides = array<i32>} : memref<64x2048xf32, #tpu.memory_space<vmem>>, vector<64x64xf32>,
      %get3A_76 = arith.constant 8 : index
      %get3A_77 = arith.constant 0 : index
      %get3A_78 = arith.constant 0 : index
      %get3A_79 = vector.load %arg2[%get3A_76, %get3A_77, %get3A_78] : memref<32x64x64xf32, #tpu.memory_space<vmem>>, vector<1x64x64xf32>
      %get3A_80 = vector.shape_cast %get3A_79 : vector<1x64x64xf32> to vector<64x64xf32>
      %swap3A_81 = arith.constant 0 : index
      %swap3A_82 = arith.constant 512 : index
      %swap3A_83 = vector.load %arg4[%swap3A_81, %swap3A_82] : memref<64x2048xf32, #tpu.memory_space<vmem>>, vector<64x64xf32>
      tpu.vector_store %arg4[%swap3A_81, %swap3A_82], %get3A_80 {strides = array<i32>} : memref<64x2048xf32, #tpu.memory_space<vmem>>, vector<64x64xf32>,
      %get3A_84 = arith.constant 9 : index
      %get3A_85 = arith.constant 0 : index
      %get3A_86 = arith.constant 0 : index
      %get3A_87 = vector.load %arg2[%get3A_84, %get3A_85, %get3A_86] : memref<32x64x64xf32, #tpu.memory_space<vmem>>, vector<1x64x64xf32>
      %get3A_88 = vector.shape_cast %get3A_87 : vector<1x64x64xf32> to vector<64x64xf32>
      %swap3A_89 = arith.constant 0 : index
      %swap3A_90 = arith.constant 576 : index
      %swap3A_91 = vector.load %arg4[%swap3A_89, %swap3A_90] : memref<64x2048xf32, #tpu.memory_space<vmem>>, vector<64x64xf32>
      tpu.vector_store %arg4[%swap3A_89, %swap3A_90], %get3A_88 {strides = array<i32>} : memref<64x2048xf32, #tpu.memory_space<vmem>>, vector<64x64xf32>,
      %get3A_92 = arith.constant 10 : index
      %get3A_93 = arith.constant 0 : index
      %get3A_94 = arith.constant 0 : index
      %get3A_95 = vector.load %arg2[%get3A_92, %get3A_93, %get3A_94] : memref<32x64x64xf32, #tpu.memory_space<vmem>>, vector<1x64x64xf32>
      %get3A_96 = vector.shape_cast %get3A_95 : vector<1x64x64xf32> to vector<64x64xf32>
      %swap3A_97 = arith.constant 0 : index
      %swap3A_98 = arith.constant 640 : index
      %swap3A_99 = vector.load %arg4[%swap3A_97, %swap3A_98] : memref<64x2048xf32, #tpu.memory_space<vmem>>, vector<64x64xf32>
      tpu.vector_store %arg4[%swap3A_97, %swap3A_98], %get3A_96 {strides = array<i32>} : memref<64x2048xf32, #tpu.memory_space<vmem>>, vector<64x64xf32>,
      %get3A_100 = arith.constant 11 : index
      %get3A_101 = arith.constant 0 : index
      %get3A_102 = arith.constant 0 : index
      %get3A_103 = vector.load %arg2[%get3A_100, %get3A_101, %get3A_102] : memref<32x64x64xf32, #tpu.memory_space<vmem>>, vector<1x64x64xf32>
      %get3A_104 = vector.shape_cast %get3A_103 : vector<1x64x64xf32> to vector<64x64xf32>
      %swap3A_105 = arith.constant 0 : index
      %swap3A_106 = arith.constant 704 : index
      %swap3A_107 = vector.load %arg4[%swap3A_105, %swap3A_106] : memref<64x2048xf32, #tpu.memory_space<vmem>>, vector<64x64xf32>
      tpu.vector_store %arg4[%swap3A_105, %swap3A_106], %get3A_104 {strides = array<i32>} : memref<64x2048xf32, #tpu.memory_space<vmem>>, vector<64x64xf32>,
      %get3A_108 = arith.constant 12 : index
      %get3A_109 = arith.constant 0 : index
      %get3A_110 = arith.constant 0 : index
      %get3A_111 = vector.load %arg2[%get3A_108, %get3A_109, %get3A_110] : memref<32x64x64xf32, #tpu.memory_space<vmem>>, vector<1x64x64xf32>
      %get3A_112 = vector.shape_cast %get3A_111 : vector<1x64x64xf32> to vector<64x64xf32>
      %swap3A_113 = arith.constant 0 : index
      %swap3A_114 = arith.constant 768 : index
      %swap3A_115 = vector.load %arg4[%swap3A_113, %swap3A_114] : memref<64x2048xf32, #tpu.memory_space<vmem>>, vector<64x64xf32>
      tpu.vector_store %arg4[%swap3A_113, %swap3A_114], %get3A_112 {strides = array<i32>} : memref<64x2048xf32, #tpu.memory_space<vmem>>, vector<64x64xf32>,
      %get3A_116 = arith.constant 13 : index
      %get3A_117 = arith.constant 0 : index
      %get3A_118 = arith.constant 0 : index
      %get3A_119 = vector.load %arg2[%get3A_116, %get3A_117, %get3A_118] : memref<32x64x64xf32, #tpu.memory_space<vmem>>, vector<1x64x64xf32>
      %get3A_120 = vector.shape_cast %get3A_119 : vector<1x64x64xf32> to vector<64x64xf32>
      %swap3A_121 = arith.constant 0 : index
      %swap3A_122 = arith.constant 832 : index
      %swap3A_123 = vector.load %arg4[%swap3A_121, %swap3A_122] : memref<64x2048xf32, #tpu.memory_space<vmem>>, vector<64x64xf32>
      tpu.vector_store %arg4[%swap3A_121, %swap3A_122], %get3A_120 {strides = array<i32>} : memref<64x2048xf32, #tpu.memory_space<vmem>>, vector<64x64xf32>,
      %get3A_124 = arith.constant 14 : index
      %get3A_125 = arith.constant 0 : index
      %get3A_126 = arith.constant 0 : index
      %get3A_127 = vector.load %arg2[%get3A_124, %get3A_125, %get3A_126] : memref<32x64x64xf32, #tpu.memory_space<vmem>>, vector<1x64x64xf32>
      %get3A_128 = vector.shape_cast %get3A_127 : vector<1x64x64xf32> to vector<64x64xf32>
      %swap3A_129 = arith.constant 0 : index
      %swap3A_130 = arith.constant 896 : index
      %swap3A_131 = vector.load %arg4[%swap3A_129, %swap3A_130] : memref<64x2048xf32, #tpu.memory_space<vmem>>, vector<64x64xf32>
      tpu.vector_store %arg4[%swap3A_129, %swap3A_130], %get3A_128 {strides = array<i32>} : memref<64x2048xf32, #tpu.memory_space<vmem>>, vector<64x64xf32>,
      %get3A_132 = arith.constant 15 : index
      %get3A_133 = arith.constant 0 : index
      %get3A_134 = arith.constant 0 : index
      %get3A_135 = vector.load %arg2[%get3A_132, %get3A_133, %get3A_134] : memref<32x64x64xf32, #tpu.memory_space<vmem>>, vector<1x64x64xf32>
      %get3A_136 = vector.shape_cast %get3A_135 : vector<1x64x64xf32> to vector<64x64xf32>
      %swap3A_137 = arith.constant 0 : index
      %swap3A_138 = arith.constant 960 : index
      %swap3A_139 = vector.load %arg4[%swap3A_137, %swap3A_138] : memref<64x2048xf32, #tpu.memory_space<vmem>>, vector<64x64xf32>
      tpu.vector_store %arg4[%swap3A_137, %swap3A_138], %get3A_136 {strides = array<i32>} : memref<64x2048xf32, #tpu.memory_space<vmem>>, vector<64x64xf32>,
      %get3A_140 = arith.constant 16 : index
      %get3A_141 = arith.constant 0 : index
      %get3A_142 = arith.constant 0 : index
      %get3A_143 = vector.load %arg2[%get3A_140, %get3A_141, %get3A_142] : memref<32x64x64xf32, #tpu.memory_space<vmem>>, vector<1x64x64xf32>
      %get3A_144 = vector.shape_cast %get3A_143 : vector<1x64x64xf32> to vector<64x64xf32>
      %swap3A_145 = arith.constant 0 : index
      %swap3A_146 = arith.constant 1024 : index
      %swap3A_147 = vector.load %arg4[%swap3A_145, %swap3A_146] : memref<64x2048xf32, #tpu.memory_space<vmem>>, vector<64x64xf32>
      tpu.vector_store %arg4[%swap3A_145, %swap3A_146], %get3A_144 {strides = array<i32>} : memref<64x2048xf32, #tpu.memory_space<vmem>>, vector<64x64xf32>,
      %get3A_148 = arith.constant 17 : index
      %get3A_149 = arith.constant 0 : index
      %get3A_150 = arith.constant 0 : index
      %get3A_151 = vector.load %arg2[%get3A_148, %get3A_149, %get3A_150] : memref<32x64x64xf32, #tpu.memory_space<vmem>>, vector<1x64x64xf32>
      %get3A_152 = vector.shape_cast %get3A_151 : vector<1x64x64xf32> to vector<64x64xf32>
      %swap3A_153 = arith.constant 0 : index
      %swap3A_154 = arith.constant 1088 : index
      %swap3A_155 = vector.load %arg4[%swap3A_153, %swap3A_154] : memref<64x2048xf32, #tpu.memory_space<vmem>>, vector<64x64xf32>
      tpu.vector_store %arg4[%swap3A_153, %swap3A_154], %get3A_152 {strides = array<i32>} : memref<64x2048xf32, #tpu.memory_space<vmem>>, vector<64x64xf32>,
      %get3A_156 = arith.constant 18 : index
      %get3A_157 = arith.constant 0 : index
      %get3A_158 = arith.constant 0 : index
      %get3A_159 = vector.load %arg2[%get3A_156, %get3A_157, %get3A_158] : memref<32x64x64xf32, #tpu.memory_space<vmem>>, vector<1x64x64xf32>
      %get3A_160 = vector.shape_cast %get3A_159 : vector<1x64x64xf32> to vector<64x64xf32>
      %swap3A_161 = arith.constant 0 : index
      %swap3A_162 = arith.constant 1152 : index
      %swap3A_163 = vector.load %arg4[%swap3A_161, %swap3A_162] : memref<64x2048xf32, #tpu.memory_space<vmem>>, vector<64x64xf32>
      tpu.vector_store %arg4[%swap3A_161, %swap3A_162], %get3A_160 {strides = array<i32>} : memref<64x2048xf32, #tpu.memory_space<vmem>>, vector<64x64xf32>,
      %get3A_164 = arith.constant 19 : index
      %get3A_165 = arith.constant 0 : index
      %get3A_166 = arith.constant 0 : index
      %get3A_167 = vector.load %arg2[%get3A_164, %get3A_165, %get3A_166] : memref<32x64x64xf32, #tpu.memory_space<vmem>>, vector<1x64x64xf32>
      %get3A_168 = vector.shape_cast %get3A_167 : vector<1x64x64xf32> to vector<64x64xf32>
      %swap3A_169 = arith.constant 0 : index
      %swap3A_170 = arith.constant 1216 : index
      %swap3A_171 = vector.load %arg4[%swap3A_169, %swap3A_170] : memref<64x2048xf32, #tpu.memory_space<vmem>>, vector<64x64xf32>
      tpu.vector_store %arg4[%swap3A_169, %swap3A_170], %get3A_168 {strides = array<i32>} : memref<64x2048xf32, #tpu.memory_space<vmem>>, vector<64x64xf32>,
      %get3A_172 = arith.constant 20 : index
      %get3A_173 = arith.constant 0 : index
      %get3A_174 = arith.constant 0 : index
      %get3A_175 = vector.load %arg2[%get3A_172, %get3A_173, %get3A_174] : memref<32x64x64xf32, #tpu.memory_space<vmem>>, vector<1x64x64xf32>
      %get3A_176 = vector.shape_cast %get3A_175 : vector<1x64x64xf32> to vector<64x64xf32>
      %swap3A_177 = arith.constant 0 : index
      %swap3A_178 = arith.constant 1280 : index
      %swap3A_179 = vector.load %arg4[%swap3A_177, %swap3A_178] : memref<64x2048xf32, #tpu.memory_space<vmem>>, vector<64x64xf32>
      tpu.vector_store %arg4[%swap3A_177, %swap3A_178], %get3A_176 {strides = array<i32>} : memref<64x2048xf32, #tpu.memory_space<vmem>>, vector<64x64xf32>,
      %get3A_180 = arith.constant 21 : index
      %get3A_181 = arith.constant 0 : index
      %get3A_182 = arith.constant 0 : index
      %get3A_183 = vector.load %arg2[%get3A_180, %get3A_181, %get3A_182] : memref<32x64x64xf32, #tpu.memory_space<vmem>>, vector<1x64x64xf32>
      %get3A_184 = vector.shape_cast %get3A_183 : vector<1x64x64xf32> to vector<64x64xf32>
      %swap3A_185 = arith.constant 0 : index
      %swap3A_186 = arith.constant 1344 : index
      %swap3A_187 = vector.load %arg4[%swap3A_185, %swap3A_186] : memref<64x2048xf32, #tpu.memory_space<vmem>>, vector<64x64xf32>
      tpu.vector_store %arg4[%swap3A_185, %swap3A_186], %get3A_184 {strides = array<i32>} : memref<64x2048xf32, #tpu.memory_space<vmem>>, vector<64x64xf32>,
      %get3A_188 = arith.constant 22 : index
      %get3A_189 = arith.constant 0 : index
      %get3A_190 = arith.constant 0 : index
      %get3A_191 = vector.load %arg2[%get3A_188, %get3A_189, %get3A_190] : memref<32x64x64xf32, #tpu.memory_space<vmem>>, vector<1x64x64xf32>
      %get3A_192 = vector.shape_cast %get3A_191 : vector<1x64x64xf32> to vector<64x64xf32>
      %swap3A_193 = arith.constant 0 : index
      %swap3A_194 = arith.constant 1408 : index
      %swap3A_195 = vector.load %arg4[%swap3A_193, %swap3A_194] : memref<64x2048xf32, #tpu.memory_space<vmem>>, vector<64x64xf32>
      tpu.vector_store %arg4[%swap3A_193, %swap3A_194], %get3A_192 {strides = array<i32>} : memref<64x2048xf32, #tpu.memory_space<vmem>>, vector<64x64xf32>,
      %get3A_196 = arith.constant 23 : index
      %get3A_197 = arith.constant 0 : index
      %get3A_198 = arith.constant 0 : index
      %get3A_199 = vector.load %arg2[%get3A_196, %get3A_197, %get3A_198] : memref<32x64x64xf32, #tpu.memory_space<vmem>>, vector<1x64x64xf32>
      %get3A_200 = vector.shape_cast %get3A_199 : vector<1x64x64xf32> to vector<64x64xf32>
      %swap3A_201 = arith.constant 0 : index
      %swap3A_202 = arith.constant 1472 : index
      %swap3A_203 = vector.load %arg4[%swap3A_201, %swap3A_202] : memref<64x2048xf32, #tpu.memory_space<vmem>>, vector<64x64xf32>
      tpu.vector_store %arg4[%swap3A_201, %swap3A_202], %get3A_200 {strides = array<i32>} : memref<64x2048xf32, #tpu.memory_space<vmem>>, vector<64x64xf32>,
      %get3A_204 = arith.constant 24 : index
      %get3A_205 = arith.constant 0 : index
      %get3A_206 = arith.constant 0 : index
      %get3A_207 = vector.load %arg2[%get3A_204, %get3A_205, %get3A_206] : memref<32x64x64xf32, #tpu.memory_space<vmem>>, vector<1x64x64xf32>
      %get3A_208 = vector.shape_cast %get3A_207 : vector<1x64x64xf32> to vector<64x64xf32>
      %swap3A_209 = arith.constant 0 : index
      %swap3A_210 = arith.constant 1536 : index
      %swap3A_211 = vector.load %arg4[%swap3A_209, %swap3A_210] : memref<64x2048xf32, #tpu.memory_space<vmem>>, vector<64x64xf32>
      tpu.vector_store %arg4[%swap3A_209, %swap3A_210], %get3A_208 {strides = array<i32>} : memref<64x2048xf32, #tpu.memory_space<vmem>>, vector<64x64xf32>,
      %get3A_212 = arith.constant 25 : index
      %get3A_213 = arith.constant 0 : index
      %get3A_214 = arith.constant 0 : index
      %get3A_215 = vector.load %arg2[%get3A_212, %get3A_213, %get3A_214] : memref<32x64x64xf32, #tpu.memory_space<vmem>>, vector<1x64x64xf32>
      %get3A_216 = vector.shape_cast %get3A_215 : vector<1x64x64xf32> to vector<64x64xf32>
      %swap3A_217 = arith.constant 0 : index
      %swap3A_218 = arith.constant 1600 : index
      %swap3A_219 = vector.load %arg4[%swap3A_217, %swap3A_218] : memref<64x2048xf32, #tpu.memory_space<vmem>>, vector<64x64xf32>
      tpu.vector_store %arg4[%swap3A_217, %swap3A_218], %get3A_216 {strides = array<i32>} : memref<64x2048xf32, #tpu.memory_space<vmem>>, vector<64x64xf32>,
      %get3A_220 = arith.constant 26 : index
      %get3A_221 = arith.constant 0 : index
      %get3A_222 = arith.constant 0 : index
      %get3A_223 = vector.load %arg2[%get3A_220, %get3A_221, %get3A_222] : memref<32x64x64xf32, #tpu.memory_space<vmem>>, vector<1x64x64xf32>
      %get3A_224 = vector.shape_cast %get3A_223 : vector<1x64x64xf32> to vector<64x64xf32>
      %swap3A_225 = arith.constant 0 : index
      %swap3A_226 = arith.constant 1664 : index
      %swap3A_227 = vector.load %arg4[%swap3A_225, %swap3A_226] : memref<64x2048xf32, #tpu.memory_space<vmem>>, vector<64x64xf32>
      tpu.vector_store %arg4[%swap3A_225, %swap3A_226], %get3A_224 {strides = array<i32>} : memref<64x2048xf32, #tpu.memory_space<vmem>>, vector<64x64xf32>,
      %get3A_228 = arith.constant 27 : index
      %get3A_229 = arith.constant 0 : index
      %get3A_230 = arith.constant 0 : index
      %get3A_231 = vector.load %arg2[%get3A_228, %get3A_229, %get3A_230] : memref<32x64x64xf32, #tpu.memory_space<vmem>>, vector<1x64x64xf32>
      %get3A_232 = vector.shape_cast %get3A_231 : vector<1x64x64xf32> to vector<64x64xf32>
      %swap3A_233 = arith.constant 0 : index
      %swap3A_234 = arith.constant 1728 : index
      %swap3A_235 = vector.load %arg4[%swap3A_233, %swap3A_234] : memref<64x2048xf32, #tpu.memory_space<vmem>>, vector<64x64xf32>
      tpu.vector_store %arg4[%swap3A_233, %swap3A_234], %get3A_232 {strides = array<i32>} : memref<64x2048xf32, #tpu.memory_space<vmem>>, vector<64x64xf32>,
      %get3A_236 = arith.constant 28 : index
      %get3A_237 = arith.constant 0 : index
      %get3A_238 = arith.constant 0 : index
      %get3A_239 = vector.load %arg2[%get3A_236, %get3A_237, %get3A_238] : memref<32x64x64xf32, #tpu.memory_space<vmem>>, vector<1x64x64xf32>
      %get3A_240 = vector.shape_cast %get3A_239 : vector<1x64x64xf32> to vector<64x64xf32>
      %swap3A_241 = arith.constant 0 : index
      %swap3A_242 = arith.constant 1792 : index
      %swap3A_243 = vector.load %arg4[%swap3A_241, %swap3A_242] : memref<64x2048xf32, #tpu.memory_space<vmem>>, vector<64x64xf32>
      tpu.vector_store %arg4[%swap3A_241, %swap3A_242], %get3A_240 {strides = array<i32>} : memref<64x2048xf32, #tpu.memory_space<vmem>>, vector<64x64xf32>,
      %get3A_244 = arith.constant 29 : index
      %get3A_245 = arith.constant 0 : index
      %get3A_246 = arith.constant 0 : index
      %get3A_247 = vector.load %arg2[%get3A_244, %get3A_245, %get3A_246] : memref<32x64x64xf32, #tpu.memory_space<vmem>>, vector<1x64x64xf32>
      %get3A_248 = vector.shape_cast %get3A_247 : vector<1x64x64xf32> to vector<64x64xf32>
      %swap3A_249 = arith.constant 0 : index
      %swap3A_250 = arith.constant 1856 : index
      %swap3A_251 = vector.load %arg4[%swap3A_249, %swap3A_250] : memref<64x2048xf32, #tpu.memory_space<vmem>>, vector<64x64xf32>
      tpu.vector_store %arg4[%swap3A_249, %swap3A_250], %get3A_248 {strides = array<i32>} : memref<64x2048xf32, #tpu.memory_space<vmem>>, vector<64x64xf32>,
      %get3A_252 = arith.constant 30 : index
      %get3A_253 = arith.constant 0 : index
      %get3A_254 = arith.constant 0 : index
      %get3A_255 = vector.load %arg2[%get3A_252, %get3A_253, %get3A_254] : memref<32x64x64xf32, #tpu.memory_space<vmem>>, vector<1x64x64xf32>
      %get3A_256 = vector.shape_cast %get3A_255 : vector<1x64x64xf32> to vector<64x64xf32>
      %swap3A_257 = arith.constant 0 : index
      %swap3A_258 = arith.constant 1920 : index
      %swap3A_259 = vector.load %arg4[%swap3A_257, %swap3A_258] : memref<64x2048xf32, #tpu.memory_space<vmem>>, vector<64x64xf32>
      tpu.vector_store %arg4[%swap3A_257, %swap3A_258], %get3A_256 {strides = array<i32>} : memref<64x2048xf32, #tpu.memory_space<vmem>>, vector<64x64xf32>,
      %get3A_260 = arith.constant 31 : index
      %get3A_261 = arith.constant 0 : index
      %get3A_262 = arith.constant 0 : index
      %get3A_263 = vector.load %arg2[%get3A_260, %get3A_261, %get3A_262] : memref<32x64x64xf32, #tpu.memory_space<vmem>>, vector<1x64x64xf32>
      %get3A_264 = vector.shape_cast %get3A_263 : vector<1x64x64xf32> to vector<64x64xf32>
      %swap3A_265 = arith.constant 0 : index
      %swap3A_266 = arith.constant 1984 : index
      %swap3A_267 = vector.load %arg4[%swap3A_265, %swap3A_266] : memref<64x2048xf32, #tpu.memory_space<vmem>>, vector<64x64xf32>
      tpu.vector_store %arg4[%swap3A_265, %swap3A_266], %get3A_264 {strides = array<i32>} : memref<64x2048xf32, #tpu.memory_space<vmem>>, vector<64x64xf32>,
    } else {
    }
    %get3A = arith.constant 0 : index
    %get3A_2 = arith.constant 0 : index
    %get3A_3 = arith.constant 0 : index
    %get3A_4 = vector.load %arg1[%get3A, %get3A_2, %get3A_3] : memref<10x64x2048xf32, #tpu.memory_space<vmem>>, vector<10x64x2048xf32>
    %get3A_5 = arith.constant 0 : index
    %get3A_6 = arith.constant 0 : index
    %get3A_7 = vector.load %arg4[%get3A_5, %get3A_6] : memref<64x2048xf32, #tpu.memory_space<vmem>>, vector<64x2048xf32>
    %broadcast_in_dim3A = vector.shape_cast %get3A_7 : vector<64x2048xf32> to vector<1x64x2048xf32>
    %add3A = vector.broadcast %broadcast_in_dim3A : vector<1x64x2048xf32> to vector<10x64x2048xf32>
    %add3A_8 = arith.addf %get3A_4, %add3A : vector<10x64x2048xf32>
    %swap3A = arith.constant 0 : index
    %swap3A_9 = arith.constant 0 : index
    %swap3A_10 = arith.constant 0 : index
    %swap3A_11 = vector.load %arg3[%swap3A, %swap3A_9, %swap3A_10] : memref<10x64x2048xf32, #tpu.memory_space<vmem>>, vector<10x64x2048xf32>
    tpu.vector_store %arg3[%swap3A, %swap3A_9, %swap3A_10], %add3A_8 {strides = array<i32>} : memref<10x64x2048xf32, #tpu.memory_space<vmem>>, vector<10x64x2048xf32>,
    return
  }
  func.func @transform_0(%arg0: i32) -> (i32, i32, i32) {
    %c0_i32 = arith.constant 0 : i32
    %c0_i32_0 = arith.constant 0 : i32
    %c0_i32_1 = arith.constant 0 : i32
    return %arg0, %c0_i32, %c0_i32_0 : i32, i32, i32
  }
  func.func @transform_1(%arg0: i32) -> (i32, i32, i32) {
    %c0_i32 = arith.constant 0 : i32
    %c0_i32_0 = arith.constant 0 : i32
    %c0_i32_1 = arith.constant 0 : i32
    %c0_i32_2 = arith.constant 0 : i32
    return %c0_i32, %c0_i32_0, %c0_i32_1 : i32, i32, i32
  }
  func.func @transform_2(%arg0: i32) -> (i32, i32, i32) {
    %c0_i32 = arith.constant 0 : i32
    %c0_i32_0 = arith.constant 0 : i32
    %c0_i32_1 = arith.constant 0 : i32
    return %arg0, %c0_i32, %c0_i32_0 : i32, i32, i32
  }
}

</mosaic_0001>

<sc_bundles>
// kernel: kernel.6.cloned.1.call-start
scs
__scs_entry_jumppad:
0x0: {  	(pc) =	sbr.rel $0x88, $3  }
0x1: {  	(tag) =	ssettag $0x0;
	lr =	simm.s32 $0x1  }
0x2: {  	[smem:$0x3F9E] =	sst lr;
	_ =	strace $0xD0000000  }
0x3: {  	_ = 	snop  }
0x4: {  	_ = 	snop  }
0x5: {  	_ = 	snop  }
0x6: {  	_ = 	snop  }
0x7: {  	_ = 	snop  }
__scs_overlays_trampoline_lowered:
0x8: {  	[smem:$0x3FAD] =	sst s0  }
0x9: {  	[smem:$0x3FAE] =	sst s1  }
0xa: {  	[smem:$0x3FAF] =	sst s2  }
0xb: {  	[smem:$0x3FB0] =	sst s3  }
0xc: {  	[smem:$0x3FB1] =	sst s4  }
0xd: {  	[smem:$0x3FB2] =	sst s5  }
0xe: {  	[smem:$0x3FB3] =	sst s6  }
0xf: {  	[smem:$0x3FB4] =	sst s7  }
0x10: {  	[smem:$0x3FB5] =	sst s8  }
0x11: {  	[smem:$0x3FB6] =	sst s9;
	s0 =	simm.s32 @!p0 $0x0  }
0x12: {  	s1 =	sld [smem:$0x3F9C];
	s0 =	simm.s32 @p0 $0x1  }
0x13: {  	[smem:$0x3FB7] =	sst s0;
	s0 =	simm.s32 @!p1 $0x0  }
0x14: {  	s2 =	sld [smem:$0x3F9B];
	s0 =	simm.s32 @p1 $0x1  }
0x15: {  	[smem:$0x3FB8] =	sst s0;
	s0 =	simm.s32 @!p2 $0x0  }
0x16: {  	s3 =	sld [smem:$0x3FDB];
	s0 =	simm.s32 @p2 $0x1  }
0x17: {  	s4 =	simm.s32 $0x1BF5;
	[smem:$0x3FBA] =	sst s0  }
0x18: {  	s0 =	sld [smem:$0x3F9D];
	_ =	swait.ge [sflag:s4], $0x0  }
0x19: {  	s7 =	sld [smem:$0x3F9E]  }
0x1a: {  	s8 =	sadd.s32 $0xFFFFE003, lr  }
0x1b: {  	s9 =	sadd.s32 $0xFFFFFEF7, lr;
	s5 =	simm.s32 $0xFFFFFFFF;
	p2 =	slt.u32 s8, $0xFFFFF086  }
0x1c: {  	p1 =	slt.u32 s9, $0xF7A;
	s5 =	simm.s32 @!p2 $0x0  }
0x1d: {  	s5 =	simm.s32 @p1 $0x1;
	p0 =	seq.s32 s7, s2  }
0x1e: {  	s7 =	smul.u32 @!p0 $0xF7A, s2;
	p2 =	seq.s32 @!p0 s5, $0x0  }
0x1f: {  	s9 =	smul.u32 $0xF7A, s1;
	s8 =	simm.s32 @!p0 $0x1BF5;
	p2 =	por !p2, p0  }
0x20: {  	[sflag:s8] =	ssyncset.s32 @!p0 $0xFFFFF086;
	s6 =	sadd.s32 @!p0 s3, s7;
	s7 =	simm.s32 @!p0 $0x108  }
0x21: {  	s3 =	sadd.s32 s3, s9;
	s6 =	sadd.s32 @!p0 $0x88, s6;
	s7 =	simm.s32 @p2 $0x1082  }
0x22: {  	[simem:s7], [sflag:s8] =	dma.local @!p0 [hbm:s6], $0xF7A  }
0x23: {  	s9 =	sor.u32 $0xD0000000, s2;
	s6 =	simm.s32 $0x108;
	_ =	swait.ge @!p0 [sflag:s8], $0x0  }
0x24: {  	s3 =	sadd.s32 $0x88, s3;
	s6 =	simm.s32 @!p1 $0x1082;
	[sflag:s4] =	ssyncset.s32 $0xFFFFF086  }
0x25: {  	[simem:s6], [sflag:s4] =	dma.local [hbm:s3], $0xF7A  }
0x26: {  	[smem:$0x3F9E] =	sst s1;
	(tag) =	ssettag s2;
	_ =	strace s9  }
0x27: {  	s1 =	sld [smem:$0x3FAE]  }
0x28: {  	s2 =	sld [smem:$0x3FAF]  }
0x29: {  	s4 =	sld [smem:$0x3FB1]  }
0x2a: {  	p0 =	seq.s32 s5, $0x0;
	s5 =	sld [smem:$0x3FB2]  }
0x2b: {  	s6 =	sld [smem:$0x3FB3]  }
0x2c: {  	s7 =	sld [smem:$0x3FB4]  }
0x2d: {  	s3 =	simm.s32 $0x108;
	s8 =	sld [smem:$0x3FB5]  }
0x2e: {  	s3 =	simm.s32 @!p0 $0x1082;
	s9 =	sld [smem:$0x3FB6]  }
0x2f: {  	lr =	sadd.s32 s0, s3;
	s0 =	sld [smem:$0x3FAD]  }
0x30: {  	s3 =	sld [smem:$0x3FB0]  }
0x31: {  	[smem:$0x3FB9] =	sst s10  }
0x32: {  	s10 =	sld [smem:$0x3FB7];
	_ =	sdelay $0x3  }
0x33: {  	p0 =	seq.s32 s10, $0x1;
	s10 =	sld [smem:$0x3FB9];
	_ =	sdelay $0x3  }
0x34: {  	[smem:$0x3FB9] =	sst s10  }
0x35: {  	s10 =	sld [smem:$0x3FB8];
	_ =	sdelay $0x3  }
0x36: {  	p1 =	seq.s32 s10, $0x1;
	s10 =	sld [smem:$0x3FB9];
	_ =	sdelay $0x3  }
0x37: {  	[smem:$0x3FB9] =	sst s10  }
0x38: {  	s10 =	sld [smem:$0x3FBA]  }
0x39: {  	_ = 	snop;
	(pc) =	sbr.ind lr, $3  }
0x3a: {  	_ = 	snop  }
0x3b: {  	_ = 	snop  }
0x3c: {  	p2 =	seq.s32 s10, $0x1;
	s10 =	sld [smem:$0x3FB9]  }
0x3d: {  	_ =	shalt  }
0x3e: {  	_ =	shalt  }
0x3f: {  	_ =	shalt  }
0x40: {  	_ =	shalt  }
0x41: {  	_ =	shalt  }
0x42: {  	_ =	shalt  }
0x43: {  	_ =	shalt  }
0x44: {  	_ =	shalt  }
0x45: {  	_ =	shalt  }
0x46: {  	_ =	shalt  }
0x47: {  	_ =	shalt  }
0x48: {  	_ =	shalt  }
0x49: {  	_ =	shalt  }
0x4a: {  	_ =	shalt  }
0x4b: {  	_ =	shalt  }
0x4c: {  	_ =	shalt  }
0x4d: {  	_ =	shalt  }
0x4e: {  	_ =	shalt  }
0x4f: {  	_ =	shalt  }
0x50: {  	_ =	shalt  }
0x51: {  	_ =	shalt  }
0x52: {  	_ =	shalt  }
0x53: {  	_ =	shalt  }
0x54: {  	_ =	shalt  }
0x55: {  	_ =	shalt  }
0x56: {  	_ =	shalt  }
0x57: {  	_ =	shalt  }
0x58: {  	_ =	shalt  }
0x59: {  	_ =	shalt  }
0x5a: {  	_ =	shalt  }
0x5b: {  	_ =	shalt  }
0x5c: {  	_ =	shalt  }
0x5d: {  	_ =	shalt  }
0x5e: {  	_ =	shalt  }
0x5f: {  	_ =	shalt  }
0x60: {  	_ =	shalt  }
0x61: {  	_ =	shalt  }
0x62: {  	_ =	shalt  }
0x63: {  	_ =	shalt  }
0x64: {  	_ =	shalt  }
0x65: {  	_ =	shalt  }
0x66: {  	_ =	shalt  }
0x67: {  	_ =	shalt  }
0x68: {  	_ =	shalt  }
0x69: {  	_ =	shalt  }
0x6a: {  	_ =	shalt  }
0x6b: {  	_ =	shalt  }
0x6c: {  	_ =	shalt  }
0x6d: {  	_ =	shalt  }
0x6e: {  	_ =	shalt  }
0x6f: {  	_ =	shalt  }
0x70: {  	_ =	shalt  }
0x71: {  	_ =	shalt  }
0x72: {  	_ =	shalt  }
0x73: {  	_ =	shalt  }
0x74: {  	_ =	shalt  }
0x75: {  	_ =	shalt  }
0x76: {  	_ =	shalt  }
0x77: {  	_ =	shalt  }
0x78: {  	_ =	shalt  }
0x79: {  	_ =	shalt  }
0x7a: {  	_ =	shalt  }
0x7b: {  	_ =	shalt  }
0x7c: {  	_ =	shalt  }
0x7d: {  	_ =	shalt  }
0x7e: {  	_ =	shalt  }
0x7f: {  	_ =	shalt  }
0x80: {  	_ =	shalt  }
0x81: {  	_ =	shalt  }
0x82: {  	_ =	shalt  }
0x83: {  	_ =	shalt  }
0x84: {  	_ =	shalt  }
0x85: {  	_ =	shalt  }
0x86: {  	_ =	shalt  }
0x87: {  	_ =	shalt  }
.Lfunc_end0:
.L_simem_size_0:
called_computation_lowered:
.L_overlay_start_0:
0x88: {  	s2 =	sld [smem:$0x3FD9]  }
0x89: {  	s3 =	sld [smem:$0x3FFE];
	_ =	sdelay $0x1  }
0x8a: {  	s1 =	srdreg.scid  }
0x8b: {  	s0 =	sand.u32 $0x1, s1  }
0x8c: {  	s17 =	sshll.u32 s0, $0xA;
	s2 =	sadd.s32 s3, s2  }
0x8d: {  	s2 =	sadd.s32 s2, s17  }
0x8e: {  	[smem:$0x3FC5] =	sst s2  }
0x8f: {  	_ = 	snop  }
0x90: {  	s2 =	sld [smem:$0x3FC7]  }
0x91: {  	s18 =	sld [smem:$0x3FD0];
	(tm) =	ssettm $0x1  }
0x92: {  	s4 =	sld [smem:$0x3FFB];
	_ =	sdelay $0x3  }
0x93: {  	_ =	strace s4  }
0x94: {  	s4 =	sld [smem:$0x3FFC];
	_ =	sdelay $0x3  }
0x95: {  	_ =	strace s4  }
0x96: {  	s4 =	sld [smem:$0x3FFD];
	_ =	sdelay $0x3  }
0x97: {  	_ =	strace s4  }
0x98: {  	_ =	strace $0x8FFFFFFF  }
0x99: {  	s19 =	sld [smem:$0x3FDB];
	_ =	sdelay $0x1  }
0x9a: {  	s5 =	simm.s32 $_scs_section_size  }
0x9b: {  	s6 =	simm.s32 $_size__tile_overlayer_lowered;
	s7 =	simm.s32 $_tile_overlayer_lowered  }
0x9c: {  	s22 =	simm.s32 $0x1BFF;
	s21 =	sshll.u32 s7, $0x1;
	s4 =	sadd.s32 s5, s19  }
0x9d: {  	s8 =	simm.s32 $0x0;
	s20 =	sshll.u32 s6, $0x1;
	s6 =	sadd.s32 s21, s4  }
0x9e: {  	[timem:s8], [sflag:s22] =	dma.local [hbm:s6], s20  }
0x9f: {  	_ =	swait.ge [sflag:s22], s20  }
0xa0: {  	s5 =	ssub.s32 $0x0, s20;
	[sflag:s22] =	ssyncset.done $0x0  }
0xa1: {  	[sflag:s22] =	ssyncadd.s32 s5;
	_ =	sdelay $0x1  }
0xa2: {  	s23 =	simm.s32 $0x1B8B  }
0xa3: {  	_ =	swait.ge [sflag:s23], $0x1  }
0xa4: {  	[sflag:s23] =	ssyncset.done $0x0  }
0xa5: {  	s25 =	simm.s32 $0x1B8E;
	s24 =	sld [smem:$0x3FFE];
	[sflag:s23] =	ssyncadd.s32 $0xFFFFFFFF  }
0xa6: {  	s26 =	simm.s32 $execute0_lowered;
	[smem:$0x3FD2] =	sst s25  }
0xa7: {  	s6 =	sshll.u32 s26, $0x1;
	_ =	strace $0x80000046;
	[dreg:$0x1] =	wrdreg $0xFFFFFFFF  }
0xa8: {  	s28 =	simm.s32 $_size_execute0_lowered;
	s4 =	sadd.s32 s4, s6;
	[dreg:$0x0] =	wrdreg $0x0  }
0xa9: {  	s6 =	sshll.u32 s28, $0x1;
	[dreg:$0x2] =	wrdreg s4  }
0xaa: {  	[dreg:$0x3] =	wrdreg s6  }
0xab: {  	[dreg:$0x4] =	wrdreg $0xC0  }
0xac: {  	_ =	task [dreg:s8], $0x5FFFF  }
0xad: {  	[dreg:$0x1] =	wrdreg $0xFFFFFFFF  }
0xae: {  	[dreg:$0x0] =	wrdreg $0x60  }
0xaf: {  	[dreg:$0x2] =	wrdreg s2  }
0xb0: {  	[dreg:$0x3] =	wrdreg s24  }
0xb1: {  	[dreg:$0x4] =	wrdreg s18  }
0xb2: {  	[dreg:$0x5] =	wrdreg $0x9  }
0xb3: {  	_ =	task.clear_ibuf [dreg:s8], $0x6FFFF;
	_ =	strace $0x90000046  }
0xb4: {  	s29 =	simm.s32 $0x9;
	_ =	strace $0x80000048  }
0xb5: {  	_ =	swait.ge [sflag:s29], $0x1  }
0xb6: {  	[sflag:s29] =	ssyncadd.s32 $0xFFFFFFFF  }
0xb7: {  	_ =	strace $0x90000048  }
0xb8: {  	_ =	sfence  }
0xb9: {  	s30 =	sld [smem:$0x0];
	_ =	sdelay $0x2  }
0xba: {  	s31 =	sshll.u32 s1, $0xD;
	s1 =	sshrl.u32 s1, $0x2  }
0xbb: {  	s3 =	sand.u32 $0x4000, s31;
	s1 =	sadd.s32 s1, s30  }
0xbc: {  	s0 =	sor.u32 s3, s0;
	s1 =	sshll.u32 s1, $0x11  }
0xbd: {  	s0 =	sor.u32 s1, s0  }
0xbe: {  	s0 =	sadd.s32 $0x8F2B, s0  }
0xbf: {  	[sflag:s0] =	ssyncadd.remote.s32 $0x1  }
0xc0: {  	_ =	sfence.sel $0xFFFF  }
0xc1: {  	[dreg:$0x0] =	wrdreg $0xFFFFFFFF;
	(pc) =	sbr.abs _section_cstart, $3  }
0xc2: {  	[dreg:$0x1] =	wrdreg $0xFFFFFFFF  }
0xc3: {  	_ =	task.clear_ibuf [dreg:s8], $0x2FFFF;
	_ =	strace $0x9FFFFFFF  }
0xc4: {  	(tm) =	ssettm $0x7FFFFFFF  }
0xc5: {  	_ =	shalt  }
tec
execute0_lowered:
.L_overlay_start_1:
0x0: {  	(tag) =	ssettag $0x1  }
0x1: {  	s1 =	rddreg [dreg:$0x0]  }
0x2: {  	s0 =	rddreg [dreg:$0x1]  }
0x3: {  	s2 =	rddreg [dreg:$0x2]  }
0x4: {  	s4 =	srdreg.scid;
	s5 =	stileid.u32  }
0x5: {  	s3 =	simm.s32 $0x0;
	s7 =	simm.s32 $0xD;
	s8 =	simm.s32 $0x400  }
0x6: {  	s9 =	simm.s32 $0x7A1400;
	s12 =	simm.s32 $0x4080;
	s13 =	simm.s32 $0x6080  }
0x7: {  	s14 =	simm.s32 $0x8080;
	s15 =	simm.s32 $0xA080;
	s16 =	simm.s32 $0xC080  }
0x8: {  	s17 =	simm.s32 $0xE080;
	s18 =	simm.s32 $0x10080;
	s19 =	simm.s32 $0x12080  }
0x9: {  	s20 =	simm.s32 $0x14080;
	s21 =	simm.s32 $0x16080;
	s22 =	simm.s32 $0x18080  }
0xa: {  	s23 =	simm.s32 $0x0;
	s4 =	sand.u32 $0x1, s4;
	s5 =	sshll.u32 s5, $0x1  }
0xb: {  	v0 =	vlaneseq.u32;
	[smem:$0x7FF] =	sst s3;
	s5 =	sor.u32 s4, s5;
	s4 =	ssub.s32 $0x2, s4  }
0xc: {  	v0 =	vmul.u32 $0x80, v0;
	_ =	strace $0x80000047;
	s6 =	sshll.u32 s5, $0x3;
	s31 =	sshrl.u32 s4, $0x1  }
0xd: {  	s5 =	sshll.u32 s5, $0xA;
	s0 =	sadd.s32 s6, s0;
	s6 =	ssub.s32 s4, s31  }
0xe: {  	v1 =	vor.u32 $0x800, v0;
	v2 =	vor.u32 $0x1000, v0;
	v3 =	vor.u32 $0x1800, v0;
	s5 =	sadd.s32 s2, s5;
	s4 =	sadd.s32 $0xE00, s0;
	s6 =	smax.u32 s6, $0x1  }
.LBB2_1:
0xf: {  	[tilespmem:s3], [sflag:$0xD] =	stream.linear.gather [hbm4b:s4+s3], $0x40, $0x38;
	[tilespmem:$0x1A080] =	vst v63  }
0x10: {  	_ =	swait.ge [sflag:s7], $0x40  }
0x11: {  	[sflag:s7] =	ssyncset.done $0x0  }
0x12: {  	[sflag:s7] =	ssyncadd.s32 $0xFFFFFFC0  }
0x13: {  	v4 =	vld [tilespmem:$0x0];
	_ =	sdelay $0x4  }
0x14: {  	(v2sf) =	vpush v4, $0x0;
	_ =	sdelay $0xe  }
0x15: {  	s0 =	spop (v2sf)  }
0x16: {  	s2 =	sand.u32 $0x7F, s0  }
0x17: {  	s24 =	sshra.s32 s0, $0x1F;
	p0 =	slt.s32 s0, $0x1;
	p1 =	sne.s32 s2, $0x0  }
0x18: {  	s26 =	sshrl.u32 s24, $0x19;
	p0 =	por !p0, !p1  }
0x19: {  	s2 =	simm.s32 $0x1;
	s0 =	sadd.s32 s26, s0;
	p0 =	por !p0, !p0  }
0x1a: {  	s0 =	sshrl.u32 s0, $0x7;
	s2 =	simm.s32 @!p0 $0x0  }
0x1b: {  	s0 =	ssub.s32 s0, s2  }
0x1c: {  	s0 =	sshll.u32 s0, $0x7  }
0x1d: {  	s0 =	sand.u32 $0x1FFFFF80, s0  }
0x1e: {  	s10 =	simm.s32 $0x80;
	s0 =	sadd.s32 s1, s0  }
0x1f: {  	[tilespmem:s10], [sflag:$0x1] =	stream.strided.gather [hbm4b:s0+s8], $0x2000, s9, s8, $0x38;
	[tilespmem:$0x1A080] =	vst v63  }
0x20: {  	v4 =	vld [tilespmem:$0x1];
	_ =	sdelay $0x4  }
0x21: {  	(v2sf) =	vpush v4, $0x0;
	_ =	sdelay $0xe  }
0x22: {  	s11 =	spop (v2sf)  }
0x23: {  	s24 =	sand.u32 $0x7F, s11  }
0x24: {  	s25 =	sshra.s32 s11, $0x1F;
	p3 =	slt.s32 s11, $0x1;
	p4 =	sne.s32 s24, $0x0  }
0x25: {  	s26 =	sshrl.u32 s25, $0x19;
	p0 =	por !p3, !p4  }
0x26: {  	s2 =	simm.s32 $0x1;
	s0 =	sadd.s32 s26, s11;
	p0 =	por !p0, !p0  }
0x27: {  	s0 =	sshrl.u32 s0, $0x7;
	s2 =	simm.s32 @!p0 $0x0  }
0x28: {  	s0 =	ssub.s32 s0, s2  }
0x29: {  	s0 =	sshll.u32 s0, $0x7  }
0x2a: {  	s0 =	sand.u32 $0x1FFFFF80, s0  }
0x2b: {  	s10 =	simm.s32 $0x2080;
	s0 =	sadd.s32 s1, s0  }
0x2c: {  	[tilespmem:s10], [sflag:$0x2] =	stream.strided.gather [hbm4b:s0+s8], $0x2000, s9, s8, $0x38;
	[tilespmem:$0x1A080] =	vst v63  }
0x2d: {  	v4 =	vld [tilespmem:$0x2];
	_ =	sdelay $0x4  }
0x2e: {  	(v2sf) =	vpush v4, $0x0;
	_ =	sdelay $0xe  }
0x2f: {  	s11 =	spop (v2sf)  }
0x30: {  	s25 =	sand.u32 $0x7F, s11  }
0x31: {  	s26 =	sshra.s32 s11, $0x1F;
	p5 =	slt.s32 s11, $0x1;
	p6 =	sne.s32 s25, $0x0  }
0x32: {  	s10 =	sshrl.u32 s26, $0x19;
	p0 =	por !p5, !p6  }
0x33: {  	s2 =	simm.s32 $0x1;
	s0 =	sadd.s32 s10, s11;
	p0 =	por !p0, !p0  }
0x34: {  	s0 =	sshrl.u32 s0, $0x7;
	s2 =	simm.s32 @!p0 $0x0  }
0x35: {  	s0 =	ssub.s32 s0, s2  }
0x36: {  	s0 =	sshll.u32 s0, $0x7  }
0x37: {  	s0 =	sand.u32 $0x1FFFFF80, s0  }
0x38: {  	s0 =	sadd.s32 s1, s0  }
0x39: {  	[tilespmem:s12], [sflag:$0x3] =	stream.strided.gather [hbm4b:s0+s8], $0x2000, s9, s8, $0x38;
	[tilespmem:$0x1A080] =	vst v63  }
0x3a: {  	v4 =	vld [tilespmem:$0x3];
	_ =	sdelay $0x4  }
0x3b: {  	(v2sf) =	vpush v4, $0x0;
	_ =	sdelay $0xe  }
0x3c: {  	s11 =	spop (v2sf)  }
0x3d: {  	s25 =	sand.u32 $0x7F, s11  }
0x3e: {  	s26 =	sshra.s32 s11, $0x1F;
	p1 =	slt.s32 s11, $0x1;
	p2 =	sne.s32 s25, $0x0  }
0x3f: {  	s10 =	sshrl.u32 s26, $0x19;
	p0 =	por !p1, !p2  }
0x40: {  	s2 =	simm.s32 $0x1;
	s0 =	sadd.s32 s10, s11;
	p0 =	por !p0, !p0  }
0x41: {  	s0 =	sshrl.u32 s0, $0x7;
	s2 =	simm.s32 @!p0 $0x0  }
0x42: {  	s0 =	ssub.s32 s0, s2  }
0x43: {  	s0 =	sshll.u32 s0, $0x7  }
0x44: {  	s0 =	sand.u32 $0x1FFFFF80, s0  }
0x45: {  	s0 =	sadd.s32 s1, s0  }
0x46: {  	[tilespmem:s13], [sflag:$0x4] =	stream.strided.gather [hbm4b:s0+s8], $0x2000, s9, s8, $0x38;
	[tilespmem:$0x1A080] =	vst v63  }
0x47: {  	v4 =	vld [tilespmem:$0x4];
	_ =	sdelay $0x4  }
0x48: {  	(v2sf) =	vpush v4, $0x0;
	_ =	sdelay $0xe  }
0x49: {  	s11 =	spop (v2sf)  }
0x4a: {  	s25 =	sand.u32 $0x7F, s11  }
0x4b: {  	s26 =	sshra.s32 s11, $0x1F;
	p3 =	slt.s32 s11, $0x1;
	p4 =	sne.s32 s25, $0x0  }
0x4c: {  	s10 =	sshrl.u32 s26, $0x19;
	p0 =	por !p3, !p4  }
0x4d: {  	s2 =	simm.s32 $0x1;
	s0 =	sadd.s32 s10, s11;
	p0 =	por !p0, !p0  }
0x4e: {  	s0 =	sshrl.u32 s0, $0x7;
	s2 =	simm.s32 @!p0 $0x0  }
0x4f: {  	s0 =	ssub.s32 s0, s2  }
0x50: {  	s0 =	sshll.u32 s0, $0x7  }
0x51: {  	s0 =	sand.u32 $0x1FFFFF80, s0  }
0x52: {  	s0 =	sadd.s32 s1, s0  }
0x53: {  	[tilespmem:s14], [sflag:$0x5] =	stream.strided.gather [hbm4b:s0+s8], $0x2000, s9, s8, $0x38;
	[tilespmem:$0x1A080] =	vst v63  }
0x54: {  	v4 =	vld [tilespmem:$0x5];
	_ =	sdelay $0x4  }
0x55: {  	(v2sf) =	vpush v4, $0x0;
	_ =	sdelay $0xe  }
0x56: {  	s11 =	spop (v2sf)  }
0x57: {  	s25 =	sand.u32 $0x7F, s11  }
0x58: {  	s26 =	sshra.s32 s11, $0x1F;
	p5 =	slt.s32 s11, $0x1;
	p6 =	sne.s32 s25, $0x0  }
0x59: {  	s10 =	sshrl.u32 s26, $0x19;
	p0 =	por !p5, !p6  }
0x5a: {  	s2 =	simm.s32 $0x1;
	s0 =	sadd.s32 s10, s11;
	p0 =	por !p0, !p0  }
0x5b: {  	s0 =	sshrl.u32 s0, $0x7;
	s2 =	simm.s32 @!p0 $0x0  }
0x5c: {  	s0 =	ssub.s32 s0, s2  }
0x5d: {  	s0 =	sshll.u32 s0, $0x7  }
0x5e: {  	s0 =	sand.u32 $0x1FFFFF80, s0  }
0x5f: {  	s0 =	sadd.s32 s1, s0  }
0x60: {  	[tilespmem:s15], [sflag:$0x6] =	stream.strided.gather [hbm4b:s0+s8], $0x2000, s9, s8, $0x38;
	[tilespmem:$0x1A080] =	vst v63  }
0x61: {  	v4 =	vld [tilespmem:$0x6];
	_ =	sdelay $0x4  }
0x62: {  	(v2sf) =	vpush v4, $0x0;
	_ =	sdelay $0xe  }
0x63: {  	s11 =	spop (v2sf)  }
0x64: {  	s25 =	sand.u32 $0x7F, s11  }
0x65: {  	s26 =	sshra.s32 s11, $0x1F;
	p1 =	slt.s32 s11, $0x1;
	p2 =	sne.s32 s25, $0x0  }
0x66: {  	s10 =	sshrl.u32 s26, $0x19;
	p0 =	por !p1, !p2  }
0x67: {  	s2 =	simm.s32 $0x1;
	s0 =	sadd.s32 s10, s11;
	p0 =	por !p0, !p0  }
0x68: {  	s0 =	sshrl.u32 s0, $0x7;
	s2 =	simm.s32 @!p0 $0x0  }
0x69: {  	s0 =	ssub.s32 s0, s2  }
0x6a: {  	s0 =	sshll.u32 s0, $0x7  }
0x6b: {  	s0 =	sand.u32 $0x1FFFFF80, s0  }
0x6c: {  	s0 =	sadd.s32 s1, s0  }
0x6d: {  	[tilespmem:s16], [sflag:$0x7] =	stream.strided.gather [hbm4b:s0+s8], $0x2000, s9, s8, $0x38;
	[tilespmem:$0x1A080] =	vst v63  }
0x6e: {  	v4 =	vld [tilespmem:$0x7];
	_ =	sdelay $0x4  }
0x6f: {  	(v2sf) =	vpush v4, $0x0;
	_ =	sdelay $0xe  }
0x70: {  	s11 =	spop (v2sf)  }
0x71: {  	s25 =	sand.u32 $0x7F, s11  }
0x72: {  	s26 =	sshra.s32 s11, $0x1F;
	p3 =	slt.s32 s11, $0x1;
	p4 =	sne.s32 s25, $0x0  }
0x73: {  	s10 =	sshrl.u32 s26, $0x19;
	p0 =	por !p3, !p4  }
0x74: {  	s2 =	simm.s32 $0x1;
	s0 =	sadd.s32 s10, s11;
	p0 =	por !p0, !p0  }
0x75: {  	s0 =	sshrl.u32 s0, $0x7;
	s2 =	simm.s32 @!p0 $0x0  }
0x76: {  	s0 =	ssub.s32 s0, s2  }
0x77: {  	s0 =	sshll.u32 s0, $0x7  }
0x78: {  	s0 =	sand.u32 $0x1FFFFF80, s0  }
0x79: {  	s0 =	sadd.s32 s1, s0  }
0x7a: {  	[tilespmem:s17], [sflag:$0x8] =	stream.strided.gather [hbm4b:s0+s8], $0x2000, s9, s8, $0x38;
	[tilespmem:$0x1A080] =	vst v63  }
0x7b: {  	v4 =	vld [tilespmem:$0x8];
	_ =	sdelay $0x4  }
0x7c: {  	(v2sf) =	vpush v4, $0x0;
	_ =	sdelay $0xe  }
0x7d: {  	s11 =	spop (v2sf)  }
0x7e: {  	s25 =	sand.u32 $0x7F, s11  }
0x7f: {  	s26 =	sshra.s32 s11, $0x1F;
	p5 =	slt.s32 s11, $0x1;
	p6 =	sne.s32 s25, $0x0  }
0x80: {  	s10 =	sshrl.u32 s26, $0x19;
	p0 =	por !p5, !p6  }
0x81: {  	s2 =	simm.s32 $0x1;
	s0 =	sadd.s32 s10, s11;
	p0 =	por !p0, !p0  }
0x82: {  	s0 =	sshrl.u32 s0, $0x7;
	s2 =	simm.s32 @!p0 $0x0  }
0x83: {  	s0 =	ssub.s32 s0, s2  }
0x84: {  	s0 =	sshll.u32 s0, $0x7  }
0x85: {  	s0 =	sand.u32 $0x1FFFFF80, s0  }
0x86: {  	s0 =	sadd.s32 s1, s0  }
0x87: {  	[tilespmem:s18], [sflag:$0x9] =	stream.strided.gather [hbm4b:s0+s8], $0x2000, s9, s8, $0x38;
	[tilespmem:$0x1A080] =	vst v63  }
0x88: {  	v4 =	vld [tilespmem:$0x9];
	_ =	sdelay $0x4  }
0x89: {  	(v2sf) =	vpush v4, $0x0;
	_ =	sdelay $0xe  }
0x8a: {  	s11 =	spop (v2sf)  }
0x8b: {  	s25 =	sand.u32 $0x7F, s11  }
0x8c: {  	s26 =	sshra.s32 s11, $0x1F;
	p1 =	slt.s32 s11, $0x1;
	p2 =	sne.s32 s25, $0x0  }
0x8d: {  	s10 =	sshrl.u32 s26, $0x19;
	p0 =	por !p1, !p2  }
0x8e: {  	s2 =	simm.s32 $0x1;
	s0 =	sadd.s32 s10, s11;
	p0 =	por !p0, !p0  }
0x8f: {  	s0 =	sshrl.u32 s0, $0x7;
	s2 =	simm.s32 @!p0 $0x0  }
0x90: {  	s0 =	ssub.s32 s0, s2  }
0x91: {  	s0 =	sshll.u32 s0, $0x7  }
0x92: {  	s0 =	sand.u32 $0x1FFFFF80, s0  }
0x93: {  	s0 =	sadd.s32 s1, s0  }
0x94: {  	[tilespmem:s19], [sflag:$0xA] =	stream.strided.gather [hbm4b:s0+s8], $0x2000, s9, s8, $0x38;
	[tilespmem:$0x1A080] =	vst v63  }
0x95: {  	v4 =	vld [tilespmem:$0xA];
	_ =	sdelay $0x4  }
0x96: {  	(v2sf) =	vpush v4, $0x0;
	_ =	sdelay $0xe  }
0x97: {  	s11 =	spop (v2sf)  }
0x98: {  	s25 =	sand.u32 $0x7F, s11  }
0x99: {  	s26 =	sshra.s32 s11, $0x1F;
	p3 =	slt.s32 s11, $0x1;
	p4 =	sne.s32 s25, $0x0  }
0x9a: {  	s10 =	sshrl.u32 s26, $0x19;
	p0 =	por !p3, !p4  }
0x9b: {  	s2 =	simm.s32 $0x1;
	s0 =	sadd.s32 s10, s11;
	p0 =	por !p0, !p0  }
0x9c: {  	s0 =	sshrl.u32 s0, $0x7;
	s2 =	simm.s32 @!p0 $0x0  }
0x9d: {  	s0 =	ssub.s32 s0, s2  }
0x9e: {  	s0 =	sshll.u32 s0, $0x7  }
0x9f: {  	s0 =	sand.u32 $0x1FFFFF80, s0  }
0xa0: {  	s0 =	sadd.s32 s1, s0  }
0xa1: {  	[tilespmem:s20], [sflag:$0xB] =	stream.strided.gather [hbm4b:s0+s8], $0x2000, s9, s8, $0x38;
	[tilespmem:$0x1A080] =	vst v63  }
0xa2: {  	v4 =	vld [tilespmem:$0xB];
	_ =	sdelay $0x4  }
0xa3: {  	(v2sf) =	vpush v4, $0x0;
	_ =	sdelay $0xe  }
0xa4: {  	s11 =	spop (v2sf)  }
0xa5: {  	s25 =	sand.u32 $0x7F, s11;
	s26 =	sshra.s32 s11, $0x1F  }
0xa6: {  	p5 =	slt.s32 s11, $0x1;
	p6 =	sne.s32 s25, $0x0;
	s10 =	sshrl.u32 s26, $0x19  }
0xa7: {  	p0 =	por !p5, !p6;
	s0 =	sadd.s32 s10, s11;
	s11 =	smul.u32 $0xAB, s3  }
0xa8: {  	s2 =	simm.s32 $0x1;
	p0 =	por !p0, !p0  }
0xa9: {  	s0 =	sshrl.u32 s0, $0x7;
	s2 =	simm.s32 @!p0 $0x0;
	s24 =	sshrl.u32 s11, $0xB  }
0xaa: {  	s0 =	ssub.s32 s0, s2;
	s2 =	sand.u32 $0x1F, s24  }
0xab: {  	s0 =	sshll.u32 s0, $0x7;
	s2 =	smul.u32 $0xC, s2  }
0xac: {  	s0 =	sand.u32 $0x1FFFFF80, s0  }
0xad: {  	s0 =	sadd.s32 s1, s0;
	s25 =	ssub.s32 $0x0, s2  }
0xae: {  	[tilespmem:s21], [sflag:$0xC] =	stream.strided.gather [hbm4b:s0+s8], $0x2000, s9, s8, $0x38;
	[tilespmem:$0x1A080] =	vst v63  }
0xaf: {  	s0 =	sand.u32 $0xFF, s25  }
0xb0: {  	s26 =	sadd.s32 $0x1, s0  }
0xb1: {  	_ =	swait.ge [sflag:s26], $0x2000  }
0xb2: {  	[sflag:s26] =	ssyncset.done $0x0  }
0xb3: {  	s24 =	simm.s32 $0xC;
	[sflag:s26] =	ssyncadd.s32 $0xFFFFE000  }
0xb4: {  	v4 =	vld [tilespmem:s24+$0xFFFFFFF4];
	_ =	sdelay $0x4  }
0xb5: {  	(v2sf) =	vpush v4, $0x0;
	_ =	sdelay $0xe  }
0xb6: {  	s10 =	spop (v2sf)  }
0xb7: {  	s2 =	sand.u32 $0x7F, s10  }
0xb8: {  	v4 =	vor.u32 s2, v0  }
0xb9: {  	v5 =	vmov s3  }
0xba: {  	v5 =	vand.u32 $0x7F, v5  }
0xbb: {  	v5 =	vbroadcast v5, $0x0;
	s0 =	sshll.u32 s0, $0xD  }
0xbc: {  	s0 =	sor.u32 $0x80, s0  }
0xbd: {  	v6 =	vor.u32 v0, v5;
	v4 =	vld.idx.msk [tilespmem:v4+s0+$0x0], $0xffff  }
0xbe: {  	v7 =	vor.u32 s2, v1;
	_ =	sdelay $0x3  }
0xbf: {  	[tilespmem:v6+s22+$0x0] =	vst.idx.msk $0xffff, v4  }
0xc0: {  	v60 =	vor.u32 v1, v5;
	v4 =	vld.idx.msk [tilespmem:v7+s0+$0x0], $0xffff  }
0xc1: {  	v61 =	vor.u32 s2, v2;
	_ =	sdelay $0x3  }
0xc2: {  	[tilespmem:v60+s22+$0x0] =	vst.idx.msk $0xffff, v4  }
0xc3: {  	v62 =	vor.u32 v2, v5;
	v4 =	vld.idx.msk [tilespmem:v61+s0+$0x0], $0xffff  }
0xc4: {  	v63 =	vor.u32 s2, v3;
	_ =	sdelay $0x3  }
0xc5: {  	[tilespmem:v62+s22+$0x0] =	vst.idx.msk $0xffff, v4  }
0xc6: {  	v5 =	vor.u32 v3, v5;
	v4 =	vld.idx.msk [tilespmem:v63+s0+$0x0], $0xffff;
	_ =	sdelay $0x4  }
0xc7: {  	p1 =	por $0x0, $0x0;
	[tilespmem:v5+s22+$0x0] =	vst.idx.msk $0xffff, v4  }
0xc8: {  	v4 =	vld @!p1 [tilespmem:s24+$0x0];
	_ =	sdelay $0x4  }
0xc9: {  	(v2sf) =	vpush @!p1 v4, $0x0;
	_ =	sdelay $0x6  }
0xca: {  	s0 =	simm.s32 @!p1 $0xC  }
0xcb: {  	s0 =	smul.u32 @!p1 $0xAB, s0;
	_ =	sdelay $0x1  }
0xcc: {  	s0 =	sshrl.u32 @!p1 s0, $0xB  }
0xcd: {  	s0 =	sand.u32 @!p1 $0x1F, s0  }
0xce: {  	s0 =	smul.u32 @!p1 $0xC, s0  }
0xcf: {  	s24 =	simm.s32 $0x1  }
0xd0: {  	s0 =	ssub.s32 @!p1 $0xC, s0;
	s30 =	smul.u32 $0xAB, s24  }
0xd1: {  	s0 =	sand.u32 @!p1 $0xFF, s0;
	s2 =	spop @!p1 (v2sf)  }
0xd2: {  	s25 =	sshll.u32 @!p1 s0, $0xD;
	s30 =	sshrl.u32 s30, $0xB;
	s29 =	sand.u32 @!p1 $0x7F, s2  }
0xd3: {  	s11 =	sand.u32 $0x1F, s30;
	p0 =	slt.s32 @!p1 s2, $0x1;
	p2 =	sne.s32 @!p1 s29, $0x0  }
0xd4: {  	s28 =	sshra.s32 @!p1 s2, $0x1F;
	s29 =	sadd.s32 @!p1 $0x1, s0;
	p0 =	por @!p1 !p0, !p2  }
0xd5: {  	s0 =	sshrl.u32 @!p1 s28, $0x19;
	s28 =	simm.s32 @!p1 $0x1;
	p0 =	por @!p1 !p0, !p0  }
0xd6: {  	s0 =	sadd.s32 @!p1 s0, s2;
	s2 =	smul.u32 $0xC, s11;
	p0 =	por !p0, p1  }
0xd7: {  	s31 =	sor.u32 @!p1 $0x80, s25;
	s0 =	sshrl.u32 @!p1 s0, $0x7;
	s28 =	simm.s32 @p0 $0x0  }
0xd8: {  	s25 =	simm.s32 $0xD;
	s2 =	ssub.s32 $0x1, s2;
	s0 =	ssub.s32 @!p1 s0, s28  }
0xd9: {  	s30 =	sand.u32 $0xFF, s2;
	s2 =	simm.s32 @!p1 $0x400;
	s28 =	sshll.u32 @!p1 s0, $0x7  }
0xda: {  	s26 =	simm.s32 $0x2;
	s0 =	simm.s32 @!p1 $0x7A1400;
	s28 =	sand.u32 @!p1 $0x1FFFFF80, s28  }
.LBB2_2:
0xdb: {  	s10 =	sadd.s32 $0x1, s30  }
0xdc: {  	s11 =	sadd.s32 @!p1 s1, s28;
	s28 =	smov.u32 s26;
	s26 =	sadd.s32 $0x1, s26  }
0xdd: {  	[tilespmem:s31], [sflag:s29] =	stream.strided.gather @!p1 [hbm4b:s11+s2], $0x2000, s0, s2, $0x38;
	[tilespmem:$0x1A080] =	vst v63  }
0xde: {  	p0 =	sne.s32 s26, $0x40;
	_ =	swait.ge [sflag:s10], $0x2000  }
0xdf: {  	[sflag:s10] =	ssyncset.done $0x0  }
0xe0: {  	[sflag:s10] =	ssyncadd.s32 $0xFFFFE000  }
0xe1: {  	v4 =	vld [tilespmem:s25+$0xFFFFFFF4];
	_ =	sdelay $0x4  }
0xe2: {  	(v2sf) =	vpush v4, $0x0;
	_ =	sdelay $0xe  }
0xe3: {  	s0 =	spop (v2sf)  }
0xe4: {  	s0 =	sand.u32 $0x7F, s0  }
0xe5: {  	v4 =	vor.u32 s0, v0;
	_ =	sdelay $0x1  }
0xe6: {  	v5 =	vmov s24  }
0xe7: {  	s2 =	sshll.u32 s30, $0xD;
	v5 =	vand.u32 $0x7F, v5  }
0xe8: {  	s2 =	sor.u32 $0x80, s2;
	v5 =	vbroadcast v5, $0x0  }
0xe9: {  	v4 =	vld.idx.msk [tilespmem:v4+s2+$0x0], $0xffff  }
0xea: {  	v6 =	vor.u32 v0, v5  }
0xeb: {  	v7 =	vor.u32 s0, v1;
	_ =	sdelay $0x3  }
0xec: {  	[tilespmem:v6+s22+$0x0] =	vst.idx.msk $0xffff, v4  }
0xed: {  	v4 =	vld.idx.msk [tilespmem:v7+s2+$0x0], $0xffff  }
0xee: {  	v6 =	vor.u32 v1, v5  }
0xef: {  	v7 =	vor.u32 s0, v2;
	_ =	sdelay $0x3  }
0xf0: {  	[tilespmem:v6+s22+$0x0] =	vst.idx.msk $0xffff, v4  }
0xf1: {  	v4 =	vld.idx.msk [tilespmem:v7+s2+$0x0], $0xffff  }
0xf2: {  	v6 =	vor.u32 v2, v5  }
0xf3: {  	v7 =	vor.u32 s0, v3;
	_ =	sdelay $0x3  }
0xf4: {  	[tilespmem:v6+s22+$0x0] =	vst.idx.msk $0xffff, v4  }
0xf5: {  	v4 =	vld.idx.msk [tilespmem:v7+s2+$0x0], $0xffff  }
0xf6: {  	v5 =	vor.u32 v3, v5;
	_ =	sdelay $0x4  }
0xf7: {  	p1 =	sgt.u32 s24, $0x33;
	[tilespmem:v5+s22+$0x0] =	vst.idx.msk $0xffff, v4  }
0xf8: {  	s0 =	sadd.s32 @!p1 $0xC, s24;
	s24 =	smov.u32 s28;
	v4 =	vld @!p1 [tilespmem:s25+$0x0]  }
0xf9: {  	s2 =	smul.u32 @!p1 $0xAB, s0;
	_ =	sdelay $0x1  }
0xfa: {  	s2 =	sshrl.u32 @!p1 s2, $0xB  }
0xfb: {  	s2 =	sand.u32 @!p1 $0x1F, s2  }
0xfc: {  	s2 =	smul.u32 @!p1 $0xC, s2;
	(v2sf) =	vpush @!p1 v4, $0x0;
	_ =	sdelay $0x1  }
0xfd: {  	s0 =	ssub.s32 @!p1 s0, s2  }
0xfe: {  	s0 =	sand.u32 @!p1 $0xFF, s0  }
0xff: {  	s2 =	sshll.u32 @!p1 s0, $0xD;
	s29 =	sadd.s32 @!p1 $0x1, s0  }
0x100: {  	s31 =	sor.u32 @!p1 $0x80, s2;
	_ =	sdelay $0x9  }
0x101: {  	s0 =	spop @!p1 (v2sf)  }
0x102: {  	s2 =	sshra.s32 @!p1 s0, $0x1F;
	s10 =	sand.u32 @!p1 $0x7F, s0  }
0x103: {  	s11 =	smul.u32 $0xAB, s24;
	p2 =	slt.s32 @!p1 s0, $0x1;
	p3 =	sne.s32 @!p1 s10, $0x0  }
0x104: {  	s2 =	sshrl.u32 @!p1 s2, $0x19;
	s10 =	simm.s32 @!p1 $0x1;
	p2 =	por @!p1 !p2, !p3  }
0x105: {  	s11 =	sshrl.u32 s11, $0xB;
	s0 =	sadd.s32 @!p1 s2, s0;
	p2 =	por @!p1 !p2, !p2  }
.Ltmp0:
0x106: {  	s2 =	sand.u32 $0x1F, s11;
	p2 =	por !p2, p1;
	(pc) =	sbr.rel @p0 .LBB2_2-.Ltmp0, $4  }
0x107: {  	s2 =	smul.u32 $0xC, s2;
	s0 =	sshrl.u32 @!p1 s0, $0x7;
	s10 =	simm.s32 @p2 $0x0  }
0x108: {  	s25 =	sadd.s32 $0x1, s25;
	s0 =	ssub.s32 @!p1 s0, s10  }
0x109: {  	s2 =	ssub.s32 s24, s2;
	s10 =	sshll.u32 @!p1 s0, $0x7;
	s0 =	simm.s32 @!p1 $0x7A1400  }
0x10a: {  	s30 =	sand.u32 $0xFF, s2;
	s2 =	simm.s32 @!p1 $0x400;
	s28 =	sand.u32 @!p1 $0x1FFFFF80, s10  }
0x10b: {  	s10 =	sadd.s32 $0x1, s30;
	s11 =	sadd.s32 @!p1 s1, s28  }
0x10c: {  	[tilespmem:s31], [sflag:s29] =	stream.strided.gather @!p1 [hbm4b:s11+s2], $0x2000, s0, s2, $0x38;
	[tilespmem:$0x1A080] =	vst v63  }
0x10d: {  	_ =	swait.ge [sflag:s10], $0x2000  }
0x10e: {  	[sflag:s10] =	ssyncset.done $0x0  }
0x10f: {  	[sflag:s10] =	ssyncadd.s32 $0xFFFFE000  }
0x110: {  	v4 =	vld [tilespmem:s25+$0xFFFFFFF4];
	_ =	sdelay $0x4  }
0x111: {  	(v2sf) =	vpush v4, $0x0;
	_ =	sdelay $0xe  }
0x112: {  	s29 =	spop (v2sf)  }
0x113: {  	s0 =	sand.u32 $0x7F, s29  }
0x114: {  	v4 =	vor.u32 s0, v0  }
0x115: {  	v5 =	vmov s24  }
0x116: {  	v5 =	vand.u32 $0x7F, v5  }
0x117: {  	s31 =	sshll.u32 s30, $0xD;
	v5 =	vbroadcast v5, $0x0  }
0x118: {  	s2 =	sor.u32 $0x80, s31  }
0x119: {  	v6 =	vor.u32 v0, v5;
	v4 =	vld.idx.msk [tilespmem:v4+s2+$0x0], $0xffff  }
0x11a: {  	v7 =	vor.u32 s0, v1;
	_ =	sdelay $0x3  }
0x11b: {  	[tilespmem:v6+s22+$0x0] =	vst.idx.msk $0xffff, v4  }
0x11c: {  	v60 =	vor.u32 v1, v5;
	v4 =	vld.idx.msk [tilespmem:v7+s2+$0x0], $0xffff  }
0x11d: {  	v61 =	vor.u32 s0, v2;
	_ =	sdelay $0x3  }
0x11e: {  	[tilespmem:v60+s22+$0x0] =	vst.idx.msk $0xffff, v4  }
0x11f: {  	v62 =	vor.u32 v2, v5;
	v4 =	vld.idx.msk [tilespmem:v61+s2+$0x0], $0xffff  }
0x120: {  	v63 =	vor.u32 s0, v3;
	_ =	sdelay $0x3  }
0x121: {  	[tilespmem:v62+s22+$0x0] =	vst.idx.msk $0xffff, v4  }
0x122: {  	v5 =	vor.u32 v3, v5;
	v4 =	vld.idx.msk [tilespmem:v63+s2+$0x0], $0xffff;
	_ =	sdelay $0x4  }
0x123: {  	p0 =	sgt.u32 s24, $0x33;
	[tilespmem:v5+s22+$0x0] =	vst.idx.msk $0xffff, v4  }
0x124: {  	v4 =	vld @!p0 [tilespmem:s25+$0x0];
	_ =	sdelay $0x4  }
0x125: {  	(v2sf) =	vpush @!p0 v4, $0x0;
	_ =	sdelay $0xd  }
0x126: {  	s0 =	sadd.s32 @!p0 $0xC, s24  }
0x127: {  	s2 =	smul.u32 @!p0 $0xAB, s0;
	s10 =	spop @!p0 (v2sf)  }
0x128: {  	s11 =	sand.u32 @!p0 $0x7F, s10  }
0x129: {  	s2 =	sshrl.u32 @!p0 s2, $0xB;
	p1 =	slt.s32 @!p0 s10, $0x1;
	p2 =	sne.s32 @!p0 s11, $0x0  }
0x12a: {  	s2 =	sand.u32 @!p0 $0x1F, s2;
	s11 =	sshra.s32 @!p0 s10, $0x1F;
	p1 =	por @!p0 !p1, !p2  }
0x12b: {  	s2 =	smul.u32 @!p0 $0xC, s2;
	s11 =	sshrl.u32 @!p0 s11, $0x19;
	p1 =	por @!p0 !p1, !p1  }
0x12c: {  	s24 =	simm.s32 @!p0 $0x1;
	s10 =	sadd.s32 @!p0 s11, s10;
	p1 =	por !p1, p0  }
0x12d: {  	s0 =	ssub.s32 @!p0 s0, s2;
	s2 =	sshrl.u32 @!p0 s10, $0x7;
	s24 =	simm.s32 @p1 $0x0  }
0x12e: {  	s23 =	sadd.s32 $0x1, s23;
	s2 =	ssub.s32 @!p0 s2, s24  }
0x12f: {  	s0 =	sand.u32 @!p0 $0xFF, s0;
	s11 =	simm.s32 @!p0 $0x7A1400;
	s2 =	sshll.u32 @!p0 s2, $0x7  }
0x130: {  	s10 =	sshll.u32 @!p0 s0, $0xD;
	s0 =	sadd.s32 @!p0 $0x1, s0;
	s2 =	sand.u32 @!p0 $0x1FFFFF80, s2  }
0x131: {  	s10 =	sor.u32 @!p0 $0x80, s10;
	s24 =	simm.s32 @!p0 $0x400;
	s2 =	sadd.s32 @!p0 s1, s2  }
0x132: {  	[tilespmem:s10], [sflag:s0] =	stream.strided.gather @!p0 [hbm4b:s2+s24], $0x2000, s11, s24, $0x38;
	[tilespmem:$0x1A080] =	vst v63  }
0x133: {  	p0 =	sne.s32 s23, s6  }
.Ltmp1:
0x134: {  	_ = 	snop;
	(pc) =	sbr.rel @p0 .LBB2_1-.Ltmp1, $4  }
0x135: {  	[hbm4b:s5+s3] =	stream.linear.scatter [tilespmem:s22], [sflag:$0xD], $0x2000, $0x38;
	[tilespmem:$0x1A080] =	vst v63  }
0x136: {  	_ =	swait.ge [sflag:s7], $0x2000  }
0x137: {  	[sflag:s7] =	ssyncset.done $0x0  }
0x138: {  	[sflag:s7] =	ssyncadd.s32 $0xFFFFE000  }
0x139: {  	_ =	sfence.sel $0x180000  }
0x13a: {  	[bflag:$0x0] =	sbarrier.arrive $0xFFFF  }
0x13b: {  	_ =	strace $0x90000047  }
0x13c: {  	s0 =	stileid.u32;
	[bflag:$0x2] =	sbarrier.arrive $0xFFFF  }
0x13d: {  	p0 =	sne.s32 s0, $0x0;
	s0 =	rddreg [dreg:$0x3]  }
0x13e: {  	s0 =	sadd.s32 @!p0 $0x100000, s0  }
0x13f: {  	[sflag:s0] =	ssyncadd.tile.s32 @!p0 $0x1;
	_ =	shalt  }
.Lfunc_end2:
_tile_overlayer_lowered:
.L_overlay_start_2:
0x140: {  	(tag) =	ssettag $0x2  }
0x141: {  	s0 =	rddreg [dreg:$0x0];
	s2 =	stileid.u32  }
0x142: {  	s1 =	rddreg [dreg:$0x1];
	p0 =	sne.s32 s2, $0x0  }
0x143: {  	s3 =	rddreg [dreg:$0x2];
	[bflag:$0x3] =	sbarrier.arrive $0xFFFF;
	s2 =	simm.s32 @!p0 $0x1C0D  }
0x144: {  	[timem:s3], [sflag:s2] =	dma.local @!p0 [hbm:s0], s1  }
0x145: {  	s0 =	simm.s32 @!p0 $0xD  }
0x146: {  	_ =	swait.ge @!p0 [sflag:s0], s1  }
0x147: {  	s1 =	ssub.s32 @!p0 $0x0, s1;
	[sflag:s0] =	ssyncset.done @!p0 $0x0  }
0x148: {  	[sflag:s0] =	ssyncadd.s32 @!p0 s1  }
0x149: {  	[bflag:$0x3] =	sbarrier.arrive $0xFFFF  }
0x14a: {  	_ =	shalt  }

// kernel: kernel.9.cloned.1.call-start
scs
__scs_entry_jumppad:
0x0: {  	(pc) =	sbr.rel $0x88, $3  }
0x1: {  	(tag) =	ssettag $0x0;
	lr =	simm.s32 $0x1  }
0x2: {  	[smem:$0x3F9E] =	sst lr;
	_ =	strace $0xD0000000  }
0x3: {  	_ = 	snop  }
0x4: {  	_ = 	snop  }
0x5: {  	_ = 	snop  }
0x6: {  	_ = 	snop  }
0x7: {  	_ = 	snop  }
__scs_overlays_trampoline_lowered:
0x8: {  	[smem:$0x3FAD] =	sst s0  }
0x9: {  	[smem:$0x3FAE] =	sst s1  }
0xa: {  	[smem:$0x3FAF] =	sst s2  }
0xb: {  	[smem:$0x3FB0] =	sst s3  }
0xc: {  	[smem:$0x3FB1] =	sst s4  }
0xd: {  	[smem:$0x3FB2] =	sst s5  }
0xe: {  	[smem:$0x3FB3] =	sst s6  }
0xf: {  	[smem:$0x3FB4] =	sst s7  }
0x10: {  	[smem:$0x3FB5] =	sst s8  }
0x11: {  	[smem:$0x3FB6] =	sst s9;
	s0 =	simm.s32 @!p0 $0x0  }
0x12: {  	s1 =	sld [smem:$0x3F9C];
	s0 =	simm.s32 @p0 $0x1  }
0x13: {  	[smem:$0x3FB7] =	sst s0;
	s0 =	simm.s32 @!p1 $0x0  }
0x14: {  	s2 =	sld [smem:$0x3F9B];
	s0 =	simm.s32 @p1 $0x1  }
0x15: {  	[smem:$0x3FB8] =	sst s0;
	s0 =	simm.s32 @!p2 $0x0  }
0x16: {  	s3 =	sld [smem:$0x3FDB];
	s0 =	simm.s32 @p2 $0x1  }
0x17: {  	s4 =	simm.s32 $0x1BF5;
	[smem:$0x3FBA] =	sst s0  }
0x18: {  	s0 =	sld [smem:$0x3F9D];
	_ =	swait.ge [sflag:s4], $0x0  }
0x19: {  	s7 =	sld [smem:$0x3F9E]  }
0x1a: {  	s8 =	sadd.s32 $0xFFFFE003, lr  }
0x1b: {  	s9 =	sadd.s32 $0xFFFFFEF7, lr;
	s5 =	simm.s32 $0xFFFFFFFF;
	p2 =	slt.u32 s8, $0xFFFFF086  }
0x1c: {  	p1 =	slt.u32 s9, $0xF7A;
	s5 =	simm.s32 @!p2 $0x0  }
0x1d: {  	s5 =	simm.s32 @p1 $0x1;
	p0 =	seq.s32 s7, s2  }
0x1e: {  	s7 =	smul.u32 @!p0 $0xF7A, s2;
	p2 =	seq.s32 @!p0 s5, $0x0  }
0x1f: {  	s9 =	smul.u32 $0xF7A, s1;
	s8 =	simm.s32 @!p0 $0x1BF5;
	p2 =	por !p2, p0  }
0x20: {  	[sflag:s8] =	ssyncset.s32 @!p0 $0xFFFFF086;
	s6 =	sadd.s32 @!p0 s3, s7;
	s7 =	simm.s32 @!p0 $0x108  }
0x21: {  	s3 =	sadd.s32 s3, s9;
	s6 =	sadd.s32 @!p0 $0x88, s6;
	s7 =	simm.s32 @p2 $0x1082  }
0x22: {  	[simem:s7], [sflag:s8] =	dma.local @!p0 [hbm:s6], $0xF7A  }
0x23: {  	s9 =	sor.u32 $0xD0000000, s2;
	s6 =	simm.s32 $0x108;
	_ =	swait.ge @!p0 [sflag:s8], $0x0  }
0x24: {  	s3 =	sadd.s32 $0x88, s3;
	s6 =	simm.s32 @!p1 $0x1082;
	[sflag:s4] =	ssyncset.s32 $0xFFFFF086  }
0x25: {  	[simem:s6], [sflag:s4] =	dma.local [hbm:s3], $0xF7A  }
0x26: {  	[smem:$0x3F9E] =	sst s1;
	(tag) =	ssettag s2;
	_ =	strace s9  }
0x27: {  	s1 =	sld [smem:$0x3FAE]  }
0x28: {  	s2 =	sld [smem:$0x3FAF]  }
0x29: {  	s4 =	sld [smem:$0x3FB1]  }
0x2a: {  	p0 =	seq.s32 s5, $0x0;
	s5 =	sld [smem:$0x3FB2]  }
0x2b: {  	s6 =	sld [smem:$0x3FB3]  }
0x2c: {  	s7 =	sld [smem:$0x3FB4]  }
0x2d: {  	s3 =	simm.s32 $0x108;
	s8 =	sld [smem:$0x3FB5]  }
0x2e: {  	s3 =	simm.s32 @!p0 $0x1082;
	s9 =	sld [smem:$0x3FB6]  }
0x2f: {  	lr =	sadd.s32 s0, s3;
	s0 =	sld [smem:$0x3FAD]  }
0x30: {  	s3 =	sld [smem:$0x3FB0]  }
0x31: {  	[smem:$0x3FB9] =	sst s10  }
0x32: {  	s10 =	sld [smem:$0x3FB7];
	_ =	sdelay $0x3  }
0x33: {  	p0 =	seq.s32 s10, $0x1;
	s10 =	sld [smem:$0x3FB9];
	_ =	sdelay $0x3  }
0x34: {  	[smem:$0x3FB9] =	sst s10  }
0x35: {  	s10 =	sld [smem:$0x3FB8];
	_ =	sdelay $0x3  }
0x36: {  	p1 =	seq.s32 s10, $0x1;
	s10 =	sld [smem:$0x3FB9];
	_ =	sdelay $0x3  }
0x37: {  	[smem:$0x3FB9] =	sst s10  }
0x38: {  	s10 =	sld [smem:$0x3FBA]  }
0x39: {  	_ = 	snop;
	(pc) =	sbr.ind lr, $3  }
0x3a: {  	_ = 	snop  }
0x3b: {  	_ = 	snop  }
0x3c: {  	p2 =	seq.s32 s10, $0x1;
	s10 =	sld [smem:$0x3FB9]  }
0x3d: {  	_ =	shalt  }
0x3e: {  	_ =	shalt  }
0x3f: {  	_ =	shalt  }
0x40: {  	_ =	shalt  }
0x41: {  	_ =	shalt  }
0x42: {  	_ =	shalt  }
0x43: {  	_ =	shalt  }
0x44: {  	_ =	shalt  }
0x45: {  	_ =	shalt  }
0x46: {  	_ =	shalt  }
0x47: {  	_ =	shalt  }
0x48: {  	_ =	shalt  }
0x49: {  	_ =	shalt  }
0x4a: {  	_ =	shalt  }
0x4b: {  	_ =	shalt  }
0x4c: {  	_ =	shalt  }
0x4d: {  	_ =	shalt  }
0x4e: {  	_ =	shalt  }
0x4f: {  	_ =	shalt  }
0x50: {  	_ =	shalt  }
0x51: {  	_ =	shalt  }
0x52: {  	_ =	shalt  }
0x53: {  	_ =	shalt  }
0x54: {  	_ =	shalt  }
0x55: {  	_ =	shalt  }
0x56: {  	_ =	shalt  }
0x57: {  	_ =	shalt  }
0x58: {  	_ =	shalt  }
0x59: {  	_ =	shalt  }
0x5a: {  	_ =	shalt  }
0x5b: {  	_ =	shalt  }
0x5c: {  	_ =	shalt  }
0x5d: {  	_ =	shalt  }
0x5e: {  	_ =	shalt  }
0x5f: {  	_ =	shalt  }
0x60: {  	_ =	shalt  }
0x61: {  	_ =	shalt  }
0x62: {  	_ =	shalt  }
0x63: {  	_ =	shalt  }
0x64: {  	_ =	shalt  }
0x65: {  	_ =	shalt  }
0x66: {  	_ =	shalt  }
0x67: {  	_ =	shalt  }
0x68: {  	_ =	shalt  }
0x69: {  	_ =	shalt  }
0x6a: {  	_ =	shalt  }
0x6b: {  	_ =	shalt  }
0x6c: {  	_ =	shalt  }
0x6d: {  	_ =	shalt  }
0x6e: {  	_ =	shalt  }
0x6f: {  	_ =	shalt  }
0x70: {  	_ =	shalt  }
0x71: {  	_ =	shalt  }
0x72: {  	_ =	shalt  }
0x73: {  	_ =	shalt  }
0x74: {  	_ =	shalt  }
0x75: {  	_ =	shalt  }
0x76: {  	_ =	shalt  }
0x77: {  	_ =	shalt  }
0x78: {  	_ =	shalt  }
0x79: {  	_ =	shalt  }
0x7a: {  	_ =	shalt  }
0x7b: {  	_ =	shalt  }
0x7c: {  	_ =	shalt  }
0x7d: {  	_ =	shalt  }
0x7e: {  	_ =	shalt  }
0x7f: {  	_ =	shalt  }
0x80: {  	_ =	shalt  }
0x81: {  	_ =	shalt  }
0x82: {  	_ =	shalt  }
0x83: {  	_ =	shalt  }
0x84: {  	_ =	shalt  }
0x85: {  	_ =	shalt  }
0x86: {  	_ =	shalt  }
0x87: {  	_ =	shalt  }
.Lfunc_end0:
.L_simem_size_0:
called_computation.1_lowered:
.L_overlay_start_0:
0x88: {  	s2 =	sld [smem:$0x3FD9]  }
0x89: {  	s3 =	sld [smem:$0x3FFE];
	_ =	sdelay $0x1  }
0x8a: {  	s1 =	srdreg.scid  }
0x8b: {  	s0 =	sand.u32 $0x1, s1  }
0x8c: {  	s17 =	sshll.u32 s0, $0xA;
	s2 =	sadd.s32 s3, s2  }
0x8d: {  	s2 =	sadd.s32 s2, s17  }
0x8e: {  	[smem:$0x3FC5] =	sst s2  }
0x8f: {  	_ = 	snop  }
0x90: {  	s18 =	sld [smem:$0x3FC7];
	(tm) =	ssettm $0x1  }
0x91: {  	s19 =	sld [smem:$0x3FFB];
	_ =	sdelay $0x3  }
0x92: {  	_ =	strace s19  }
0x93: {  	s2 =	sld [smem:$0x3FFC];
	_ =	sdelay $0x3  }
0x94: {  	_ =	strace s2  }
0x95: {  	s2 =	sld [smem:$0x3FFD];
	_ =	sdelay $0x3  }
0x96: {  	_ =	strace s2  }
0x97: {  	_ =	strace $0x8FFFFFFF  }
0x98: {  	s20 =	sld [smem:$0x3FDB];
	_ =	sdelay $0x1  }
0x99: {  	s4 =	simm.s32 $_scs_section_size  }
0x9a: {  	s5 =	simm.s32 $_size__tile_overlayer_lowered;
	s6 =	simm.s32 $_tile_overlayer_lowered  }
0x9b: {  	s7 =	simm.s32 $0x1BFF;
	s21 =	sshll.u32 s6, $0x1;
	s4 =	sadd.s32 s4, s20  }
0x9c: {  	s22 =	simm.s32 $0x0;
	s5 =	sshll.u32 s5, $0x1;
	s6 =	sadd.s32 s21, s4  }
0x9d: {  	[timem:s22], [sflag:s7] =	dma.local [hbm:s6], s5  }
0x9e: {  	_ =	swait.ge [sflag:s7], s5  }
0x9f: {  	s5 =	ssub.s32 $0x0, s5;
	[sflag:s7] =	ssyncset.done $0x0  }
0xa0: {  	[sflag:s7] =	ssyncadd.s32 s5;
	_ =	sdelay $0x1  }
0xa1: {  	s23 =	simm.s32 $0x1B8B  }
0xa2: {  	_ =	swait.ge [sflag:s23], $0x1  }
0xa3: {  	[sflag:s23] =	ssyncset.done $0x0  }
0xa4: {  	[sflag:s23] =	ssyncadd.s32 $0xFFFFFFFF  }
0xa5: {  	s5 =	sld [smem:$0x0]  }
0xa6: {  	s6 =	sand.u32 $0xFFFFFFFE, s1  }
0xa7: {  	p0 =	sne.s32 s1, s6  }
0xa8: {  	s6 =	sshll.u32 @p0 s6, $0xE  }
0xa9: {  	s6 =	sadd.s32 @p0 $0x11B8D, s6;
	s7 =	sshll.u32 @p0 s5, $0x11  }
0xaa: {  	s6 =	sor.u32 @p0 s7, s6  }
0xab: {  	[sflag:s6] =	ssyncadd.remote.s32 @p0 $0x1;
	_ =	sdelay $0x1  }
0xac: {  	s6 =	simm.s32 @p0 $0x1B8D  }
0xad: {  	_ =	swait.eq @p0 [sflag:s6], $0x1  }
0xae: {  	[sflag:s6] =	ssyncadd.s32 @p0 $0xFFFFFFFF  }
0xaf: {  	s7 =	sshll.u32 @!p0 s1, $0xE  }
0xb0: {  	s7 =	sor.u32 @!p0 $0x4000, s7;
	s6 =	simm.s32 @!p0 $0x1B8D  }
0xb1: {  	s5 =	sshll.u32 @!p0 s5, $0x11;
	s7 =	sadd.s32 @!p0 $0x11B8D, s7;
	_ =	swait.eq @!p0 [sflag:s6], $0x1  }
0xb2: {  	s5 =	sor.u32 @!p0 s5, s7;
	[sflag:s6] =	ssyncadd.s32 @!p0 $0xFFFFFFFF  }
0xb3: {  	s25 =	simm.s32 $0x1B8E;
	s24 =	sld [smem:$0x3FFE];
	[sflag:s5] =	ssyncadd.remote.s32 @!p0 $0x1  }
0xb4: {  	s26 =	simm.s32 $execute0_lowered;
	[smem:$0x3FD2] =	sst s25  }
0xb5: {  	s6 =	sshll.u32 s26, $0x1;
	_ =	strace $0x80000049;
	[dreg:$0x1] =	wrdreg $0xFFFFFFFF  }
0xb6: {  	s28 =	simm.s32 $_size_execute0_lowered;
	s4 =	sadd.s32 s4, s6;
	[dreg:$0x0] =	wrdreg $0x0  }
0xb7: {  	s6 =	sshll.u32 s28, $0x1;
	[dreg:$0x2] =	wrdreg s4  }
0xb8: {  	[dreg:$0x3] =	wrdreg s6  }
0xb9: {  	[dreg:$0x4] =	wrdreg $0xC0  }
0xba: {  	_ =	task [dreg:s22], $0x5FFFF  }
0xbb: {  	[dreg:$0x1] =	wrdreg $0xFFFFFFFF  }
0xbc: {  	[dreg:$0x0] =	wrdreg $0x60  }
0xbd: {  	[dreg:$0x2] =	wrdreg s18  }
0xbe: {  	[dreg:$0x3] =	wrdreg s24  }
0xbf: {  	[dreg:$0x4] =	wrdreg $0xA  }
0xc0: {  	_ =	task.clear_ibuf [dreg:s22], $0x5FFFF;
	_ =	strace $0x90000049  }
0xc1: {  	s29 =	simm.s32 $0xA;
	_ =	strace $0x8000004B  }
0xc2: {  	_ =	swait.ge [sflag:s29], $0x1  }
0xc3: {  	[sflag:s29] =	ssyncadd.s32 $0xFFFFFFFF  }
0xc4: {  	_ =	strace $0x9000004B  }
0xc5: {  	_ =	sfence  }
0xc6: {  	s30 =	sld [smem:$0x0];
	_ =	sdelay $0x2  }
0xc7: {  	s31 =	sshll.u32 s1, $0xD;
	s1 =	sshrl.u32 s1, $0x2  }
0xc8: {  	s4 =	sand.u32 $0x4000, s31;
	s1 =	sadd.s32 s1, s30  }
0xc9: {  	s0 =	sor.u32 s4, s0;
	s1 =	sshll.u32 s1, $0x11  }
0xca: {  	s0 =	sor.u32 s1, s0  }
0xcb: {  	s0 =	sadd.s32 $0x8F2B, s0  }
0xcc: {  	[sflag:s0] =	ssyncadd.remote.s32 $0x1  }
0xcd: {  	_ =	sfence.sel $0xFFFF  }
0xce: {  	[dreg:$0x0] =	wrdreg $0xFFFFFFFF;
	(pc) =	sbr.abs _section_cstart, $3  }
0xcf: {  	[dreg:$0x1] =	wrdreg $0xFFFFFFFF  }
0xd0: {  	_ =	task.clear_ibuf [dreg:s22], $0x2FFFF;
	_ =	strace $0x9FFFFFFF  }
0xd1: {  	(tm) =	ssettm $0x7FFFFFFF  }
tec
execute0_lowered:
.L_overlay_start_1:
0x0: {  	(tag) =	ssettag $0x1  }
0x1: {  	s1 =	rddreg [dreg:$0x0]  }
0x2: {  	s0 =	rddreg [dreg:$0x1]  }
0x3: {  	s3 =	simm.s32 $0x0;
	s2 =	srdreg.scid;
	s4 =	stileid.u32  }
0x4: {  	s7 =	simm.s32 $0xD;
	s8 =	simm.s32 $0x400;
	s9 =	simm.s32 $0x7A1400  }
0x5: {  	s12 =	simm.s32 $0x4080;
	s13 =	simm.s32 $0x6080;
	s14 =	simm.s32 $0x8080  }
0x6: {  	s15 =	simm.s32 $0xA080;
	s16 =	simm.s32 $0xC080;
	s17 =	simm.s32 $0xE080  }
0x7: {  	s18 =	simm.s32 $0x10080;
	s19 =	simm.s32 $0x12080;
	s20 =	simm.s32 $0x14080  }
0x8: {  	s21 =	simm.s32 $0x16080;
	s22 =	simm.s32 $0x18080;
	s23 =	simm.s32 $0x0  }
0x9: {  	[smem:$0x7FF] =	sst s3;
	s2 =	sand.u32 $0x1, s2;
	s4 =	sshll.u32 s4, $0x1  }
0xa: {  	v0 =	vlaneseq.u32;
	_ =	strace $0x8000004A;
	s4 =	sor.u32 s2, s4;
	s2 =	ssub.s32 $0x2, s2  }
0xb: {  	v0 =	vmul.u32 $0x80, v0;
	s5 =	sshll.u32 s4, $0x3;
	s4 =	sshll.u32 s4, $0xA;
	s31 =	sshrl.u32 s2, $0x1  }
0xc: {  	s5 =	sadd.s32 s5, s0;
	s0 =	sadd.s32 s4, s0;
	s2 =	ssub.s32 s2, s31  }
0xd: {  	v1 =	vor.u32 $0x800, v0;
	v2 =	vor.u32 $0x1000, v0;
	v3 =	vor.u32 $0x1800, v0;
	s4 =	sadd.s32 $0x1000, s5;
	s5 =	sadd.s32 $0x1200, s0;
	s6 =	smax.u32 s2, $0x1  }
.LBB2_1:
0xe: {  	[tilespmem:s3], [sflag:$0xD] =	stream.linear.gather [hbm4b:s4+s3], $0x40, $0x38;
	[tilespmem:$0x1A080] =	vst v63  }
0xf: {  	_ =	swait.ge [sflag:s7], $0x40  }
0x10: {  	[sflag:s7] =	ssyncset.done $0x0  }
0x11: {  	[sflag:s7] =	ssyncadd.s32 $0xFFFFFFC0  }
0x12: {  	v4 =	vld [tilespmem:$0x0];
	_ =	sdelay $0x4  }
0x13: {  	(v2sf) =	vpush v4, $0x0;
	_ =	sdelay $0xe  }
0x14: {  	s0 =	spop (v2sf)  }
0x15: {  	s2 =	sand.u32 $0x7F, s0  }
0x16: {  	s24 =	sshra.s32 s0, $0x1F;
	p0 =	slt.s32 s0, $0x1;
	p1 =	sne.s32 s2, $0x0  }
0x17: {  	s26 =	sshrl.u32 s24, $0x19;
	p0 =	por !p0, !p1  }
0x18: {  	s2 =	simm.s32 $0x1;
	s0 =	sadd.s32 s26, s0;
	p0 =	por !p0, !p0  }
0x19: {  	s0 =	sshrl.u32 s0, $0x7;
	s2 =	simm.s32 @!p0 $0x0  }
0x1a: {  	s0 =	ssub.s32 s0, s2  }
0x1b: {  	s0 =	sshll.u32 s0, $0x7  }
0x1c: {  	s0 =	sand.u32 $0x1FFFFF80, s0  }
0x1d: {  	s10 =	simm.s32 $0x80;
	s0 =	sadd.s32 s1, s0  }
0x1e: {  	[tilespmem:s10], [sflag:$0x1] =	stream.strided.gather [hbm4b:s0+s8], $0x2000, s9, s8, $0x38;
	[tilespmem:$0x1A080] =	vst v63  }
0x1f: {  	v4 =	vld [tilespmem:$0x1];
	_ =	sdelay $0x4  }
0x20: {  	(v2sf) =	vpush v4, $0x0;
	_ =	sdelay $0xe  }
0x21: {  	s11 =	spop (v2sf)  }
0x22: {  	s24 =	sand.u32 $0x7F, s11  }
0x23: {  	s25 =	sshra.s32 s11, $0x1F;
	p3 =	slt.s32 s11, $0x1;
	p4 =	sne.s32 s24, $0x0  }
0x24: {  	s26 =	sshrl.u32 s25, $0x19;
	p0 =	por !p3, !p4  }
0x25: {  	s2 =	simm.s32 $0x1;
	s0 =	sadd.s32 s26, s11;
	p0 =	por !p0, !p0  }
0x26: {  	s0 =	sshrl.u32 s0, $0x7;
	s2 =	simm.s32 @!p0 $0x0  }
0x27: {  	s0 =	ssub.s32 s0, s2  }
0x28: {  	s0 =	sshll.u32 s0, $0x7  }
0x29: {  	s0 =	sand.u32 $0x1FFFFF80, s0  }
0x2a: {  	s10 =	simm.s32 $0x2080;
	s0 =	sadd.s32 s1, s0  }
0x2b: {  	[tilespmem:s10], [sflag:$0x2] =	stream.strided.gather [hbm4b:s0+s8], $0x2000, s9, s8, $0x38;
	[tilespmem:$0x1A080] =	vst v63  }
0x2c: {  	v4 =	vld [tilespmem:$0x2];
	_ =	sdelay $0x4  }
0x2d: {  	(v2sf) =	vpush v4, $0x0;
	_ =	sdelay $0xe  }
0x2e: {  	s11 =	spop (v2sf)  }
0x2f: {  	s25 =	sand.u32 $0x7F, s11  }
0x30: {  	s26 =	sshra.s32 s11, $0x1F;
	p5 =	slt.s32 s11, $0x1;
	p6 =	sne.s32 s25, $0x0  }
0x31: {  	s10 =	sshrl.u32 s26, $0x19;
	p0 =	por !p5, !p6  }
0x32: {  	s2 =	simm.s32 $0x1;
	s0 =	sadd.s32 s10, s11;
	p0 =	por !p0, !p0  }
0x33: {  	s0 =	sshrl.u32 s0, $0x7;
	s2 =	simm.s32 @!p0 $0x0  }
0x34: {  	s0 =	ssub.s32 s0, s2  }
0x35: {  	s0 =	sshll.u32 s0, $0x7  }
0x36: {  	s0 =	sand.u32 $0x1FFFFF80, s0  }
0x37: {  	s0 =	sadd.s32 s1, s0  }
0x38: {  	[tilespmem:s12], [sflag:$0x3] =	stream.strided.gather [hbm4b:s0+s8], $0x2000, s9, s8, $0x38;
	[tilespmem:$0x1A080] =	vst v63  }
0x39: {  	v4 =	vld [tilespmem:$0x3];
	_ =	sdelay $0x4  }
0x3a: {  	(v2sf) =	vpush v4, $0x0;
	_ =	sdelay $0xe  }
0x3b: {  	s11 =	spop (v2sf)  }
0x3c: {  	s25 =	sand.u32 $0x7F, s11  }
0x3d: {  	s26 =	sshra.s32 s11, $0x1F;
	p1 =	slt.s32 s11, $0x1;
	p2 =	sne.s32 s25, $0x0  }
0x3e: {  	s10 =	sshrl.u32 s26, $0x19;
	p0 =	por !p1, !p2  }
0x3f: {  	s2 =	simm.s32 $0x1;
	s0 =	sadd.s32 s10, s11;
	p0 =	por !p0, !p0  }
0x40: {  	s0 =	sshrl.u32 s0, $0x7;
	s2 =	simm.s32 @!p0 $0x0  }
0x41: {  	s0 =	ssub.s32 s0, s2  }
0x42: {  	s0 =	sshll.u32 s0, $0x7  }
0x43: {  	s0 =	sand.u32 $0x1FFFFF80, s0  }
0x44: {  	s0 =	sadd.s32 s1, s0  }
0x45: {  	[tilespmem:s13], [sflag:$0x4] =	stream.strided.gather [hbm4b:s0+s8], $0x2000, s9, s8, $0x38;
	[tilespmem:$0x1A080] =	vst v63  }
0x46: {  	v4 =	vld [tilespmem:$0x4];
	_ =	sdelay $0x4  }
0x47: {  	(v2sf) =	vpush v4, $0x0;
	_ =	sdelay $0xe  }
0x48: {  	s11 =	spop (v2sf)  }
0x49: {  	s25 =	sand.u32 $0x7F, s11  }
0x4a: {  	s26 =	sshra.s32 s11, $0x1F;
	p3 =	slt.s32 s11, $0x1;
	p4 =	sne.s32 s25, $0x0  }
0x4b: {  	s10 =	sshrl.u32 s26, $0x19;
	p0 =	por !p3, !p4  }
0x4c: {  	s2 =	simm.s32 $0x1;
	s0 =	sadd.s32 s10, s11;
	p0 =	por !p0, !p0  }
0x4d: {  	s0 =	sshrl.u32 s0, $0x7;
	s2 =	simm.s32 @!p0 $0x0  }
0x4e: {  	s0 =	ssub.s32 s0, s2  }
0x4f: {  	s0 =	sshll.u32 s0, $0x7  }
0x50: {  	s0 =	sand.u32 $0x1FFFFF80, s0  }
0x51: {  	s0 =	sadd.s32 s1, s0  }
0x52: {  	[tilespmem:s14], [sflag:$0x5] =	stream.strided.gather [hbm4b:s0+s8], $0x2000, s9, s8, $0x38;
	[tilespmem:$0x1A080] =	vst v63  }
0x53: {  	v4 =	vld [tilespmem:$0x5];
	_ =	sdelay $0x4  }
0x54: {  	(v2sf) =	vpush v4, $0x0;
	_ =	sdelay $0xe  }
0x55: {  	s11 =	spop (v2sf)  }
0x56: {  	s25 =	sand.u32 $0x7F, s11  }
0x57: {  	s26 =	sshra.s32 s11, $0x1F;
	p5 =	slt.s32 s11, $0x1;
	p6 =	sne.s32 s25, $0x0  }
0x58: {  	s10 =	sshrl.u32 s26, $0x19;
	p0 =	por !p5, !p6  }
0x59: {  	s2 =	simm.s32 $0x1;
	s0 =	sadd.s32 s10, s11;
	p0 =	por !p0, !p0  }
0x5a: {  	s0 =	sshrl.u32 s0, $0x7;
	s2 =	simm.s32 @!p0 $0x0  }
0x5b: {  	s0 =	ssub.s32 s0, s2  }
0x5c: {  	s0 =	sshll.u32 s0, $0x7  }
0x5d: {  	s0 =	sand.u32 $0x1FFFFF80, s0  }
0x5e: {  	s0 =	sadd.s32 s1, s0  }
0x5f: {  	[tilespmem:s15], [sflag:$0x6] =	stream.strided.gather [hbm4b:s0+s8], $0x2000, s9, s8, $0x38;
	[tilespmem:$0x1A080] =	vst v63  }
0x60: {  	v4 =	vld [tilespmem:$0x6];
	_ =	sdelay $0x4  }
0x61: {  	(v2sf) =	vpush v4, $0x0;
	_ =	sdelay $0xe  }
0x62: {  	s11 =	spop (v2sf)  }
0x63: {  	s25 =	sand.u32 $0x7F, s11  }
0x64: {  	s26 =	sshra.s32 s11, $0x1F;
	p1 =	slt.s32 s11, $0x1;
	p2 =	sne.s32 s25, $0x0  }
0x65: {  	s10 =	sshrl.u32 s26, $0x19;
	p0 =	por !p1, !p2  }
0x66: {  	s2 =	simm.s32 $0x1;
	s0 =	sadd.s32 s10, s11;
	p0 =	por !p0, !p0  }
0x67: {  	s0 =	sshrl.u32 s0, $0x7;
	s2 =	simm.s32 @!p0 $0x0  }
0x68: {  	s0 =	ssub.s32 s0, s2  }
0x69: {  	s0 =	sshll.u32 s0, $0x7  }
0x6a: {  	s0 =	sand.u32 $0x1FFFFF80, s0  }
0x6b: {  	s0 =	sadd.s32 s1, s0  }
0x6c: {  	[tilespmem:s16], [sflag:$0x7] =	stream.strided.gather [hbm4b:s0+s8], $0x2000, s9, s8, $0x38;
	[tilespmem:$0x1A080] =	vst v63  }
0x6d: {  	v4 =	vld [tilespmem:$0x7];
	_ =	sdelay $0x4  }
0x6e: {  	(v2sf) =	vpush v4, $0x0;
	_ =	sdelay $0xe  }
0x6f: {  	s11 =	spop (v2sf)  }
0x70: {  	s25 =	sand.u32 $0x7F, s11  }
0x71: {  	s26 =	sshra.s32 s11, $0x1F;
	p3 =	slt.s32 s11, $0x1;
	p4 =	sne.s32 s25, $0x0  }
0x72: {  	s10 =	sshrl.u32 s26, $0x19;
	p0 =	por !p3, !p4  }
0x73: {  	s2 =	simm.s32 $0x1;
	s0 =	sadd.s32 s10, s11;
	p0 =	por !p0, !p0  }
0x74: {  	s0 =	sshrl.u32 s0, $0x7;
	s2 =	simm.s32 @!p0 $0x0  }
0x75: {  	s0 =	ssub.s32 s0, s2  }
0x76: {  	s0 =	sshll.u32 s0, $0x7  }
0x77: {  	s0 =	sand.u32 $0x1FFFFF80, s0  }
0x78: {  	s0 =	sadd.s32 s1, s0  }
0x79: {  	[tilespmem:s17], [sflag:$0x8] =	stream.strided.gather [hbm4b:s0+s8], $0x2000, s9, s8, $0x38;
	[tilespmem:$0x1A080] =	vst v63  }
0x7a: {  	v4 =	vld [tilespmem:$0x8];
	_ =	sdelay $0x4  }
0x7b: {  	(v2sf) =	vpush v4, $0x0;
	_ =	sdelay $0xe  }
0x7c: {  	s11 =	spop (v2sf)  }
0x7d: {  	s25 =	sand.u32 $0x7F, s11  }
0x7e: {  	s26 =	sshra.s32 s11, $0x1F;
	p5 =	slt.s32 s11, $0x1;
	p6 =	sne.s32 s25, $0x0  }
0x7f: {  	s10 =	sshrl.u32 s26, $0x19;
	p0 =	por !p5, !p6  }
0x80: {  	s2 =	simm.s32 $0x1;
	s0 =	sadd.s32 s10, s11;
	p0 =	por !p0, !p0  }
0x81: {  	s0 =	sshrl.u32 s0, $0x7;
	s2 =	simm.s32 @!p0 $0x0  }
0x82: {  	s0 =	ssub.s32 s0, s2  }
0x83: {  	s0 =	sshll.u32 s0, $0x7  }
0x84: {  	s0 =	sand.u32 $0x1FFFFF80, s0  }
0x85: {  	s0 =	sadd.s32 s1, s0  }
0x86: {  	[tilespmem:s18], [sflag:$0x9] =	stream.strided.gather [hbm4b:s0+s8], $0x2000, s9, s8, $0x38;
	[tilespmem:$0x1A080] =	vst v63  }
0x87: {  	v4 =	vld [tilespmem:$0x9];
	_ =	sdelay $0x4  }
0x88: {  	(v2sf) =	vpush v4, $0x0;
	_ =	sdelay $0xe  }
0x89: {  	s11 =	spop (v2sf)  }
0x8a: {  	s25 =	sand.u32 $0x7F, s11  }
0x8b: {  	s26 =	sshra.s32 s11, $0x1F;
	p1 =	slt.s32 s11, $0x1;
	p2 =	sne.s32 s25, $0x0  }
0x8c: {  	s10 =	sshrl.u32 s26, $0x19;
	p0 =	por !p1, !p2  }
0x8d: {  	s2 =	simm.s32 $0x1;
	s0 =	sadd.s32 s10, s11;
	p0 =	por !p0, !p0  }
0x8e: {  	s0 =	sshrl.u32 s0, $0x7;
	s2 =	simm.s32 @!p0 $0x0  }
0x8f: {  	s0 =	ssub.s32 s0, s2  }
0x90: {  	s0 =	sshll.u32 s0, $0x7  }
0x91: {  	s0 =	sand.u32 $0x1FFFFF80, s0  }
0x92: {  	s0 =	sadd.s32 s1, s0  }
0x93: {  	[tilespmem:s19], [sflag:$0xA] =	stream.strided.gather [hbm4b:s0+s8], $0x2000, s9, s8, $0x38;
	[tilespmem:$0x1A080] =	vst v63  }
0x94: {  	v4 =	vld [tilespmem:$0xA];
	_ =	sdelay $0x4  }
0x95: {  	(v2sf) =	vpush v4, $0x0;
	_ =	sdelay $0xe  }
0x96: {  	s11 =	spop (v2sf)  }
0x97: {  	s25 =	sand.u32 $0x7F, s11  }
0x98: {  	s26 =	sshra.s32 s11, $0x1F;
	p3 =	slt.s32 s11, $0x1;
	p4 =	sne.s32 s25, $0x0  }
0x99: {  	s10 =	sshrl.u32 s26, $0x19;
	p0 =	por !p3, !p4  }
0x9a: {  	s2 =	simm.s32 $0x1;
	s0 =	sadd.s32 s10, s11;
	p0 =	por !p0, !p0  }
0x9b: {  	s0 =	sshrl.u32 s0, $0x7;
	s2 =	simm.s32 @!p0 $0x0  }
0x9c: {  	s0 =	ssub.s32 s0, s2  }
0x9d: {  	s0 =	sshll.u32 s0, $0x7  }
0x9e: {  	s0 =	sand.u32 $0x1FFFFF80, s0  }
0x9f: {  	s0 =	sadd.s32 s1, s0  }
0xa0: {  	[tilespmem:s20], [sflag:$0xB] =	stream.strided.gather [hbm4b:s0+s8], $0x2000, s9, s8, $0x38;
	[tilespmem:$0x1A080] =	vst v63  }
0xa1: {  	v4 =	vld [tilespmem:$0xB];
	_ =	sdelay $0x4  }
0xa2: {  	(v2sf) =	vpush v4, $0x0;
	_ =	sdelay $0xe  }
0xa3: {  	s11 =	spop (v2sf)  }
0xa4: {  	s25 =	sand.u32 $0x7F, s11;
	s26 =	sshra.s32 s11, $0x1F  }
0xa5: {  	p5 =	slt.s32 s11, $0x1;
	p6 =	sne.s32 s25, $0x0;
	s10 =	sshrl.u32 s26, $0x19  }
0xa6: {  	p0 =	por !p5, !p6;
	s0 =	sadd.s32 s10, s11;
	s11 =	smul.u32 $0xAB, s3  }
0xa7: {  	s2 =	simm.s32 $0x1;
	p0 =	por !p0, !p0  }
0xa8: {  	s0 =	sshrl.u32 s0, $0x7;
	s2 =	simm.s32 @!p0 $0x0;
	s24 =	sshrl.u32 s11, $0xB  }
0xa9: {  	s0 =	ssub.s32 s0, s2;
	s2 =	sand.u32 $0x1F, s24  }
0xaa: {  	s0 =	sshll.u32 s0, $0x7;
	s2 =	smul.u32 $0xC, s2  }
0xab: {  	s0 =	sand.u32 $0x1FFFFF80, s0  }
0xac: {  	s0 =	sadd.s32 s1, s0;
	s25 =	ssub.s32 $0x0, s2  }
0xad: {  	[tilespmem:s21], [sflag:$0xC] =	stream.strided.gather [hbm4b:s0+s8], $0x2000, s9, s8, $0x38;
	[tilespmem:$0x1A080] =	vst v63  }
0xae: {  	s0 =	sand.u32 $0xFF, s25  }
0xaf: {  	s26 =	sadd.s32 $0x1, s0  }
0xb0: {  	_ =	swait.ge [sflag:s26], $0x2000  }
0xb1: {  	[sflag:s26] =	ssyncset.done $0x0  }
0xb2: {  	s24 =	simm.s32 $0xC;
	[sflag:s26] =	ssyncadd.s32 $0xFFFFE000  }
0xb3: {  	v4 =	vld [tilespmem:s24+$0xFFFFFFF4];
	_ =	sdelay $0x4  }
0xb4: {  	(v2sf) =	vpush v4, $0x0;
	_ =	sdelay $0xe  }
0xb5: {  	s10 =	spop (v2sf)  }
0xb6: {  	s2 =	sand.u32 $0x7F, s10  }
0xb7: {  	v4 =	vor.u32 s2, v0  }
0xb8: {  	v5 =	vmov s3  }
0xb9: {  	v5 =	vand.u32 $0x7F, v5  }
0xba: {  	v5 =	vbroadcast v5, $0x0;
	s0 =	sshll.u32 s0, $0xD  }
0xbb: {  	s0 =	sor.u32 $0x80, s0  }
0xbc: {  	v6 =	vor.u32 v0, v5;
	v4 =	vld.idx.msk [tilespmem:v4+s0+$0x0], $0xffff  }
0xbd: {  	v7 =	vor.u32 s2, v1;
	_ =	sdelay $0x3  }
0xbe: {  	[tilespmem:v6+s22+$0x0] =	vst.idx.msk $0xffff, v4  }
0xbf: {  	v60 =	vor.u32 v1, v5;
	v4 =	vld.idx.msk [tilespmem:v7+s0+$0x0], $0xffff  }
0xc0: {  	v61 =	vor.u32 s2, v2;
	_ =	sdelay $0x3  }
0xc1: {  	[tilespmem:v60+s22+$0x0] =	vst.idx.msk $0xffff, v4  }
0xc2: {  	v62 =	vor.u32 v2, v5;
	v4 =	vld.idx.msk [tilespmem:v61+s0+$0x0], $0xffff  }
0xc3: {  	v63 =	vor.u32 s2, v3;
	_ =	sdelay $0x3  }
0xc4: {  	[tilespmem:v62+s22+$0x0] =	vst.idx.msk $0xffff, v4  }
0xc5: {  	v5 =	vor.u32 v3, v5;
	v4 =	vld.idx.msk [tilespmem:v63+s0+$0x0], $0xffff;
	_ =	sdelay $0x4  }
0xc6: {  	p1 =	por $0x0, $0x0;
	[tilespmem:v5+s22+$0x0] =	vst.idx.msk $0xffff, v4  }
0xc7: {  	v4 =	vld @!p1 [tilespmem:s24+$0x0];
	_ =	sdelay $0x4  }
0xc8: {  	(v2sf) =	vpush @!p1 v4, $0x0;
	_ =	sdelay $0x6  }
0xc9: {  	s0 =	simm.s32 @!p1 $0xC  }
0xca: {  	s0 =	smul.u32 @!p1 $0xAB, s0;
	_ =	sdelay $0x1  }
0xcb: {  	s0 =	sshrl.u32 @!p1 s0, $0xB  }
0xcc: {  	s0 =	sand.u32 @!p1 $0x1F, s0  }
0xcd: {  	s0 =	smul.u32 @!p1 $0xC, s0  }
0xce: {  	s24 =	simm.s32 $0x1  }
0xcf: {  	s0 =	ssub.s32 @!p1 $0xC, s0;
	s30 =	smul.u32 $0xAB, s24  }
0xd0: {  	s0 =	sand.u32 @!p1 $0xFF, s0;
	s2 =	spop @!p1 (v2sf)  }
0xd1: {  	s25 =	sshll.u32 @!p1 s0, $0xD;
	s30 =	sshrl.u32 s30, $0xB;
	s29 =	sand.u32 @!p1 $0x7F, s2  }
0xd2: {  	s11 =	sand.u32 $0x1F, s30;
	p0 =	slt.s32 @!p1 s2, $0x1;
	p2 =	sne.s32 @!p1 s29, $0x0  }
0xd3: {  	s28 =	sshra.s32 @!p1 s2, $0x1F;
	s29 =	sadd.s32 @!p1 $0x1, s0;
	p0 =	por @!p1 !p0, !p2  }
0xd4: {  	s0 =	sshrl.u32 @!p1 s28, $0x19;
	s28 =	simm.s32 @!p1 $0x1;
	p0 =	por @!p1 !p0, !p0  }
0xd5: {  	s0 =	sadd.s32 @!p1 s0, s2;
	s2 =	smul.u32 $0xC, s11;
	p0 =	por !p0, p1  }
0xd6: {  	s31 =	sor.u32 @!p1 $0x80, s25;
	s0 =	sshrl.u32 @!p1 s0, $0x7;
	s28 =	simm.s32 @p0 $0x0  }
0xd7: {  	s25 =	simm.s32 $0xD;
	s2 =	ssub.s32 $0x1, s2;
	s0 =	ssub.s32 @!p1 s0, s28  }
0xd8: {  	s30 =	sand.u32 $0xFF, s2;
	s2 =	simm.s32 @!p1 $0x400;
	s28 =	sshll.u32 @!p1 s0, $0x7  }
0xd9: {  	s26 =	simm.s32 $0x2;
	s0 =	simm.s32 @!p1 $0x7A1400;
	s28 =	sand.u32 @!p1 $0x1FFFFF80, s28  }
.LBB2_2:
0xda: {  	s10 =	sadd.s32 $0x1, s30  }
0xdb: {  	s11 =	sadd.s32 @!p1 s1, s28;
	s28 =	smov.u32 s26;
	s26 =	sadd.s32 $0x1, s26  }
0xdc: {  	[tilespmem:s31], [sflag:s29] =	stream.strided.gather @!p1 [hbm4b:s11+s2], $0x2000, s0, s2, $0x38;
	[tilespmem:$0x1A080] =	vst v63  }
0xdd: {  	p0 =	sne.s32 s26, $0x40;
	_ =	swait.ge [sflag:s10], $0x2000  }
0xde: {  	[sflag:s10] =	ssyncset.done $0x0  }
0xdf: {  	[sflag:s10] =	ssyncadd.s32 $0xFFFFE000  }
0xe0: {  	v4 =	vld [tilespmem:s25+$0xFFFFFFF4];
	_ =	sdelay $0x4  }
0xe1: {  	(v2sf) =	vpush v4, $0x0;
	_ =	sdelay $0xe  }
0xe2: {  	s0 =	spop (v2sf)  }
0xe3: {  	s0 =	sand.u32 $0x7F, s0  }
0xe4: {  	v4 =	vor.u32 s0, v0;
	_ =	sdelay $0x1  }
0xe5: {  	v5 =	vmov s24  }
0xe6: {  	s2 =	sshll.u32 s30, $0xD;
	v5 =	vand.u32 $0x7F, v5  }
0xe7: {  	s2 =	sor.u32 $0x80, s2;
	v5 =	vbroadcast v5, $0x0  }
0xe8: {  	v4 =	vld.idx.msk [tilespmem:v4+s2+$0x0], $0xffff  }
0xe9: {  	v6 =	vor.u32 v0, v5  }
0xea: {  	v7 =	vor.u32 s0, v1;
	_ =	sdelay $0x3  }
0xeb: {  	[tilespmem:v6+s22+$0x0] =	vst.idx.msk $0xffff, v4  }
0xec: {  	v4 =	vld.idx.msk [tilespmem:v7+s2+$0x0], $0xffff  }
0xed: {  	v6 =	vor.u32 v1, v5  }
0xee: {  	v7 =	vor.u32 s0, v2;
	_ =	sdelay $0x3  }
0xef: {  	[tilespmem:v6+s22+$0x0] =	vst.idx.msk $0xffff, v4  }
0xf0: {  	v4 =	vld.idx.msk [tilespmem:v7+s2+$0x0], $0xffff  }
0xf1: {  	v6 =	vor.u32 v2, v5  }
0xf2: {  	v7 =	vor.u32 s0, v3;
	_ =	sdelay $0x3  }
0xf3: {  	[tilespmem:v6+s22+$0x0] =	vst.idx.msk $0xffff, v4  }
0xf4: {  	v4 =	vld.idx.msk [tilespmem:v7+s2+$0x0], $0xffff  }
0xf5: {  	v5 =	vor.u32 v3, v5;
	_ =	sdelay $0x4  }
0xf6: {  	p1 =	sgt.u32 s24, $0x33;
	[tilespmem:v5+s22+$0x0] =	vst.idx.msk $0xffff, v4  }
0xf7: {  	s0 =	sadd.s32 @!p1 $0xC, s24;
	s24 =	smov.u32 s28;
	v4 =	vld @!p1 [tilespmem:s25+$0x0]  }
0xf8: {  	s2 =	smul.u32 @!p1 $0xAB, s0;
	_ =	sdelay $0x1  }
0xf9: {  	s2 =	sshrl.u32 @!p1 s2, $0xB  }
0xfa: {  	s2 =	sand.u32 @!p1 $0x1F, s2  }
0xfb: {  	s2 =	smul.u32 @!p1 $0xC, s2;
	(v2sf) =	vpush @!p1 v4, $0x0;
	_ =	sdelay $0x1  }
0xfc: {  	s0 =	ssub.s32 @!p1 s0, s2  }
0xfd: {  	s0 =	sand.u32 @!p1 $0xFF, s0  }
0xfe: {  	s2 =	sshll.u32 @!p1 s0, $0xD;
	s29 =	sadd.s32 @!p1 $0x1, s0  }
0xff: {  	s31 =	sor.u32 @!p1 $0x80, s2;
	_ =	sdelay $0x9  }
0x100: {  	s0 =	spop @!p1 (v2sf)  }
0x101: {  	s2 =	sshra.s32 @!p1 s0, $0x1F;
	s10 =	sand.u32 @!p1 $0x7F, s0  }
0x102: {  	s11 =	smul.u32 $0xAB, s24;
	p2 =	slt.s32 @!p1 s0, $0x1;
	p3 =	sne.s32 @!p1 s10, $0x0  }
0x103: {  	s2 =	sshrl.u32 @!p1 s2, $0x19;
	s10 =	simm.s32 @!p1 $0x1;
	p2 =	por @!p1 !p2, !p3  }
0x104: {  	s11 =	sshrl.u32 s11, $0xB;
	s0 =	sadd.s32 @!p1 s2, s0;
	p2 =	por @!p1 !p2, !p2  }
.Ltmp0:
0x105: {  	s2 =	sand.u32 $0x1F, s11;
	p2 =	por !p2, p1;
	(pc) =	sbr.rel @p0 .LBB2_2-.Ltmp0, $4  }
0x106: {  	s2 =	smul.u32 $0xC, s2;
	s0 =	sshrl.u32 @!p1 s0, $0x7;
	s10 =	simm.s32 @p2 $0x0  }
0x107: {  	s25 =	sadd.s32 $0x1, s25;
	s0 =	ssub.s32 @!p1 s0, s10  }
0x108: {  	s2 =	ssub.s32 s24, s2;
	s10 =	sshll.u32 @!p1 s0, $0x7;
	s0 =	simm.s32 @!p1 $0x7A1400  }
0x109: {  	s30 =	sand.u32 $0xFF, s2;
	s2 =	simm.s32 @!p1 $0x400;
	s28 =	sand.u32 @!p1 $0x1FFFFF80, s10  }
0x10a: {  	s10 =	sadd.s32 $0x1, s30;
	s11 =	sadd.s32 @!p1 s1, s28  }
0x10b: {  	[tilespmem:s31], [sflag:s29] =	stream.strided.gather @!p1 [hbm4b:s11+s2], $0x2000, s0, s2, $0x38;
	[tilespmem:$0x1A080] =	vst v63  }
0x10c: {  	_ =	swait.ge [sflag:s10], $0x2000  }
0x10d: {  	[sflag:s10] =	ssyncset.done $0x0  }
0x10e: {  	[sflag:s10] =	ssyncadd.s32 $0xFFFFE000  }
0x10f: {  	v4 =	vld [tilespmem:s25+$0xFFFFFFF4];
	_ =	sdelay $0x4  }
0x110: {  	(v2sf) =	vpush v4, $0x0;
	_ =	sdelay $0xe  }
0x111: {  	s29 =	spop (v2sf)  }
0x112: {  	s0 =	sand.u32 $0x7F, s29  }
0x113: {  	v4 =	vor.u32 s0, v0  }
0x114: {  	v5 =	vmov s24  }
0x115: {  	v5 =	vand.u32 $0x7F, v5  }
0x116: {  	s31 =	sshll.u32 s30, $0xD;
	v5 =	vbroadcast v5, $0x0  }
0x117: {  	s2 =	sor.u32 $0x80, s31  }
0x118: {  	v6 =	vor.u32 v0, v5;
	v4 =	vld.idx.msk [tilespmem:v4+s2+$0x0], $0xffff  }
0x119: {  	v7 =	vor.u32 s0, v1;
	_ =	sdelay $0x3  }
0x11a: {  	[tilespmem:v6+s22+$0x0] =	vst.idx.msk $0xffff, v4  }
0x11b: {  	v60 =	vor.u32 v1, v5;
	v4 =	vld.idx.msk [tilespmem:v7+s2+$0x0], $0xffff  }
0x11c: {  	v61 =	vor.u32 s0, v2;
	_ =	sdelay $0x3  }
0x11d: {  	[tilespmem:v60+s22+$0x0] =	vst.idx.msk $0xffff, v4  }
0x11e: {  	v62 =	vor.u32 v2, v5;
	v4 =	vld.idx.msk [tilespmem:v61+s2+$0x0], $0xffff  }
0x11f: {  	v63 =	vor.u32 s0, v3;
	_ =	sdelay $0x3  }
0x120: {  	[tilespmem:v62+s22+$0x0] =	vst.idx.msk $0xffff, v4  }
0x121: {  	v5 =	vor.u32 v3, v5;
	v4 =	vld.idx.msk [tilespmem:v63+s2+$0x0], $0xffff;
	_ =	sdelay $0x4  }
0x122: {  	p0 =	sgt.u32 s24, $0x33;
	[tilespmem:v5+s22+$0x0] =	vst.idx.msk $0xffff, v4  }
0x123: {  	v4 =	vld @!p0 [tilespmem:s25+$0x0];
	_ =	sdelay $0x4  }
0x124: {  	(v2sf) =	vpush @!p0 v4, $0x0;
	_ =	sdelay $0xd  }
0x125: {  	s0 =	sadd.s32 @!p0 $0xC, s24  }
0x126: {  	s2 =	smul.u32 @!p0 $0xAB, s0;
	s10 =	spop @!p0 (v2sf)  }
0x127: {  	s11 =	sand.u32 @!p0 $0x7F, s10  }
0x128: {  	s2 =	sshrl.u32 @!p0 s2, $0xB;
	p1 =	slt.s32 @!p0 s10, $0x1;
	p2 =	sne.s32 @!p0 s11, $0x0  }
0x129: {  	s2 =	sand.u32 @!p0 $0x1F, s2;
	s11 =	sshra.s32 @!p0 s10, $0x1F;
	p1 =	por @!p0 !p1, !p2  }
0x12a: {  	s2 =	smul.u32 @!p0 $0xC, s2;
	s11 =	sshrl.u32 @!p0 s11, $0x19;
	p1 =	por @!p0 !p1, !p1  }
0x12b: {  	s24 =	simm.s32 @!p0 $0x1;
	s10 =	sadd.s32 @!p0 s11, s10;
	p1 =	por !p1, p0  }
0x12c: {  	s0 =	ssub.s32 @!p0 s0, s2;
	s2 =	sshrl.u32 @!p0 s10, $0x7;
	s24 =	simm.s32 @p1 $0x0  }
0x12d: {  	s23 =	sadd.s32 $0x1, s23;
	s2 =	ssub.s32 @!p0 s2, s24  }
0x12e: {  	s0 =	sand.u32 @!p0 $0xFF, s0;
	s11 =	simm.s32 @!p0 $0x7A1400;
	s2 =	sshll.u32 @!p0 s2, $0x7  }
0x12f: {  	s10 =	sshll.u32 @!p0 s0, $0xD;
	s0 =	sadd.s32 @!p0 $0x1, s0;
	s2 =	sand.u32 @!p0 $0x1FFFFF80, s2  }
0x130: {  	s10 =	sor.u32 @!p0 $0x80, s10;
	s24 =	simm.s32 @!p0 $0x400;
	s2 =	sadd.s32 @!p0 s1, s2  }
0x131: {  	[tilespmem:s10], [sflag:s0] =	stream.strided.gather @!p0 [hbm4b:s2+s24], $0x2000, s11, s24, $0x38;
	[tilespmem:$0x1A080] =	vst v63  }
0x132: {  	p0 =	sne.s32 s23, s6  }
.Ltmp1:
0x133: {  	_ = 	snop;
	(pc) =	sbr.rel @p0 .LBB2_1-.Ltmp1, $4  }
0x134: {  	[hbm4b:s5+s3] =	stream.linear.scatter [tilespmem:s22], [sflag:$0xD], $0x2000, $0x38;
	[tilespmem:$0x1A080] =	vst v63  }
0x135: {  	_ =	swait.ge [sflag:s7], $0x2000  }
0x136: {  	[sflag:s7] =	ssyncset.done $0x0  }
0x137: {  	[sflag:s7] =	ssyncadd.s32 $0xFFFFE000  }
0x138: {  	_ =	sfence.sel $0x180000  }
0x139: {  	[bflag:$0x0] =	sbarrier.arrive $0xFFFF  }
0x13a: {  	_ =	strace $0x9000004A  }
0x13b: {  	s0 =	stileid.u32;
	[bflag:$0x2] =	sbarrier.arrive $0xFFFF  }
0x13c: {  	p0 =	sne.s32 s0, $0x0;
	s0 =	rddreg [dreg:$0x2]  }
0x13d: {  	s0 =	sadd.s32 @!p0 $0x100000, s0  }
0x13e: {  	[sflag:s0] =	ssyncadd.tile.s32 @!p0 $0x1;
	_ =	shalt  }
.Lfunc_end2:
_tile_overlayer_lowered:
.L_overlay_start_2:
0x13f: {  	(tag) =	ssettag $0x2  }
0x140: {  	s0 =	rddreg [dreg:$0x0];
	s2 =	stileid.u32  }
0x141: {  	s1 =	rddreg [dreg:$0x1];
	p0 =	sne.s32 s2, $0x0  }
0x142: {  	s3 =	rddreg [dreg:$0x2];
	[bflag:$0x3] =	sbarrier.arrive $0xFFFF;
	s2 =	simm.s32 @!p0 $0x1C0D  }
0x143: {  	[timem:s3], [sflag:s2] =	dma.local @!p0 [hbm:s0], s1  }
0x144: {  	s0 =	simm.s32 @!p0 $0xD  }
0x145: {  	_ =	swait.ge @!p0 [sflag:s0], s1  }
0x146: {  	s1 =	ssub.s32 @!p0 $0x0, s1;
	[sflag:s0] =	ssyncset.done @!p0 $0x0  }
0x147: {  	[sflag:s0] =	ssyncadd.s32 @!p0 s1  }
0x148: {  	[bflag:$0x3] =	sbarrier.arrive $0xFFFF  }
0x149: {  	_ =	shalt  }

</sc_bundles>
